<compile_context>
chip_gen: v7x
topology: tpu7x:2x2x1
jax: 0.10.2.dev20260603
libtpu: 0.0.44.dev20260713+nightly
codegen_flags: <defaults>
</compile_context>

<pallas_src>
import jax
import jax.numpy as jnp
from jax import lax
from jax.experimental import pallas as pl
from jax.experimental.pallas import tpu as pltpu
from jax.experimental.pallas import tpu_sc as plsc

N_EXP = 8
TOPK = 2
T = 2048
D = 768
H = 2 * D
BLK = 256
NB = 24
P = NB * BLK
NW = 32
TW = T // NW
CHUNK = 128
NSLOT = 2
NSPLIT = 1


def _router_body(x_ref, wr_ref, br_ref,
                 pos0_ref, pos1_ref, g0_ref, g1_ref, bexp_ref, nact_ref,
                 wslot_ref, wchg_ref, prefe_ref, dopref_ref, pslot_ref,
                 ntrans_ref, trans_ref):
    x = x_ref[...]
    logits = jnp.dot(x, wr_ref[...],
                     preferred_element_type=jnp.float32) + br_ref[...]
    iota_e = lax.broadcasted_iota(jnp.int32, (T, N_EXP), 1)

    m1 = jnp.max(logits, axis=1, keepdims=True)
    idx1 = jnp.min(jnp.where(logits == m1, iota_e, N_EXP), axis=1,
                   keepdims=True)
    sel1 = iota_e == idx1
    masked = jnp.where(sel1, -jnp.inf, logits)
    m2 = jnp.max(masked, axis=1, keepdims=True)
    idx2 = jnp.min(jnp.where(masked == m2, iota_e, N_EXP), axis=1,
                   keepdims=True)
    sel2 = iota_e == idx2

    e2 = jnp.exp(m2 - m1)
    den = 1.0 + e2
    g0 = 1.0 / den
    g1 = e2 / den

    oh = jnp.concatenate([sel1.astype(jnp.float32),
                          sel2.astype(jnp.float32)], axis=1)

    tri = (lax.broadcasted_iota(jnp.int32, (CHUNK, CHUNK), 0) >=
           lax.broadcasted_iota(jnp.int32, (CHUNK, CHUNK), 1)
           ).astype(jnp.float32)
    csum_parts = []
    carry = jnp.zeros((1, 2 * N_EXP), jnp.float32)
    for g in range(T // CHUNK):
        blk = oh[g * CHUNK:(g + 1) * CHUNK, :]
        cg = jnp.dot(tri, blk, preferred_element_type=jnp.float32) + carry
        carry = cg[CHUNK - 1:CHUNK, :]
        csum_parts.append(cg)
    csum = jnp.concatenate(csum_parts, axis=0)
    c0 = csum[:, :N_EXP]
    c1 = csum[:, N_EXP:]
    tot0 = carry[:, :N_EXP]
    tot1 = carry[:, N_EXP:]
    counts = tot0 + tot1

    nblk = jnp.ceil(counts * (1.0 / BLK))
    sut = (lax.broadcasted_iota(jnp.int32, (N_EXP, N_EXP), 0) <
           lax.broadcasted_iota(jnp.int32, (N_EXP, N_EXP), 1)
           ).astype(jnp.float32)
    bstart = jnp.dot(nblk, sut, preferred_element_type=jnp.float32)
    boff = bstart * float(BLK)

    base0 = jnp.sum(jnp.where(sel1, boff, 0.0), axis=1, keepdims=True)
    rank0 = jnp.sum(jnp.where(sel1, c0, 0.0), axis=1, keepdims=True) - 1.0
    base1 = jnp.sum(jnp.where(sel2, boff + tot0, 0.0), axis=1, keepdims=True)
    rank1 = jnp.sum(jnp.where(sel2, c1, 0.0), axis=1, keepdims=True) - 1.0
    pos0_ref[...] = (base0 + rank0).astype(jnp.int32)
    pos1_ref[...] = (base1 + rank1).astype(jnp.int32)

    g0_ref[...] = jnp.broadcast_to(g0, (T, 16))
    g1_ref[...] = jnp.broadcast_to(g1, (T, 16))

    bend = bstart + nblk
    iota_b = lax.broadcasted_iota(jnp.int32, (NB, N_EXP), 0).astype(jnp.float32)
    bexp = jnp.sum((bend <= iota_b + 0.5).astype(jnp.int32), axis=1,
                   keepdims=True)
    bexp_ref[...] = jnp.minimum(bexp, N_EXP - 1)
    nact_ref[...] = jnp.sum(nblk, axis=1, keepdims=True).astype(jnp.int32)

    active = nblk > 0.5
    iota_e_f = lax.broadcasted_iota(jnp.int32, (NB, N_EXP), 1).astype(jnp.float32)
    starts_here = active & (jnp.abs(bstart - iota_b) < 0.5)
    wchg_ref[...] = jnp.max(starts_here.astype(jnp.int32), axis=1,
                            keepdims=True)
    nstarted = jnp.sum((active & (bstart <= iota_b + 0.5)).astype(jnp.int32),
                       axis=1, keepdims=True)
    tidx = jnp.maximum(nstarted - 1, 0)
    wslot_ref[...] = tidx % NSLOT

    active_f = active.astype(jnp.float32)
    rank = jnp.dot(active_f, sut,
                   preferred_element_type=jnp.float32)
    ntrans = jnp.sum(active_f, axis=1, keepdims=True)
    ntrans_ref[...] = ntrans.astype(jnp.int32)
    iota_s8 = lax.broadcasted_iota(jnp.int32, (N_EXP, N_EXP), 0).astype(jnp.float32)
    iota_c8 = lax.broadcasted_iota(jnp.int32, (N_EXP, N_EXP), 1).astype(jnp.float32)
    smask = active & (jnp.abs(rank - iota_s8) < 0.5)
    trans_ref[...] = jnp.sum(jnp.where(smask, iota_c8, 0.0), axis=1,
                             keepdims=True).astype(jnp.int32)

    tt = tidx.astype(jnp.float32) + float(NSLOT - 1)
    pmask = active & (jnp.abs(rank - tt) < 0.5)
    prefe_ref[...] = jnp.sum(jnp.where(pmask, iota_e_f, 0.0), axis=1,
                             keepdims=True).astype(jnp.int32)
    dopref_ref[...] = ((tt < ntrans - 0.5) & (tidx >= 1) &
                       (wchg_ref[...] == 1)).astype(jnp.int32)
    pslot_ref[...] = tt.astype(jnp.int32) % NSLOT


def _router_plan(x2, Wr, br2):
    return pl.pallas_call(
        _router_body,
        out_shape=(
            jax.ShapeDtypeStruct((T, 1), jnp.int32),
            jax.ShapeDtypeStruct((T, 1), jnp.int32),
            jax.ShapeDtypeStruct((T, 16), jnp.float32),
            jax.ShapeDtypeStruct((T, 16), jnp.float32),
            jax.ShapeDtypeStruct((NB, 1), jnp.int32),
            jax.ShapeDtypeStruct((1, 1), jnp.int32),
            jax.ShapeDtypeStruct((NB, 1), jnp.int32),
            jax.ShapeDtypeStruct((NB, 1), jnp.int32),
            jax.ShapeDtypeStruct((NB, 1), jnp.int32),
            jax.ShapeDtypeStruct((NB, 1), jnp.int32),
            jax.ShapeDtypeStruct((NB, 1), jnp.int32),
            jax.ShapeDtypeStruct((1, 1), jnp.int32),
            jax.ShapeDtypeStruct((N_EXP, 1), jnp.int32),
        ),
    )(x2, Wr, br2)


def _dispatch_body(x_hbm, pos0_hbm, pos1_hbm, xs_hbm,
                   idx0_v, idx1_v, rows_v, sem0, sem1):
    wid = lax.axis_index("s") * 2 + lax.axis_index("c")
    base = wid * TW
    ld0 = pltpu.async_copy(pos0_hbm.at[pl.ds(base, TW)], idx0_v, sem0)
    ld1 = pltpu.async_copy(pos1_hbm.at[pl.ds(base, TW)], idx1_v, sem1)
    pltpu.sync_copy(x_hbm.at[pl.ds(base, TW), :], rows_v)
    ld0.wait()
    ld1.wait()
    cp0 = pltpu.async_copy(rows_v, xs_hbm.at[idx0_v], sem0)
    cp1 = pltpu.async_copy(rows_v, xs_hbm.at[idx1_v], sem1)
    cp0.wait()
    cp1.wait()


def _dispatch(x2, pos0, pos1):
    mesh = plsc.VectorSubcoreMesh(core_axis_name="c", subcore_axis_name="s")
    return pl.kernel(
        _dispatch_body,
        out_type=jax.ShapeDtypeStruct((P, D), jnp.float32),
        mesh=mesh,
        scratch_types=[
            pltpu.VMEM((TW,), jnp.int32),
            pltpu.VMEM((TW,), jnp.int32),
            pltpu.VMEM((TW, D), jnp.float32),
            pltpu.SemaphoreType.DMA,
            pltpu.SemaphoreType.DMA,
        ],
    )(x2, pos0, pos1)


def _ffn_body(bexp_ref, nact_ref, wslot_ref, wchg_ref, prefe_ref, dopref_ref,
              pslot_ref, ntrans_ref, trans_ref,
              xs_ref, w1_hbm, b1_ref, w2_hbm, b2_ref, os_ref,
              w1_buf, w2_buf, sems):
    b = pl.program_id(0)
    e = bexp_ref[b]
    slot = wslot_ref[b]
    nact = nact_ref[0]

    def _w_copies(te, s):
        cps = []
        for k in range(NSPLIT):
            r1 = pl.ds(k * (D // NSPLIT), D // NSPLIT)
            cps.append(pltpu.make_async_copy(
                w1_hbm.at[te, r1, :], w1_buf.at[s, r1, :], sems.at[s, 0, k]))
            r2 = pl.ds(k * (H // NSPLIT), H // NSPLIT)
            cps.append(pltpu.make_async_copy(
                w2_hbm.at[te, r2, :], w2_buf.at[s, r2, :], sems.at[s, 1, k]))
        return cps

    @pl.when(b == 0)
    def _():
        for s in range(NSLOT):
            @pl.when(s < ntrans_ref[0])
            def _(s=s):
                te = trans_ref[s]
                for cp in _w_copies(te, s):
                    cp.start()

    @pl.when((wchg_ref[b] == 1) & (b < nact))
    def _():
        for cp in _w_copies(e, slot):
            cp.wait()

    @pl.when((dopref_ref[b] == 1) & (b < nact))
    def _():
        pe = prefe_ref[b]
        ns = pslot_ref[b]
        for cp in _w_copies(pe, ns):
            cp.start()

    @pl.when(b < nact)
    def _():
        xb = xs_ref[...]
        h = jnp.dot(xb, w1_buf[slot],
                    preferred_element_type=jnp.float32)
        h = jnp.maximum(h + b1_ref[0], 0.0)
        ob = jnp.dot(h, w2_buf[slot],
                     preferred_element_type=jnp.float32)
        os_ref[...] = ob + b2_ref[0]


def _ffn(bexp, nact, wslot, wchg, prefe, dopref, pslot, ntrans, trans_e,
         xs, W1, b1, W2, b2):
    grid_spec = pltpu.PrefetchScalarGridSpec(
        num_scalar_prefetch=9,
        grid=(NB,),
        in_specs=[
            pl.BlockSpec((BLK, D),
                         lambda b, be, na, *_: (jnp.minimum(b, na[0] - 1), 0)),
            pl.BlockSpec(memory_space=pl.ANY),
            pl.BlockSpec((1, 1, H), lambda b, be, *_: (be[b], 0, 0)),
            pl.BlockSpec(memory_space=pl.ANY),
            pl.BlockSpec((1, 1, D), lambda b, be, *_: (be[b], 0, 0)),
        ],
        out_specs=pl.BlockSpec((BLK, D),
                               lambda b, be, na, *_:
                               (jnp.where(b < na[0], b, NB - 1), 0)),
        scratch_shapes=[
            pltpu.VMEM((NSLOT, D, H), jnp.float32),
            pltpu.VMEM((NSLOT, H, D), jnp.float32),
            pltpu.SemaphoreType.DMA((NSLOT, 2, NSPLIT)),
        ],
    )
    return pl.pallas_call(
        _ffn_body,
        grid_spec=grid_spec,
        out_shape=jax.ShapeDtypeStruct((P, D), jnp.float32),
        compiler_params=pltpu.CompilerParams(
            dimension_semantics=("arbitrary",)),
    )(bexp, nact, wslot, wchg, prefe, dopref, pslot, ntrans, trans_e,
      xs, W1, b1, W2, b2)


def _combine_body(os_hbm, pos0_hbm, pos1_hbm, g0_hbm, g1_hbm, out_hbm,
                  idx0_v, idx1_v, g0_v, g1_v, buf0, buf1, sem0, sem1):
    wid = lax.axis_index("s") * 2 + lax.axis_index("c")
    base = wid * TW
    ld0 = pltpu.async_copy(pos0_hbm.at[pl.ds(base, TW)], idx0_v, sem0)
    ld1 = pltpu.async_copy(pos1_hbm.at[pl.ds(base, TW)], idx1_v, sem1)
    ld0.wait()
    ld1.wait()
    cp0 = pltpu.async_copy(os_hbm.at[idx0_v], buf0, sem0)
    cp1 = pltpu.async_copy(os_hbm.at[idx1_v], buf1, sem1)
    pltpu.sync_copy(g0_hbm.at[pl.ds(base, TW), :], g0_v)
    pltpu.sync_copy(g1_hbm.at[pl.ds(base, TW), :], g1_v)
    cp0.wait()
    cp1.wait()

    def row(r, _):
        gv0 = g0_v[r]
        gv1 = g1_v[r]
        for dq in range(D // 16):
            sl = pl.ds(dq * 16, 16)
            buf0[r, sl] = gv0 * buf0[r, sl] + gv1 * buf1[r, sl]
        return _

    lax.fori_loop(0, TW, row, 0)
    pltpu.sync_copy(buf0, out_hbm.at[pl.ds(base, TW), :])


def _combine(os_, pos0, pos1, g0r, g1r):
    mesh = plsc.VectorSubcoreMesh(core_axis_name="c", subcore_axis_name="s")
    return pl.kernel(
        _combine_body,
        out_type=jax.ShapeDtypeStruct((T, D), jnp.float32),
        mesh=mesh,
        scratch_types=[
            pltpu.VMEM((TW,), jnp.int32),
            pltpu.VMEM((TW,), jnp.int32),
            pltpu.VMEM((TW, 16), jnp.float32),
            pltpu.VMEM((TW, 16), jnp.float32),
            pltpu.VMEM((TW, D), jnp.float32),
            pltpu.VMEM((TW, D), jnp.float32),
            pltpu.SemaphoreType.DMA,
            pltpu.SemaphoreType.DMA,
        ],
    )(os_, pos0, pos1, g0r, g1r)


def kernel(x, Wr, br, W1, b1, W2, b2):
    B, S, Dm = x.shape
    x2 = x.reshape(T, D)
    (pos0, pos1, g0r, g1r, bexp, nact, wslot, wchg, prefe, dopref,
     pslot, ntrans, trans_e) = _router_plan(x2, Wr, br.reshape(1, N_EXP))
    pos0 = pos0.reshape(T)
    pos1 = pos1.reshape(T)
    bexp = bexp.reshape(NB)
    nact = nact.reshape(1)
    xs = _dispatch(x2, pos0, pos1)
    os_ = _ffn(bexp, nact, wslot.reshape(NB), wchg.reshape(NB),
               prefe.reshape(NB), dopref.reshape(NB), pslot.reshape(NB),
               ntrans.reshape(1), trans_e.reshape(N_EXP), xs,
               W1, b1.reshape(N_EXP, 1, H), W2, b2.reshape(N_EXP, 1, D))
    out = _combine(os_, pos0, pos1, g0r, g1r)
    return out.reshape(B, S, Dm)

# --- scband reference (transcript-rebuilt; emitter-appended) ---
"""Pipeline reference for scband-sparse-mo-e-44074954392151 (READ-ONLY COPY).

The authoritative reference and input builder live on the scoring server;
editing this copy changes nothing except your own understanding.
"""

import jax, jax.numpy as jnp
import numpy as np

N_EXPERTS = 8
TOP_K = 2
D = 768

def setup_inputs(seed: int = 0) -> dict:
    key = jax.random.key(seed)
    ks = jax.random.split(key, 8)
    x = jax.random.normal(ks[0], (1, 2048, D), dtype=jnp.float32)
    Wr = jax.random.normal(ks[1], (D, N_EXPERTS), dtype=jnp.float32) * 0.02
    br = jnp.zeros((N_EXPERTS,), dtype=jnp.float32)
    W1 = jax.random.normal(ks[2], (N_EXPERTS, D, 2 * D), dtype=jnp.float32) * 0.02
    b1 = jnp.zeros((N_EXPERTS, 2 * D), dtype=jnp.float32)
    W2 = jax.random.normal(ks[3], (N_EXPERTS, 2 * D, D), dtype=jnp.float32) * 0.02
    b2 = jnp.zeros((N_EXPERTS, D), dtype=jnp.float32)
    return {"x": x, "Wr": Wr, "br": br, "W1": W1, "b1": b1, "W2": W2, "b2": b2}

def reference(x, Wr, br, W1, b1, W2, b2):
    # Router: linear -> top-k -> scatter top-k logits into -inf -> softmax
    B, S, Dm = x.shape
    flat_x = x.reshape(-1, Dm)                       # [T, D]
    logits = flat_x @ Wr + br                        # [T, E]
    top_vals, top_idx = jax.lax.top_k(logits, TOP_K)  # [T, k]
    T = logits.shape[0]
    sparse_logits = jnp.full_like(logits, -jnp.inf).at[
        jnp.arange(T)[:, None], top_idx
    ].set(top_vals)
    gating = jax.nn.softmax(sparse_logits, axis=-1)  # zeros at non-selected experts
    # Experts: Linear(D, 2D) -> ReLU -> Linear(2D, D); Dropout is identity (eval mode).
    # Dense per-expert compute; math is identical to the masked torch loop because
    # gating weights are exactly zero for experts not in the per-token top-k.
    h = jax.nn.relu(jnp.einsum('td,edf->etf', flat_x, W1) + b1[:, None, :])  # [E, T, 2D]
    o = jnp.einsum('etf,efd->etd', h, W2) + b2[:, None, :]                   # [E, T, D]
    final = jnp.einsum('etd,te->td', o, gating)                              # [T, D]
    return final.reshape(B, S, Dm)

if __name__ == "__main__":
    import jax
    _d = setup_inputs()
    print(jax.jit(kernel)(*tuple(_d.values())))

</pallas_src>

<mosaic_0001>
#map = affine_map<(d0, d1) -> (0, 0)>
#map1 = affine_map<(d0, d1) -> (0)>
module attributes {stable_mosaic.version = 14 : i64} {
  func.func @_dispatch_body(%arg0: i32, %arg1: i32, %arg2: memref<2048x768xf32, #tpu.memory_space<hbm>>, %arg3: memref<2048xi32, #tpu.memory_space<hbm>>, %arg4: memref<2048xi32, #tpu.memory_space<hbm>>, %arg5: memref<6144x768xf32, #tpu.memory_space<hbm>>, %arg6: memref<64xi32, #tpu.memory_space<vmem>>, %arg7: memref<64xi32, #tpu.memory_space<vmem>>, %arg8: memref<64x768xf32, #tpu.memory_space<vmem>>, %arg9: memref<!tpu.dma_semaphore, #tpu.memory_space<semaphore_mem>>, %arg10: memref<!tpu.dma_semaphore, #tpu.memory_space<semaphore_mem>>) attributes {dimension_semantics = [#tpu.dimension_semantics<core_parallel>, #tpu.dimension_semantics<subcore_parallel>], iteration_bounds = array<i64: 2, 16>, scalar_prefetch = 0 : i64, scratch_operands = 5 : i64, tpu.core_type = #tpu.core_type<sc_vector_subcore>, window_params = [{transform_indices = #map}, {transform_indices = #map1}, {transform_indices = #map1}, {transform_indices = #map}]} {
    %mul3A = arith.constant 2 : i32
    %mul3A_0 = arith.muli %arg1, %mul3A : i32
    %add3A = arith.addi %mul3A_0, %arg0 : i32
    %mul3A_1 = arith.constant 64 : i32
    %mul3A_2 = arith.muli %add3A, %mul3A_1 : i32
    %dma_start3A = tpu.memref_slice %arg3[%mul3A_2] : memref<2048xi32, #tpu.memory_space<hbm>> -> memref<64xi32, #tpu.memory_space<hbm>>
    %dma_start3A_3 = tpu.memref_slice %arg3[%mul3A_2] : memref<2048xi32, #tpu.memory_space<hbm>> -> memref<64xi32, #tpu.memory_space<hbm>>
    tpu.enqueue_dma source(%dma_start3A_3 : memref<64xi32, #tpu.memory_space<hbm>>) target(%arg6 : memref<64xi32, #tpu.memory_space<vmem>>) target_semaphore(%arg9 : memref<!tpu.dma_semaphore, #tpu.memory_space<semaphore_mem>>)
    %dma_start3A_4 = tpu.memref_slice %arg4[%mul3A_2] : memref<2048xi32, #tpu.memory_space<hbm>> -> memref<64xi32, #tpu.memory_space<hbm>>
    %dma_start3A_5 = tpu.memref_slice %arg4[%mul3A_2] : memref<2048xi32, #tpu.memory_space<hbm>> -> memref<64xi32, #tpu.memory_space<hbm>>
    tpu.enqueue_dma source(%dma_start3A_5 : memref<64xi32, #tpu.memory_space<hbm>>) target(%arg7 : memref<64xi32, #tpu.memory_space<vmem>>) target_semaphore(%arg10 : memref<!tpu.dma_semaphore, #tpu.memory_space<semaphore_mem>>)
    "tpu.region"() ({
      %run_scoped3A = tpu.sem_alloc : memref<!tpu.dma_semaphore, #tpu.memory_space<semaphore_mem>>
      %dma_start3A_21 = arith.constant 0 : i32
      %dma_start3A_22 = tpu.memref_slice %arg2[%mul3A_2, %dma_start3A_21] : memref<2048x768xf32, #tpu.memory_space<hbm>> -> memref<64x768xf32, #tpu.memory_space<hbm>>
      %dma_start3A_23 = arith.constant 0 : i32
      %dma_start3A_24 = tpu.memref_slice %arg2[%mul3A_2, %dma_start3A_23] : memref<2048x768xf32, #tpu.memory_space<hbm>> -> memref<64x768xf32, #tpu.memory_space<hbm>>
      tpu.enqueue_dma source(%dma_start3A_24 : memref<64x768xf32, #tpu.memory_space<hbm>>) target(%arg8 : memref<64x768xf32, #tpu.memory_space<vmem>>) target_semaphore(%run_scoped3A : memref<!tpu.dma_semaphore, #tpu.memory_space<semaphore_mem>>)
      %dma_wait3A_25 = arith.constant 0 : i32
      %dma_wait3A_26 = tpu.memref_slice %arg2[%mul3A_2, %dma_wait3A_25] : memref<2048x768xf32, #tpu.memory_space<hbm>> -> memref<64x768xf32, #tpu.memory_space<hbm>>
      %dma_wait3A_27 = arith.constant 0 : i32
      %dma_wait3A_28 = tpu.memref_slice %arg2[%mul3A_2, %dma_wait3A_27] : memref<2048x768xf32, #tpu.memory_space<hbm>> -> memref<64x768xf32, #tpu.memory_space<hbm>>
      tpu.wait_dma2 semaphore(%run_scoped3A : memref<!tpu.dma_semaphore, #tpu.memory_space<semaphore_mem>>) src(%dma_wait3A_28 : memref<64x768xf32, #tpu.memory_space<hbm>>) dst(%arg8 : memref<64x768xf32, #tpu.memory_space<vmem>>)
      tpu.yield
    }) : () -> ()
    %dma_wait3A = tpu.memref_slice %arg3[%mul3A_2] : memref<2048xi32, #tpu.memory_space<hbm>> -> memref<64xi32, #tpu.memory_space<hbm>>
    %dma_wait3A_6 = tpu.memref_slice %arg3[%mul3A_2] : memref<2048xi32, #tpu.memory_space<hbm>> -> memref<64xi32, #tpu.memory_space<hbm>>
    tpu.wait_dma2 semaphore(%arg9 : memref<!tpu.dma_semaphore, #tpu.memory_space<semaphore_mem>>) src(%dma_wait3A_6 : memref<64xi32, #tpu.memory_space<hbm>>) dst(%arg6 : memref<64xi32, #tpu.memory_space<vmem>>)
    %dma_wait3A_7 = tpu.memref_slice %arg4[%mul3A_2] : memref<2048xi32, #tpu.memory_space<hbm>> -> memref<64xi32, #tpu.memory_space<hbm>>
    %dma_wait3A_8 = tpu.memref_slice %arg4[%mul3A_2] : memref<2048xi32, #tpu.memory_space<hbm>> -> memref<64xi32, #tpu.memory_space<hbm>>
    tpu.wait_dma2 semaphore(%arg10 : memref<!tpu.dma_semaphore, #tpu.memory_space<semaphore_mem>>) src(%dma_wait3A_8 : memref<64xi32, #tpu.memory_space<hbm>>) dst(%arg7 : memref<64xi32, #tpu.memory_space<vmem>>)
    %dma_start3A_9 = arith.constant 0 : i32
    %dma_start3A_10 = arith.constant 0 : i32
    %dma_start3A_11 = tpu.memref_slice %arg5[%dma_start3A_9, %dma_start3A_10] : memref<6144x768xf32, #tpu.memory_space<hbm>> -> memref<6144x768xf32, #tpu.memory_space<hbm>>
    tpu.enqueue_indirect_dma source(%arg8 : memref<64x768xf32, #tpu.memory_space<vmem>>) target(%dma_start3A_11 : memref<6144x768xf32, #tpu.memory_space<hbm>>) offsets(%arg6 : memref<64xi32, #tpu.memory_space<vmem>>) semaphore(%arg9 : memref<!tpu.dma_semaphore, #tpu.memory_space<semaphore_mem>>)
    %dma_start3A_12 = arith.constant 0 : i32
    %dma_start3A_13 = arith.constant 0 : i32
    %dma_start3A_14 = tpu.memref_slice %arg5[%dma_start3A_12, %dma_start3A_13] : memref<6144x768xf32, #tpu.memory_space<hbm>> -> memref<6144x768xf32, #tpu.memory_space<hbm>>
    tpu.enqueue_indirect_dma source(%arg8 : memref<64x768xf32, #tpu.memory_space<vmem>>) target(%dma_start3A_14 : memref<6144x768xf32, #tpu.memory_space<hbm>>) offsets(%arg7 : memref<64xi32, #tpu.memory_space<vmem>>) semaphore(%arg10 : memref<!tpu.dma_semaphore, #tpu.memory_space<semaphore_mem>>)
    %dma_wait3A_15 = arith.constant 0 : i32
    %dma_wait3A_16 = arith.constant 0 : i32
    %dma_wait3A_17 = tpu.memref_slice %arg5[%dma_wait3A_15, %dma_wait3A_16] : memref<6144x768xf32, #tpu.memory_space<hbm>> -> memref<6144x768xf32, #tpu.memory_space<hbm>>
    tpu.wait_indirect_dma semaphore(%arg9 : memref<!tpu.dma_semaphore, #tpu.memory_space<semaphore_mem>>) src(%arg8 : memref<64x768xf32, #tpu.memory_space<vmem>>) dst(%dma_wait3A_17 : memref<6144x768xf32, #tpu.memory_space<hbm>>)
    %dma_wait3A_18 = arith.constant 0 : i32
    %dma_wait3A_19 = arith.constant 0 : i32
    %dma_wait3A_20 = tpu.memref_slice %arg5[%dma_wait3A_18, %dma_wait3A_19] : memref<6144x768xf32, #tpu.memory_space<hbm>> -> memref<6144x768xf32, #tpu.memory_space<hbm>>
    tpu.wait_indirect_dma semaphore(%arg10 : memref<!tpu.dma_semaphore, #tpu.memory_space<semaphore_mem>>) src(%arg8 : memref<64x768xf32, #tpu.memory_space<vmem>>) dst(%dma_wait3A_20 : memref<6144x768xf32, #tpu.memory_space<hbm>>)
    return
  }
}

#map = affine_map<(d0, d1) -> (0, 0)>
#map1 = affine_map<(d0, d1) -> (0)>
module attributes {stable_mosaic.version = 14 : i64} {
  func.func @_combine_body(%arg0: i32, %arg1: i32, %arg2: memref<6144x768xf32, #tpu.memory_space<hbm>>, %arg3: memref<2048xi32, #tpu.memory_space<hbm>>, %arg4: memref<2048xi32, #tpu.memory_space<hbm>>, %arg5: memref<2048x16xf32, #tpu.memory_space<hbm>>, %arg6: memref<2048x16xf32, #tpu.memory_space<hbm>>, %arg7: memref<2048x768xf32, #tpu.memory_space<hbm>>, %arg8: memref<64xi32, #tpu.memory_space<vmem>>, %arg9: memref<64xi32, #tpu.memory_space<vmem>>, %arg10: memref<64x16xf32, #tpu.memory_space<vmem>>, %arg11: memref<64x16xf32, #tpu.memory_space<vmem>>, %arg12: memref<64x768xf32, #tpu.memory_space<vmem>>, %arg13: memref<64x768xf32, #tpu.memory_space<vmem>>, %arg14: memref<!tpu.dma_semaphore, #tpu.memory_space<semaphore_mem>>, %arg15: memref<!tpu.dma_semaphore, #tpu.memory_space<semaphore_mem>>) attributes {dimension_semantics = [#tpu.dimension_semantics<core_parallel>, #tpu.dimension_semantics<subcore_parallel>], iteration_bounds = array<i64: 2, 16>, scalar_prefetch = 0 : i64, scratch_operands = 8 : i64, tpu.core_type = #tpu.core_type<sc_vector_subcore>, window_params = [{transform_indices = #map}, {transform_indices = #map1}, {transform_indices = #map1}, {transform_indices = #map}, {transform_indices = #map}, {transform_indices = #map}]} {
    %mul3A = arith.constant 2 : i32
    %mul3A_0 = arith.muli %arg1, %mul3A : i32
    %add3A = arith.addi %mul3A_0, %arg0 : i32
    %mul3A_1 = arith.constant 64 : i32
    %mul3A_2 = arith.muli %add3A, %mul3A_1 : i32
    %dma_start3A = tpu.memref_slice %arg3[%mul3A_2] : memref<2048xi32, #tpu.memory_space<hbm>> -> memref<64xi32, #tpu.memory_space<hbm>>
    %dma_start3A_3 = tpu.memref_slice %arg3[%mul3A_2] : memref<2048xi32, #tpu.memory_space<hbm>> -> memref<64xi32, #tpu.memory_space<hbm>>
    tpu.enqueue_dma source(%dma_start3A_3 : memref<64xi32, #tpu.memory_space<hbm>>) target(%arg8 : memref<64xi32, #tpu.memory_space<vmem>>) target_semaphore(%arg14 : memref<!tpu.dma_semaphore, #tpu.memory_space<semaphore_mem>>)
    %dma_start3A_4 = tpu.memref_slice %arg4[%mul3A_2] : memref<2048xi32, #tpu.memory_space<hbm>> -> memref<64xi32, #tpu.memory_space<hbm>>
    %dma_start3A_5 = tpu.memref_slice %arg4[%mul3A_2] : memref<2048xi32, #tpu.memory_space<hbm>> -> memref<64xi32, #tpu.memory_space<hbm>>
    tpu.enqueue_dma source(%dma_start3A_5 : memref<64xi32, #tpu.memory_space<hbm>>) target(%arg9 : memref<64xi32, #tpu.memory_space<vmem>>) target_semaphore(%arg15 : memref<!tpu.dma_semaphore, #tpu.memory_space<semaphore_mem>>)
    %dma_wait3A = tpu.memref_slice %arg3[%mul3A_2] : memref<2048xi32, #tpu.memory_space<hbm>> -> memref<64xi32, #tpu.memory_space<hbm>>
    %dma_wait3A_6 = tpu.memref_slice %arg3[%mul3A_2] : memref<2048xi32, #tpu.memory_space<hbm>> -> memref<64xi32, #tpu.memory_space<hbm>>
    tpu.wait_dma2 semaphore(%arg14 : memref<!tpu.dma_semaphore, #tpu.memory_space<semaphore_mem>>) src(%dma_wait3A_6 : memref<64xi32, #tpu.memory_space<hbm>>) dst(%arg8 : memref<64xi32, #tpu.memory_space<vmem>>)
    %dma_wait3A_7 = tpu.memref_slice %arg4[%mul3A_2] : memref<2048xi32, #tpu.memory_space<hbm>> -> memref<64xi32, #tpu.memory_space<hbm>>
    %dma_wait3A_8 = tpu.memref_slice %arg4[%mul3A_2] : memref<2048xi32, #tpu.memory_space<hbm>> -> memref<64xi32, #tpu.memory_space<hbm>>
    tpu.wait_dma2 semaphore(%arg15 : memref<!tpu.dma_semaphore, #tpu.memory_space<semaphore_mem>>) src(%dma_wait3A_8 : memref<64xi32, #tpu.memory_space<hbm>>) dst(%arg9 : memref<64xi32, #tpu.memory_space<vmem>>)
    %dma_start3A_9 = arith.constant 0 : i32
    %dma_start3A_10 = arith.constant 0 : i32
    %dma_start3A_11 = tpu.memref_slice %arg2[%dma_start3A_9, %dma_start3A_10] : memref<6144x768xf32, #tpu.memory_space<hbm>> -> memref<6144x768xf32, #tpu.memory_space<hbm>>
    tpu.enqueue_indirect_dma source(%dma_start3A_11 : memref<6144x768xf32, #tpu.memory_space<hbm>>) target(%arg12 : memref<64x768xf32, #tpu.memory_space<vmem>>) offsets(%arg8 : memref<64xi32, #tpu.memory_space<vmem>>) semaphore(%arg14 : memref<!tpu.dma_semaphore, #tpu.memory_space<semaphore_mem>>)
    %dma_start3A_12 = arith.constant 0 : i32
    %dma_start3A_13 = arith.constant 0 : i32
    %dma_start3A_14 = tpu.memref_slice %arg2[%dma_start3A_12, %dma_start3A_13] : memref<6144x768xf32, #tpu.memory_space<hbm>> -> memref<6144x768xf32, #tpu.memory_space<hbm>>
    tpu.enqueue_indirect_dma source(%dma_start3A_14 : memref<6144x768xf32, #tpu.memory_space<hbm>>) target(%arg13 : memref<64x768xf32, #tpu.memory_space<vmem>>) offsets(%arg9 : memref<64xi32, #tpu.memory_space<vmem>>) semaphore(%arg15 : memref<!tpu.dma_semaphore, #tpu.memory_space<semaphore_mem>>)
    "tpu.region"() ({
      %run_scoped3A = tpu.sem_alloc : memref<!tpu.dma_semaphore, #tpu.memory_space<semaphore_mem>>
      %dma_start3A_26 = arith.constant 0 : i32
      %dma_start3A_27 = tpu.memref_slice %arg5[%mul3A_2, %dma_start3A_26] : memref<2048x16xf32, #tpu.memory_space<hbm>> -> memref<64x16xf32, #tpu.memory_space<hbm>>
      %dma_start3A_28 = arith.constant 0 : i32
      %dma_start3A_29 = tpu.memref_slice %arg5[%mul3A_2, %dma_start3A_28] : memref<2048x16xf32, #tpu.memory_space<hbm>> -> memref<64x16xf32, #tpu.memory_space<hbm>>
      tpu.enqueue_dma source(%dma_start3A_29 : memref<64x16xf32, #tpu.memory_space<hbm>>) target(%arg10 : memref<64x16xf32, #tpu.memory_space<vmem>>) target_semaphore(%run_scoped3A : memref<!tpu.dma_semaphore, #tpu.memory_space<semaphore_mem>>)
      %dma_wait3A_30 = arith.constant 0 : i32
      %dma_wait3A_31 = tpu.memref_slice %arg5[%mul3A_2, %dma_wait3A_30] : memref<2048x16xf32, #tpu.memory_space<hbm>> -> memref<64x16xf32, #tpu.memory_space<hbm>>
      %dma_wait3A_32 = arith.constant 0 : i32
      %dma_wait3A_33 = tpu.memref_slice %arg5[%mul3A_2, %dma_wait3A_32] : memref<2048x16xf32, #tpu.memory_space<hbm>> -> memref<64x16xf32, #tpu.memory_space<hbm>>
      tpu.wait_dma2 semaphore(%run_scoped3A : memref<!tpu.dma_semaphore, #tpu.memory_space<semaphore_mem>>) src(%dma_wait3A_33 : memref<64x16xf32, #tpu.memory_space<hbm>>) dst(%arg10 : memref<64x16xf32, #tpu.memory_space<vmem>>)
      tpu.yield
    }) : () -> ()
    "tpu.region"() ({
      %run_scoped3A = tpu.sem_alloc : memref<!tpu.dma_semaphore, #tpu.memory_space<semaphore_mem>>
      %dma_start3A_26 = arith.constant 0 : i32
      %dma_start3A_27 = tpu.memref_slice %arg6[%mul3A_2, %dma_start3A_26] : memref<2048x16xf32, #tpu.memory_space<hbm>> -> memref<64x16xf32, #tpu.memory_space<hbm>>
      %dma_start3A_28 = arith.constant 0 : i32
      %dma_start3A_29 = tpu.memref_slice %arg6[%mul3A_2, %dma_start3A_28] : memref<2048x16xf32, #tpu.memory_space<hbm>> -> memref<64x16xf32, #tpu.memory_space<hbm>>
      tpu.enqueue_dma source(%dma_start3A_29 : memref<64x16xf32, #tpu.memory_space<hbm>>) target(%arg11 : memref<64x16xf32, #tpu.memory_space<vmem>>) target_semaphore(%run_scoped3A : memref<!tpu.dma_semaphore, #tpu.memory_space<semaphore_mem>>)
      %dma_wait3A_30 = arith.constant 0 : i32
      %dma_wait3A_31 = tpu.memref_slice %arg6[%mul3A_2, %dma_wait3A_30] : memref<2048x16xf32, #tpu.memory_space<hbm>> -> memref<64x16xf32, #tpu.memory_space<hbm>>
      %dma_wait3A_32 = arith.constant 0 : i32
      %dma_wait3A_33 = tpu.memref_slice %arg6[%mul3A_2, %dma_wait3A_32] : memref<2048x16xf32, #tpu.memory_space<hbm>> -> memref<64x16xf32, #tpu.memory_space<hbm>>
      tpu.wait_dma2 semaphore(%run_scoped3A : memref<!tpu.dma_semaphore, #tpu.memory_space<semaphore_mem>>) src(%dma_wait3A_33 : memref<64x16xf32, #tpu.memory_space<hbm>>) dst(%arg11 : memref<64x16xf32, #tpu.memory_space<vmem>>)
      tpu.yield
    }) : () -> ()
    %dma_wait3A_15 = arith.constant 0 : i32
    %dma_wait3A_16 = arith.constant 0 : i32
    %dma_wait3A_17 = tpu.memref_slice %arg2[%dma_wait3A_15, %dma_wait3A_16] : memref<6144x768xf32, #tpu.memory_space<hbm>> -> memref<6144x768xf32, #tpu.memory_space<hbm>>
    tpu.wait_indirect_dma semaphore(%arg14 : memref<!tpu.dma_semaphore, #tpu.memory_space<semaphore_mem>>) src(%dma_wait3A_17 : memref<6144x768xf32, #tpu.memory_space<hbm>>) dst(%arg12 : memref<64x768xf32, #tpu.memory_space<vmem>>)
    %dma_wait3A_18 = arith.constant 0 : i32
    %dma_wait3A_19 = arith.constant 0 : i32
    %dma_wait3A_20 = tpu.memref_slice %arg2[%dma_wait3A_18, %dma_wait3A_19] : memref<6144x768xf32, #tpu.memory_space<hbm>> -> memref<6144x768xf32, #tpu.memory_space<hbm>>
    tpu.wait_indirect_dma semaphore(%arg15 : memref<!tpu.dma_semaphore, #tpu.memory_space<semaphore_mem>>) src(%dma_wait3A_20 : memref<6144x768xf32, #tpu.memory_space<hbm>>) dst(%arg13 : memref<64x768xf32, #tpu.memory_space<vmem>>)
    %scan3A = arith.constant 0 : i32
    %scan3A_21 = arith.constant 0 : i32
    %scan3A_22 = arith.constant 64 : i32
    %scan3A_23 = arith.addi %scan3A_21, %scan3A_22 : i32
    %scan3A_24 = arith.constant 1 : i32
    scf.for %scan3A_26 = %scan3A_21 to %scan3A_23 step %scan3A_24  : i32 {
      %get3A = arith.index_cast %scan3A_26 : i32 to index
      %get3A_27 = arith.constant 0 : index
      %get3A_28 = tpu.vector_load %arg10[%get3A, %get3A_27] {strides = array<i32>} : memref<64x16xf32, #tpu.memory_space<vmem>>, vector<1x16xf32>,
      %get3A_29 = vector.shape_cast %get3A_28 : vector<1x16xf32> to vector<16xf32>
      %get3A_30 = arith.index_cast %scan3A_26 : i32 to index
      %get3A_31 = arith.constant 0 : index
      %get3A_32 = tpu.vector_load %arg11[%get3A_30, %get3A_31] {strides = array<i32>} : memref<64x16xf32, #tpu.memory_space<vmem>>, vector<1x16xf32>,
      %get3A_33 = vector.shape_cast %get3A_32 : vector<1x16xf32> to vector<16xf32>
      %get3A_34 = arith.index_cast %scan3A_26 : i32 to index
      %get3A_35 = arith.constant 0 : index
      %get3A_36 = tpu.vector_load %arg12[%get3A_34, %get3A_35] {strides = array<i32>} : memref<64x768xf32, #tpu.memory_space<vmem>>, vector<1x16xf32>,
      %get3A_37 = vector.shape_cast %get3A_36 : vector<1x16xf32> to vector<16xf32>
      %mul3A_38 = arith.mulf %get3A_29, %get3A_37 : vector<16xf32>
      %get3A_39 = arith.index_cast %scan3A_26 : i32 to index
      %get3A_40 = arith.constant 0 : index
      %get3A_41 = tpu.vector_load %arg13[%get3A_39, %get3A_40] {strides = array<i32>} : memref<64x768xf32, #tpu.memory_space<vmem>>, vector<1x16xf32>,
      %get3A_42 = vector.shape_cast %get3A_41 : vector<1x16xf32> to vector<16xf32>
      %mul3A_43 = arith.mulf %get3A_33, %get3A_42 : vector<16xf32>
      %add3A_44 = arith.addf %mul3A_38, %mul3A_43 : vector<16xf32>
      %swap3A = arith.index_cast %scan3A_26 : i32 to index
      %swap3A_45 = arith.constant 0 : index
      %swap3A_46 = tpu.vector_load %arg12[%swap3A, %swap3A_45] {strides = array<i32>} : memref<64x768xf32, #tpu.memory_space<vmem>>, vector<1x16xf32>,
      %swap3A_47 = vector.shape_cast %swap3A_46 : vector<1x16xf32> to vector<16xf32>
      %swap3A_48 = vector.shape_cast %add3A_44 : vector<16xf32> to vector<1x16xf32>
      tpu.vector_store %arg12[%swap3A, %swap3A_45], %swap3A_48 {strides = array<i32>} : memref<64x768xf32, #tpu.memory_space<vmem>>, vector<1x16xf32>,
      %get3A_49 = arith.index_cast %scan3A_26 : i32 to index
      %get3A_50 = arith.constant 16 : index
      %get3A_51 = tpu.vector_load %arg12[%get3A_49, %get3A_50] {strides = array<i32>} : memref<64x768xf32, #tpu.memory_space<vmem>>, vector<1x16xf32>,
      %get3A_52 = vector.shape_cast %get3A_51 : vector<1x16xf32> to vector<16xf32>
      %mul3A_53 = arith.mulf %get3A_29, %get3A_52 : vector<16xf32>
      %get3A_54 = arith.index_cast %scan3A_26 : i32 to index
      %get3A_55 = arith.constant 16 : index
      %get3A_56 = tpu.vector_load %arg13[%get3A_54, %get3A_55] {strides = array<i32>} : memref<64x768xf32, #tpu.memory_space<vmem>>, vector<1x16xf32>,
      %get3A_57 = vector.shape_cast %get3A_56 : vector<1x16xf32> to vector<16xf32>
      %mul3A_58 = arith.mulf %get3A_33, %get3A_57 : vector<16xf32>
      %add3A_59 = arith.addf %mul3A_53, %mul3A_58 : vector<16xf32>
      %swap3A_60 = arith.index_cast %scan3A_26 : i32 to index
      %swap3A_61 = arith.constant 16 : index
      %swap3A_62 = tpu.vector_load %arg12[%swap3A_60, %swap3A_61] {strides = array<i32>} : memref<64x768xf32, #tpu.memory_space<vmem>>, vector<1x16xf32>,
      %swap3A_63 = vector.shape_cast %swap3A_62 : vector<1x16xf32> to vector<16xf32>
      %swap3A_64 = vector.shape_cast %add3A_59 : vector<16xf32> to vector<1x16xf32>
      tpu.vector_store %arg12[%swap3A_60, %swap3A_61], %swap3A_64 {strides = array<i32>} : memref<64x768xf32, #tpu.memory_space<vmem>>, vector<1x16xf32>,
      %get3A_65 = arith.index_cast %scan3A_26 : i32 to index
      %get3A_66 = arith.constant 32 : index
      %get3A_67 = tpu.vector_load %arg12[%get3A_65, %get3A_66] {strides = array<i32>} : memref<64x768xf32, #tpu.memory_space<vmem>>, vector<1x16xf32>,
      %get3A_68 = vector.shape_cast %get3A_67 : vector<1x16xf32> to vector<16xf32>
      %mul3A_69 = arith.mulf %get3A_29, %get3A_68 : vector<16xf32>
      %get3A_70 = arith.index_cast %scan3A_26 : i32 to index
      %get3A_71 = arith.constant 32 : index
      %get3A_72 = tpu.vector_load %arg13[%get3A_70, %get3A_71] {strides = array<i32>} : memref<64x768xf32, #tpu.memory_space<vmem>>, vector<1x16xf32>,
      %get3A_73 = vector.shape_cast %get3A_72 : vector<1x16xf32> to vector<16xf32>
      %mul3A_74 = arith.mulf %get3A_33, %get3A_73 : vector<16xf32>
      %add3A_75 = arith.addf %mul3A_69, %mul3A_74 : vector<16xf32>
      %swap3A_76 = arith.index_cast %scan3A_26 : i32 to index
      %swap3A_77 = arith.constant 32 : index
      %swap3A_78 = tpu.vector_load %arg12[%swap3A_76, %swap3A_77] {strides = array<i32>} : memref<64x768xf32, #tpu.memory_space<vmem>>, vector<1x16xf32>,
      %swap3A_79 = vector.shape_cast %swap3A_78 : vector<1x16xf32> to vector<16xf32>
      %swap3A_80 = vector.shape_cast %add3A_75 : vector<16xf32> to vector<1x16xf32>
      tpu.vector_store %arg12[%swap3A_76, %swap3A_77], %swap3A_80 {strides = array<i32>} : memref<64x768xf32, #tpu.memory_space<vmem>>, vector<1x16xf32>,
      %get3A_81 = arith.index_cast %scan3A_26 : i32 to index
      %get3A_82 = arith.constant 48 : index
      %get3A_83 = tpu.vector_load %arg12[%get3A_81, %get3A_82] {strides = array<i32>} : memref<64x768xf32, #tpu.memory_space<vmem>>, vector<1x16xf32>,
      %get3A_84 = vector.shape_cast %get3A_83 : vector<1x16xf32> to vector<16xf32>
      %mul3A_85 = arith.mulf %get3A_29, %get3A_84 : vector<16xf32>
      %get3A_86 = arith.index_cast %scan3A_26 : i32 to index
      %get3A_87 = arith.constant 48 : index
      %get3A_88 = tpu.vector_load %arg13[%get3A_86, %get3A_87] {strides = array<i32>} : memref<64x768xf32, #tpu.memory_space<vmem>>, vector<1x16xf32>,
      %get3A_89 = vector.shape_cast %get3A_88 : vector<1x16xf32> to vector<16xf32>
      %mul3A_90 = arith.mulf %get3A_33, %get3A_89 : vector<16xf32>
      %add3A_91 = arith.addf %mul3A_85, %mul3A_90 : vector<16xf32>
      %swap3A_92 = arith.index_cast %scan3A_26 : i32 to index
      %swap3A_93 = arith.constant 48 : index
      %swap3A_94 = tpu.vector_load %arg12[%swap3A_92, %swap3A_93] {strides = array<i32>} : memref<64x768xf32, #tpu.memory_space<vmem>>, vector<1x16xf32>,
      %swap3A_95 = vector.shape_cast %swap3A_94 : vector<1x16xf32> to vector<16xf32>
      %swap3A_96 = vector.shape_cast %add3A_91 : vector<16xf32> to vector<1x16xf32>
      tpu.vector_store %arg12[%swap3A_92, %swap3A_93], %swap3A_96 {strides = array<i32>} : memref<64x768xf32, #tpu.memory_space<vmem>>, vector<1x16xf32>,
      %get3A_97 = arith.index_cast %scan3A_26 : i32 to index
      %get3A_98 = arith.constant 64 : index
      %get3A_99 = tpu.vector_load %arg12[%get3A_97, %get3A_98] {strides = array<i32>} : memref<64x768xf32, #tpu.memory_space<vmem>>, vector<1x16xf32>,
      %get3A_100 = vector.shape_cast %get3A_99 : vector<1x16xf32> to vector<16xf32>
      %mul3A_101 = arith.mulf %get3A_29, %get3A_100 : vector<16xf32>
      %get3A_102 = arith.index_cast %scan3A_26 : i32 to index
      %get3A_103 = arith.constant 64 : index
      %get3A_104 = tpu.vector_load %arg13[%get3A_102, %get3A_103] {strides = array<i32>} : memref<64x768xf32, #tpu.memory_space<vmem>>, vector<1x16xf32>,
      %get3A_105 = vector.shape_cast %get3A_104 : vector<1x16xf32> to vector<16xf32>
      %mul3A_106 = arith.mulf %get3A_33, %get3A_105 : vector<16xf32>
      %add3A_107 = arith.addf %mul3A_101, %mul3A_106 : vector<16xf32>
      %swap3A_108 = arith.index_cast %scan3A_26 : i32 to index
      %swap3A_109 = arith.constant 64 : index
      %swap3A_110 = tpu.vector_load %arg12[%swap3A_108, %swap3A_109] {strides = array<i32>} : memref<64x768xf32, #tpu.memory_space<vmem>>, vector<1x16xf32>,
      %swap3A_111 = vector.shape_cast %swap3A_110 : vector<1x16xf32> to vector<16xf32>
      %swap3A_112 = vector.shape_cast %add3A_107 : vector<16xf32> to vector<1x16xf32>
      tpu.vector_store %arg12[%swap3A_108, %swap3A_109], %swap3A_112 {strides = array<i32>} : memref<64x768xf32, #tpu.memory_space<vmem>>, vector<1x16xf32>,
      %get3A_113 = arith.index_cast %scan3A_26 : i32 to index
      %get3A_114 = arith.constant 80 : index
      %get3A_115 = tpu.vector_load %arg12[%get3A_113, %get3A_114] {strides = array<i32>} : memref<64x768xf32, #tpu.memory_space<vmem>>, vector<1x16xf32>,
      %get3A_116 = vector.shape_cast %get3A_115 : vector<1x16xf32> to vector<16xf32>
      %mul3A_117 = arith.mulf %get3A_29, %get3A_116 : vector<16xf32>
      %get3A_118 = arith.index_cast %scan3A_26 : i32 to index
      %get3A_119 = arith.constant 80 : index
      %get3A_120 = tpu.vector_load %arg13[%get3A_118, %get3A_119] {strides = array<i32>} : memref<64x768xf32, #tpu.memory_space<vmem>>, vector<1x16xf32>,
      %get3A_121 = vector.shape_cast %get3A_120 : vector<1x16xf32> to vector<16xf32>
      %mul3A_122 = arith.mulf %get3A_33, %get3A_121 : vector<16xf32>
      %add3A_123 = arith.addf %mul3A_117, %mul3A_122 : vector<16xf32>
      %swap3A_124 = arith.index_cast %scan3A_26 : i32 to index
      %swap3A_125 = arith.constant 80 : index
      %swap3A_126 = tpu.vector_load %arg12[%swap3A_124, %swap3A_125] {strides = array<i32>} : memref<64x768xf32, #tpu.memory_space<vmem>>, vector<1x16xf32>,
      %swap3A_127 = vector.shape_cast %swap3A_126 : vector<1x16xf32> to vector<16xf32>
      %swap3A_128 = vector.shape_cast %add3A_123 : vector<16xf32> to vector<1x16xf32>
      tpu.vector_store %arg12[%swap3A_124, %swap3A_125], %swap3A_128 {strides = array<i32>} : memref<64x768xf32, #tpu.memory_space<vmem>>, vector<1x16xf32>,
      %get3A_129 = arith.index_cast %scan3A_26 : i32 to index
      %get3A_130 = arith.constant 96 : index
      %get3A_131 = tpu.vector_load %arg12[%get3A_129, %get3A_130] {strides = array<i32>} : memref<64x768xf32, #tpu.memory_space<vmem>>, vector<1x16xf32>,
      %get3A_132 = vector.shape_cast %get3A_131 : vector<1x16xf32> to vector<16xf32>
      %mul3A_133 = arith.mulf %get3A_29, %get3A_132 : vector<16xf32>
      %get3A_134 = arith.index_cast %scan3A_26 : i32 to index
      %get3A_135 = arith.constant 96 : index
      %get3A_136 = tpu.vector_load %arg13[%get3A_134, %get3A_135] {strides = array<i32>} : memref<64x768xf32, #tpu.memory_space<vmem>>, vector<1x16xf32>,
      %get3A_137 = vector.shape_cast %get3A_136 : vector<1x16xf32> to vector<16xf32>
      %mul3A_138 = arith.mulf %get3A_33, %get3A_137 : vector<16xf32>
      %add3A_139 = arith.addf %mul3A_133, %mul3A_138 : vector<16xf32>
      %swap3A_140 = arith.index_cast %scan3A_26 : i32 to index
      %swap3A_141 = arith.constant 96 : index
      %swap3A_142 = tpu.vector_load %arg12[%swap3A_140, %swap3A_141] {strides = array<i32>} : memref<64x768xf32, #tpu.memory_space<vmem>>, vector<1x16xf32>,
      %swap3A_143 = vector.shape_cast %swap3A_142 : vector<1x16xf32> to vector<16xf32>
      %swap3A_144 = vector.shape_cast %add3A_139 : vector<16xf32> to vector<1x16xf32>
      tpu.vector_store %arg12[%swap3A_140, %swap3A_141], %swap3A_144 {strides = array<i32>} : memref<64x768xf32, #tpu.memory_space<vmem>>, vector<1x16xf32>,
      %get3A_145 = arith.index_cast %scan3A_26 : i32 to index
      %get3A_146 = arith.constant 112 : index
      %get3A_147 = tpu.vector_load %arg12[%get3A_145, %get3A_146] {strides = array<i32>} : memref<64x768xf32, #tpu.memory_space<vmem>>, vector<1x16xf32>,
      %get3A_148 = vector.shape_cast %get3A_147 : vector<1x16xf32> to vector<16xf32>
      %mul3A_149 = arith.mulf %get3A_29, %get3A_148 : vector<16xf32>
      %get3A_150 = arith.index_cast %scan3A_26 : i32 to index
      %get3A_151 = arith.constant 112 : index
      %get3A_152 = tpu.vector_load %arg13[%get3A_150, %get3A_151] {strides = array<i32>} : memref<64x768xf32, #tpu.memory_space<vmem>>, vector<1x16xf32>,
      %get3A_153 = vector.shape_cast %get3A_152 : vector<1x16xf32> to vector<16xf32>
      %mul3A_154 = arith.mulf %get3A_33, %get3A_153 : vector<16xf32>
      %add3A_155 = arith.addf %mul3A_149, %mul3A_154 : vector<16xf32>
      %swap3A_156 = arith.index_cast %scan3A_26 : i32 to index
      %swap3A_157 = arith.constant 112 : index
      %swap3A_158 = tpu.vector_load %arg12[%swap3A_156, %swap3A_157] {strides = array<i32>} : memref<64x768xf32, #tpu.memory_space<vmem>>, vector<1x16xf32>,
      %swap3A_159 = vector.shape_cast %swap3A_158 : vector<1x16xf32> to vector<16xf32>
      %swap3A_160 = vector.shape_cast %add3A_155 : vector<16xf32> to vector<1x16xf32>
      tpu.vector_store %arg12[%swap3A_156, %swap3A_157], %swap3A_160 {strides = array<i32>} : memref<64x768xf32, #tpu.memory_space<vmem>>, vector<1x16xf32>,
      %get3A_161 = arith.index_cast %scan3A_26 : i32 to index
      %get3A_162 = arith.constant 128 : index
      %get3A_163 = tpu.vector_load %arg12[%get3A_161, %get3A_162] {strides = array<i32>} : memref<64x768xf32, #tpu.memory_space<vmem>>, vector<1x16xf32>,
      %get3A_164 = vector.shape_cast %get3A_163 : vector<1x16xf32> to vector<16xf32>
      %mul3A_165 = arith.mulf %get3A_29, %get3A_164 : vector<16xf32>
      %get3A_166 = arith.index_cast %scan3A_26 : i32 to index
      %get3A_167 = arith.constant 128 : index
      %get3A_168 = tpu.vector_load %arg13[%get3A_166, %get3A_167] {strides = array<i32>} : memref<64x768xf32, #tpu.memory_space<vmem>>, vector<1x16xf32>,
      %get3A_169 = vector.shape_cast %get3A_168 : vector<1x16xf32> to vector<16xf32>
      %mul3A_170 = arith.mulf %get3A_33, %get3A_169 : vector<16xf32>
      %add3A_171 = arith.addf %mul3A_165, %mul3A_170 : vector<16xf32>
      %swap3A_172 = arith.index_cast %scan3A_26 : i32 to index
      %swap3A_173 = arith.constant 128 : index
      %swap3A_174 = tpu.vector_load %arg12[%swap3A_172, %swap3A_173] {strides = array<i32>} : memref<64x768xf32, #tpu.memory_space<vmem>>, vector<1x16xf32>,
      %swap3A_175 = vector.shape_cast %swap3A_174 : vector<1x16xf32> to vector<16xf32>
      %swap3A_176 = vector.shape_cast %add3A_171 : vector<16xf32> to vector<1x16xf32>
      tpu.vector_store %arg12[%swap3A_172, %swap3A_173], %swap3A_176 {strides = array<i32>} : memref<64x768xf32, #tpu.memory_space<vmem>>, vector<1x16xf32>,
      %get3A_177 = arith.index_cast %scan3A_26 : i32 to index
      %get3A_178 = arith.constant 144 : index
      %get3A_179 = tpu.vector_load %arg12[%get3A_177, %get3A_178] {strides = array<i32>} : memref<64x768xf32, #tpu.memory_space<vmem>>, vector<1x16xf32>,
      %get3A_180 = vector.shape_cast %get3A_179 : vector<1x16xf32> to vector<16xf32>
      %mul3A_181 = arith.mulf %get3A_29, %get3A_180 : vector<16xf32>
      %get3A_182 = arith.index_cast %scan3A_26 : i32 to index
      %get3A_183 = arith.constant 144 : index
      %get3A_184 = tpu.vector_load %arg13[%get3A_182, %get3A_183] {strides = array<i32>} : memref<64x768xf32, #tpu.memory_space<vmem>>, vector<1x16xf32>,
      %get3A_185 = vector.shape_cast %get3A_184 : vector<1x16xf32> to vector<16xf32>
      %mul3A_186 = arith.mulf %get3A_33, %get3A_185 : vector<16xf32>
      %add3A_187 = arith.addf %mul3A_181, %mul3A_186 : vector<16xf32>
      %swap3A_188 = arith.index_cast %scan3A_26 : i32 to index
      %swap3A_189 = arith.constant 144 : index
      %swap3A_190 = tpu.vector_load %arg12[%swap3A_188, %swap3A_189] {strides = array<i32>} : memref<64x768xf32, #tpu.memory_space<vmem>>, vector<1x16xf32>,
      %swap3A_191 = vector.shape_cast %swap3A_190 : vector<1x16xf32> to vector<16xf32>
      %swap3A_192 = vector.shape_cast %add3A_187 : vector<16xf32> to vector<1x16xf32>
      tpu.vector_store %arg12[%swap3A_188, %swap3A_189], %swap3A_192 {strides = array<i32>} : memref<64x768xf32, #tpu.memory_space<vmem>>, vector<1x16xf32>,
      %get3A_193 = arith.index_cast %scan3A_26 : i32 to index
      %get3A_194 = arith.constant 160 : index
      %get3A_195 = tpu.vector_load %arg12[%get3A_193, %get3A_194] {strides = array<i32>} : memref<64x768xf32, #tpu.memory_space<vmem>>, vector<1x16xf32>,
      %get3A_196 = vector.shape_cast %get3A_195 : vector<1x16xf32> to vector<16xf32>
      %mul3A_197 = arith.mulf %get3A_29, %get3A_196 : vector<16xf32>
      %get3A_198 = arith.index_cast %scan3A_26 : i32 to index
      %get3A_199 = arith.constant 160 : index
      %get3A_200 = tpu.vector_load %arg13[%get3A_198, %get3A_199] {strides = array<i32>} : memref<64x768xf32, #tpu.memory_space<vmem>>, vector<1x16xf32>,
      %get3A_201 = vector.shape_cast %get3A_200 : vector<1x16xf32> to vector<16xf32>
      %mul3A_202 = arith.mulf %get3A_33, %get3A_201 : vector<16xf32>
      %add3A_203 = arith.addf %mul3A_197, %mul3A_202 : vector<16xf32>
      %swap3A_204 = arith.index_cast %scan3A_26 : i32 to index
      %swap3A_205 = arith.constant 160 : index
      %swap3A_206 = tpu.vector_load %arg12[%swap3A_204, %swap3A_205] {strides = array<i32>} : memref<64x768xf32, #tpu.memory_space<vmem>>, vector<1x16xf32>,
      %swap3A_207 = vector.shape_cast %swap3A_206 : vector<1x16xf32> to vector<16xf32>
      %swap3A_208 = vector.shape_cast %add3A_203 : vector<16xf32> to vector<1x16xf32>
      tpu.vector_store %arg12[%swap3A_204, %swap3A_205], %swap3A_208 {strides = array<i32>} : memref<64x768xf32, #tpu.memory_space<vmem>>, vector<1x16xf32>,
      %get3A_209 = arith.index_cast %scan3A_26 : i32 to index
      %get3A_210 = arith.constant 176 : index
      %get3A_211 = tpu.vector_load %arg12[%get3A_209, %get3A_210] {strides = array<i32>} : memref<64x768xf32, #tpu.memory_space<vmem>>, vector<1x16xf32>,
      %get3A_212 = vector.shape_cast %get3A_211 : vector<1x16xf32> to vector<16xf32>
      %mul3A_213 = arith.mulf %get3A_29, %get3A_212 : vector<16xf32>
      %get3A_214 = arith.index_cast %scan3A_26 : i32 to index
      %get3A_215 = arith.constant 176 : index
      %get3A_216 = tpu.vector_load %arg13[%get3A_214, %get3A_215] {strides = array<i32>} : memref<64x768xf32, #tpu.memory_space<vmem>>, vector<1x16xf32>,
      %get3A_217 = vector.shape_cast %get3A_216 : vector<1x16xf32> to vector<16xf32>
      %mul3A_218 = arith.mulf %get3A_33, %get3A_217 : vector<16xf32>
      %add3A_219 = arith.addf %mul3A_213, %mul3A_218 : vector<16xf32>
      %swap3A_220 = arith.index_cast %scan3A_26 : i32 to index
      %swap3A_221 = arith.constant 176 : index
      %swap3A_222 = tpu.vector_load %arg12[%swap3A_220, %swap3A_221] {strides = array<i32>} : memref<64x768xf32, #tpu.memory_space<vmem>>, vector<1x16xf32>,
      %swap3A_223 = vector.shape_cast %swap3A_222 : vector<1x16xf32> to vector<16xf32>
      %swap3A_224 = vector.shape_cast %add3A_219 : vector<16xf32> to vector<1x16xf32>
      tpu.vector_store %arg12[%swap3A_220, %swap3A_221], %swap3A_224 {strides = array<i32>} : memref<64x768xf32, #tpu.memory_space<vmem>>, vector<1x16xf32>,
      %get3A_225 = arith.index_cast %scan3A_26 : i32 to index
      %get3A_226 = arith.constant 192 : index
      %get3A_227 = tpu.vector_load %arg12[%get3A_225, %get3A_226] {strides = array<i32>} : memref<64x768xf32, #tpu.memory_space<vmem>>, vector<1x16xf32>,
      %get3A_228 = vector.shape_cast %get3A_227 : vector<1x16xf32> to vector<16xf32>
      %mul3A_229 = arith.mulf %get3A_29, %get3A_228 : vector<16xf32>
      %get3A_230 = arith.index_cast %scan3A_26 : i32 to index
      %get3A_231 = arith.constant 192 : index
      %get3A_232 = tpu.vector_load %arg13[%get3A_230, %get3A_231] {strides = array<i32>} : memref<64x768xf32, #tpu.memory_space<vmem>>, vector<1x16xf32>,
      %get3A_233 = vector.shape_cast %get3A_232 : vector<1x16xf32> to vector<16xf32>
      %mul3A_234 = arith.mulf %get3A_33, %get3A_233 : vector<16xf32>
      %add3A_235 = arith.addf %mul3A_229, %mul3A_234 : vector<16xf32>
      %swap3A_236 = arith.index_cast %scan3A_26 : i32 to index
      %swap3A_237 = arith.constant 192 : index
      %swap3A_238 = tpu.vector_load %arg12[%swap3A_236, %swap3A_237] {strides = array<i32>} : memref<64x768xf32, #tpu.memory_space<vmem>>, vector<1x16xf32>,
      %swap3A_239 = vector.shape_cast %swap3A_238 : vector<1x16xf32> to vector<16xf32>
      %swap3A_240 = vector.shape_cast %add3A_235 : vector<16xf32> to vector<1x16xf32>
      tpu.vector_store %arg12[%swap3A_236, %swap3A_237], %swap3A_240 {strides = array<i32>} : memref<64x768xf32, #tpu.memory_space<vmem>>, vector<1x16xf32>,
      %get3A_241 = arith.index_cast %scan3A_26 : i32 to index
      %get3A_242 = arith.constant 208 : index
      %get3A_243 = tpu.vector_load %arg12[%get3A_241, %get3A_242] {strides = array<i32>} : memref<64x768xf32, #tpu.memory_space<vmem>>, vector<1x16xf32>,
      %get3A_244 = vector.shape_cast %get3A_243 : vector<1x16xf32> to vector<16xf32>
      %mul3A_245 = arith.mulf %get3A_29, %get3A_244 : vector<16xf32>
      %get3A_246 = arith.index_cast %scan3A_26 : i32 to index
      %get3A_247 = arith.constant 208 : index
      %get3A_248 = tpu.vector_load %arg13[%get3A_246, %get3A_247] {strides = array<i32>} : memref<64x768xf32, #tpu.memory_space<vmem>>, vector<1x16xf32>,
      %get3A_249 = vector.shape_cast %get3A_248 : vector<1x16xf32> to vector<16xf32>
      %mul3A_250 = arith.mulf %get3A_33, %get3A_249 : vector<16xf32>
      %add3A_251 = arith.addf %mul3A_245, %mul3A_250 : vector<16xf32>
      %swap3A_252 = arith.index_cast %scan3A_26 : i32 to index
      %swap3A_253 = arith.constant 208 : index
      %swap3A_254 = tpu.vector_load %arg12[%swap3A_252, %swap3A_253] {strides = array<i32>} : memref<64x768xf32, #tpu.memory_space<vmem>>, vector<1x16xf32>,
      %swap3A_255 = vector.shape_cast %swap3A_254 : vector<1x16xf32> to vector<16xf32>
      %swap3A_256 = vector.shape_cast %add3A_251 : vector<16xf32> to vector<1x16xf32>
      tpu.vector_store %arg12[%swap3A_252, %swap3A_253], %swap3A_256 {strides = array<i32>} : memref<64x768xf32, #tpu.memory_space<vmem>>, vector<1x16xf32>,
      %get3A_257 = arith.index_cast %scan3A_26 : i32 to index
      %get3A_258 = arith.constant 224 : index
      %get3A_259 = tpu.vector_load %arg12[%get3A_257, %get3A_258] {strides = array<i32>} : memref<64x768xf32, #tpu.memory_space<vmem>>, vector<1x16xf32>,
      %get3A_260 = vector.shape_cast %get3A_259 : vector<1x16xf32> to vector<16xf32>
      %mul3A_261 = arith.mulf %get3A_29, %get3A_260 : vector<16xf32>
      %get3A_262 = arith.index_cast %scan3A_26 : i32 to index
      %get3A_263 = arith.constant 224 : index
      %get3A_264 = tpu.vector_load %arg13[%get3A_262, %get3A_263] {strides = array<i32>} : memref<64x768xf32, #tpu.memory_space<vmem>>, vector<1x16xf32>,
      %get3A_265 = vector.shape_cast %get3A_264 : vector<1x16xf32> to vector<16xf32>
      %mul3A_266 = arith.mulf %get3A_33, %get3A_265 : vector<16xf32>
      %add3A_267 = arith.addf %mul3A_261, %mul3A_266 : vector<16xf32>
      %swap3A_268 = arith.index_cast %scan3A_26 : i32 to index
      %swap3A_269 = arith.constant 224 : index
      %swap3A_270 = tpu.vector_load %arg12[%swap3A_268, %swap3A_269] {strides = array<i32>} : memref<64x768xf32, #tpu.memory_space<vmem>>, vector<1x16xf32>,
      %swap3A_271 = vector.shape_cast %swap3A_270 : vector<1x16xf32> to vector<16xf32>
      %swap3A_272 = vector.shape_cast %add3A_267 : vector<16xf32> to vector<1x16xf32>
      tpu.vector_store %arg12[%swap3A_268, %swap3A_269], %swap3A_272 {strides = array<i32>} : memref<64x768xf32, #tpu.memory_space<vmem>>, vector<1x16xf32>,
      %get3A_273 = arith.index_cast %scan3A_26 : i32 to index
      %get3A_274 = arith.constant 240 : index
      %get3A_275 = tpu.vector_load %arg12[%get3A_273, %get3A_274] {strides = array<i32>} : memref<64x768xf32, #tpu.memory_space<vmem>>, vector<1x16xf32>,
      %get3A_276 = vector.shape_cast %get3A_275 : vector<1x16xf32> to vector<16xf32>
      %mul3A_277 = arith.mulf %get3A_29, %get3A_276 : vector<16xf32>
      %get3A_278 = arith.index_cast %scan3A_26 : i32 to index
      %get3A_279 = arith.constant 240 : index
      %get3A_280 = tpu.vector_load %arg13[%get3A_278, %get3A_279] {strides = array<i32>} : memref<64x768xf32, #tpu.memory_space<vmem>>, vector<1x16xf32>,
      %get3A_281 = vector.shape_cast %get3A_280 : vector<1x16xf32> to vector<16xf32>
      %mul3A_282 = arith.mulf %get3A_33, %get3A_281 : vector<16xf32>
      %add3A_283 = arith.addf %mul3A_277, %mul3A_282 : vector<16xf32>
      %swap3A_284 = arith.index_cast %scan3A_26 : i32 to index
      %swap3A_285 = arith.constant 240 : index
      %swap3A_286 = tpu.vector_load %arg12[%swap3A_284, %swap3A_285] {strides = array<i32>} : memref<64x768xf32, #tpu.memory_space<vmem>>, vector<1x16xf32>,
      %swap3A_287 = vector.shape_cast %swap3A_286 : vector<1x16xf32> to vector<16xf32>
      %swap3A_288 = vector.shape_cast %add3A_283 : vector<16xf32> to vector<1x16xf32>
      tpu.vector_store %arg12[%swap3A_284, %swap3A_285], %swap3A_288 {strides = array<i32>} : memref<64x768xf32, #tpu.memory_space<vmem>>, vector<1x16xf32>,
      %get3A_289 = arith.index_cast %scan3A_26 : i32 to index
      %get3A_290 = arith.constant 256 : index
      %get3A_291 = tpu.vector_load %arg12[%get3A_289, %get3A_290] {strides = array<i32>} : memref<64x768xf32, #tpu.memory_space<vmem>>, vector<1x16xf32>,
      %get3A_292 = vector.shape_cast %get3A_291 : vector<1x16xf32> to vector<16xf32>
      %mul3A_293 = arith.mulf %get3A_29, %get3A_292 : vector<16xf32>
      %get3A_294 = arith.index_cast %scan3A_26 : i32 to index
      %get3A_295 = arith.constant 256 : index
      %get3A_296 = tpu.vector_load %arg13[%get3A_294, %get3A_295] {strides = array<i32>} : memref<64x768xf32, #tpu.memory_space<vmem>>, vector<1x16xf32>,
      %get3A_297 = vector.shape_cast %get3A_296 : vector<1x16xf32> to vector<16xf32>
      %mul3A_298 = arith.mulf %get3A_33, %get3A_297 : vector<16xf32>
      %add3A_299 = arith.addf %mul3A_293, %mul3A_298 : vector<16xf32>
      %swap3A_300 = arith.index_cast %scan3A_26 : i32 to index
      %swap3A_301 = arith.constant 256 : index
      %swap3A_302 = tpu.vector_load %arg12[%swap3A_300, %swap3A_301] {strides = array<i32>} : memref<64x768xf32, #tpu.memory_space<vmem>>, vector<1x16xf32>,
      %swap3A_303 = vector.shape_cast %swap3A_302 : vector<1x16xf32> to vector<16xf32>
      %swap3A_304 = vector.shape_cast %add3A_299 : vector<16xf32> to vector<1x16xf32>
      tpu.vector_store %arg12[%swap3A_300, %swap3A_301], %swap3A_304 {strides = array<i32>} : memref<64x768xf32, #tpu.memory_space<vmem>>, vector<1x16xf32>,
      %get3A_305 = arith.index_cast %scan3A_26 : i32 to index
      %get3A_306 = arith.constant 272 : index
      %get3A_307 = tpu.vector_load %arg12[%get3A_305, %get3A_306] {strides = array<i32>} : memref<64x768xf32, #tpu.memory_space<vmem>>, vector<1x16xf32>,
      %get3A_308 = vector.shape_cast %get3A_307 : vector<1x16xf32> to vector<16xf32>
      %mul3A_309 = arith.mulf %get3A_29, %get3A_308 : vector<16xf32>
      %get3A_310 = arith.index_cast %scan3A_26 : i32 to index
      %get3A_311 = arith.constant 272 : index
      %get3A_312 = tpu.vector_load %arg13[%get3A_310, %get3A_311] {strides = array<i32>} : memref<64x768xf32, #tpu.memory_space<vmem>>, vector<1x16xf32>,
      %get3A_313 = vector.shape_cast %get3A_312 : vector<1x16xf32> to vector<16xf32>
      %mul3A_314 = arith.mulf %get3A_33, %get3A_313 : vector<16xf32>
      %add3A_315 = arith.addf %mul3A_309, %mul3A_314 : vector<16xf32>
      %swap3A_316 = arith.index_cast %scan3A_26 : i32 to index
      %swap3A_317 = arith.constant 272 : index
      %swap3A_318 = tpu.vector_load %arg12[%swap3A_316, %swap3A_317] {strides = array<i32>} : memref<64x768xf32, #tpu.memory_space<vmem>>, vector<1x16xf32>,
      %swap3A_319 = vector.shape_cast %swap3A_318 : vector<1x16xf32> to vector<16xf32>
      %swap3A_320 = vector.shape_cast %add3A_315 : vector<16xf32> to vector<1x16xf32>
      tpu.vector_store %arg12[%swap3A_316, %swap3A_317], %swap3A_320 {strides = array<i32>} : memref<64x768xf32, #tpu.memory_space<vmem>>, vector<1x16xf32>,
      %get3A_321 = arith.index_cast %scan3A_26 : i32 to index
      %get3A_322 = arith.constant 288 : index
      %get3A_323 = tpu.vector_load %arg12[%get3A_321, %get3A_322] {strides = array<i32>} : memref<64x768xf32, #tpu.memory_space<vmem>>, vector<1x16xf32>,
      %get3A_324 = vector.shape_cast %get3A_323 : vector<1x16xf32> to vector<16xf32>
      %mul3A_325 = arith.mulf %get3A_29, %get3A_324 : vector<16xf32>
      %get3A_326 = arith.index_cast %scan3A_26 : i32 to index
      %get3A_327 = arith.constant 288 : index
      %get3A_328 = tpu.vector_load %arg13[%get3A_326, %get3A_327] {strides = array<i32>} : memref<64x768xf32, #tpu.memory_space<vmem>>, vector<1x16xf32>,
      %get3A_329 = vector.shape_cast %get3A_328 : vector<1x16xf32> to vector<16xf32>
      %mul3A_330 = arith.mulf %get3A_33, %get3A_329 : vector<16xf32>
      %add3A_331 = arith.addf %mul3A_325, %mul3A_330 : vector<16xf32>
      %swap3A_332 = arith.index_cast %scan3A_26 : i32 to index
      %swap3A_333 = arith.constant 288 : index
      %swap3A_334 = tpu.vector_load %arg12[%swap3A_332, %swap3A_333] {strides = array<i32>} : memref<64x768xf32, #tpu.memory_space<vmem>>, vector<1x16xf32>,
      %swap3A_335 = vector.shape_cast %swap3A_334 : vector<1x16xf32> to vector<16xf32>
      %swap3A_336 = vector.shape_cast %add3A_331 : vector<16xf32> to vector<1x16xf32>
      tpu.vector_store %arg12[%swap3A_332, %swap3A_333], %swap3A_336 {strides = array<i32>} : memref<64x768xf32, #tpu.memory_space<vmem>>, vector<1x16xf32>,
      %get3A_337 = arith.index_cast %scan3A_26 : i32 to index
      %get3A_338 = arith.constant 304 : index
      %get3A_339 = tpu.vector_load %arg12[%get3A_337, %get3A_338] {strides = array<i32>} : memref<64x768xf32, #tpu.memory_space<vmem>>, vector<1x16xf32>,
      %get3A_340 = vector.shape_cast %get3A_339 : vector<1x16xf32> to vector<16xf32>
      %mul3A_341 = arith.mulf %get3A_29, %get3A_340 : vector<16xf32>
      %get3A_342 = arith.index_cast %scan3A_26 : i32 to index
      %get3A_343 = arith.constant 304 : index
      %get3A_344 = tpu.vector_load %arg13[%get3A_342, %get3A_343] {strides = array<i32>} : memref<64x768xf32, #tpu.memory_space<vmem>>, vector<1x16xf32>,
      %get3A_345 = vector.shape_cast %get3A_344 : vector<1x16xf32> to vector<16xf32>
      %mul3A_346 = arith.mulf %get3A_33, %get3A_345 : vector<16xf32>
      %add3A_347 = arith.addf %mul3A_341, %mul3A_346 : vector<16xf32>
      %swap3A_348 = arith.index_cast %scan3A_26 : i32 to index
      %swap3A_349 = arith.constant 304 : index
      %swap3A_350 = tpu.vector_load %arg12[%swap3A_348, %swap3A_349] {strides = array<i32>} : memref<64x768xf32, #tpu.memory_space<vmem>>, vector<1x16xf32>,
      %swap3A_351 = vector.shape_cast %swap3A_350 : vector<1x16xf32> to vector<16xf32>
      %swap3A_352 = vector.shape_cast %add3A_347 : vector<16xf32> to vector<1x16xf32>
      tpu.vector_store %arg12[%swap3A_348, %swap3A_349], %swap3A_352 {strides = array<i32>} : memref<64x768xf32, #tpu.memory_space<vmem>>, vector<1x16xf32>,
      %get3A_353 = arith.index_cast %scan3A_26 : i32 to index
      %get3A_354 = arith.constant 320 : index
      %get3A_355 = tpu.vector_load %arg12[%get3A_353, %get3A_354] {strides = array<i32>} : memref<64x768xf32, #tpu.memory_space<vmem>>, vector<1x16xf32>,
      %get3A_356 = vector.shape_cast %get3A_355 : vector<1x16xf32> to vector<16xf32>
      %mul3A_357 = arith.mulf %get3A_29, %get3A_356 : vector<16xf32>
      %get3A_358 = arith.index_cast %scan3A_26 : i32 to index
      %get3A_359 = arith.constant 320 : index
      %get3A_360 = tpu.vector_load %arg13[%get3A_358, %get3A_359] {strides = array<i32>} : memref<64x768xf32, #tpu.memory_space<vmem>>, vector<1x16xf32>,
      %get3A_361 = vector.shape_cast %get3A_360 : vector<1x16xf32> to vector<16xf32>
      %mul3A_362 = arith.mulf %get3A_33, %get3A_361 : vector<16xf32>
      %add3A_363 = arith.addf %mul3A_357, %mul3A_362 : vector<16xf32>
      %swap3A_364 = arith.index_cast %scan3A_26 : i32 to index
      %swap3A_365 = arith.constant 320 : index
      %swap3A_366 = tpu.vector_load %arg12[%swap3A_364, %swap3A_365] {strides = array<i32>} : memref<64x768xf32, #tpu.memory_space<vmem>>, vector<1x16xf32>,
      %swap3A_367 = vector.shape_cast %swap3A_366 : vector<1x16xf32> to vector<16xf32>
      %swap3A_368 = vector.shape_cast %add3A_363 : vector<16xf32> to vector<1x16xf32>
      tpu.vector_store %arg12[%swap3A_364, %swap3A_365], %swap3A_368 {strides = array<i32>} : memref<64x768xf32, #tpu.memory_space<vmem>>, vector<1x16xf32>,
      %get3A_369 = arith.index_cast %scan3A_26 : i32 to index
      %get3A_370 = arith.constant 336 : index
      %get3A_371 = tpu.vector_load %arg12[%get3A_369, %get3A_370] {strides = array<i32>} : memref<64x768xf32, #tpu.memory_space<vmem>>, vector<1x16xf32>,
      %get3A_372 = vector.shape_cast %get3A_371 : vector<1x16xf32> to vector<16xf32>
      %mul3A_373 = arith.mulf %get3A_29, %get3A_372 : vector<16xf32>
      %get3A_374 = arith.index_cast %scan3A_26 : i32 to index
      %get3A_375 = arith.constant 336 : index
      %get3A_376 = tpu.vector_load %arg13[%get3A_374, %get3A_375] {strides = array<i32>} : memref<64x768xf32, #tpu.memory_space<vmem>>, vector<1x16xf32>,
      %get3A_377 = vector.shape_cast %get3A_376 : vector<1x16xf32> to vector<16xf32>
      %mul3A_378 = arith.mulf %get3A_33, %get3A_377 : vector<16xf32>
      %add3A_379 = arith.addf %mul3A_373, %mul3A_378 : vector<16xf32>
      %swap3A_380 = arith.index_cast %scan3A_26 : i32 to index
      %swap3A_381 = arith.constant 336 : index
      %swap3A_382 = tpu.vector_load %arg12[%swap3A_380, %swap3A_381] {strides = array<i32>} : memref<64x768xf32, #tpu.memory_space<vmem>>, vector<1x16xf32>,
      %swap3A_383 = vector.shape_cast %swap3A_382 : vector<1x16xf32> to vector<16xf32>
      %swap3A_384 = vector.shape_cast %add3A_379 : vector<16xf32> to vector<1x16xf32>
      tpu.vector_store %arg12[%swap3A_380, %swap3A_381], %swap3A_384 {strides = array<i32>} : memref<64x768xf32, #tpu.memory_space<vmem>>, vector<1x16xf32>,
      %get3A_385 = arith.index_cast %scan3A_26 : i32 to index
      %get3A_386 = arith.constant 352 : index
      %get3A_387 = tpu.vector_load %arg12[%get3A_385, %get3A_386] {strides = array<i32>} : memref<64x768xf32, #tpu.memory_space<vmem>>, vector<1x16xf32>,
      %get3A_388 = vector.shape_cast %get3A_387 : vector<1x16xf32> to vector<16xf32>
      %mul3A_389 = arith.mulf %get3A_29, %get3A_388 : vector<16xf32>
      %get3A_390 = arith.index_cast %scan3A_26 : i32 to index
      %get3A_391 = arith.constant 352 : index
      %get3A_392 = tpu.vector_load %arg13[%get3A_390, %get3A_391] {strides = array<i32>} : memref<64x768xf32, #tpu.memory_space<vmem>>, vector<1x16xf32>,
      %get3A_393 = vector.shape_cast %get3A_392 : vector<1x16xf32> to vector<16xf32>
      %mul3A_394 = arith.mulf %get3A_33, %get3A_393 : vector<16xf32>
      %add3A_395 = arith.addf %mul3A_389, %mul3A_394 : vector<16xf32>
      %swap3A_396 = arith.index_cast %scan3A_26 : i32 to index
      %swap3A_397 = arith.constant 352 : index
      %swap3A_398 = tpu.vector_load %arg12[%swap3A_396, %swap3A_397] {strides = array<i32>} : memref<64x768xf32, #tpu.memory_space<vmem>>, vector<1x16xf32>,
      %swap3A_399 = vector.shape_cast %swap3A_398 : vector<1x16xf32> to vector<16xf32>
      %swap3A_400 = vector.shape_cast %add3A_395 : vector<16xf32> to vector<1x16xf32>
      tpu.vector_store %arg12[%swap3A_396, %swap3A_397], %swap3A_400 {strides = array<i32>} : memref<64x768xf32, #tpu.memory_space<vmem>>, vector<1x16xf32>,
      %get3A_401 = arith.index_cast %scan3A_26 : i32 to index
      %get3A_402 = arith.constant 368 : index
      %get3A_403 = tpu.vector_load %arg12[%get3A_401, %get3A_402] {strides = array<i32>} : memref<64x768xf32, #tpu.memory_space<vmem>>, vector<1x16xf32>,
      %get3A_404 = vector.shape_cast %get3A_403 : vector<1x16xf32> to vector<16xf32>
      %mul3A_405 = arith.mulf %get3A_29, %get3A_404 : vector<16xf32>
      %get3A_406 = arith.index_cast %scan3A_26 : i32 to index
      %get3A_407 = arith.constant 368 : index
      %get3A_408 = tpu.vector_load %arg13[%get3A_406, %get3A_407] {strides = array<i32>} : memref<64x768xf32, #tpu.memory_space<vmem>>, vector<1x16xf32>,
      %get3A_409 = vector.shape_cast %get3A_408 : vector<1x16xf32> to vector<16xf32>
      %mul3A_410 = arith.mulf %get3A_33, %get3A_409 : vector<16xf32>
      %add3A_411 = arith.addf %mul3A_405, %mul3A_410 : vector<16xf32>
      %swap3A_412 = arith.index_cast %scan3A_26 : i32 to index
      %swap3A_413 = arith.constant 368 : index
      %swap3A_414 = tpu.vector_load %arg12[%swap3A_412, %swap3A_413] {strides = array<i32>} : memref<64x768xf32, #tpu.memory_space<vmem>>, vector<1x16xf32>,
      %swap3A_415 = vector.shape_cast %swap3A_414 : vector<1x16xf32> to vector<16xf32>
      %swap3A_416 = vector.shape_cast %add3A_411 : vector<16xf32> to vector<1x16xf32>
      tpu.vector_store %arg12[%swap3A_412, %swap3A_413], %swap3A_416 {strides = array<i32>} : memref<64x768xf32, #tpu.memory_space<vmem>>, vector<1x16xf32>,
      %get3A_417 = arith.index_cast %scan3A_26 : i32 to index
      %get3A_418 = arith.constant 384 : index
      %get3A_419 = tpu.vector_load %arg12[%get3A_417, %get3A_418] {strides = array<i32>} : memref<64x768xf32, #tpu.memory_space<vmem>>, vector<1x16xf32>,
      %get3A_420 = vector.shape_cast %get3A_419 : vector<1x16xf32> to vector<16xf32>
      %mul3A_421 = arith.mulf %get3A_29, %get3A_420 : vector<16xf32>
      %get3A_422 = arith.index_cast %scan3A_26 : i32 to index
      %get3A_423 = arith.constant 384 : index
      %get3A_424 = tpu.vector_load %arg13[%get3A_422, %get3A_423] {strides = array<i32>} : memref<64x768xf32, #tpu.memory_space<vmem>>, vector<1x16xf32>,
      %get3A_425 = vector.shape_cast %get3A_424 : vector<1x16xf32> to vector<16xf32>
      %mul3A_426 = arith.mulf %get3A_33, %get3A_425 : vector<16xf32>
      %add3A_427 = arith.addf %mul3A_421, %mul3A_426 : vector<16xf32>
      %swap3A_428 = arith.index_cast %scan3A_26 : i32 to index
      %swap3A_429 = arith.constant 384 : index
      %swap3A_430 = tpu.vector_load %arg12[%swap3A_428, %swap3A_429] {strides = array<i32>} : memref<64x768xf32, #tpu.memory_space<vmem>>, vector<1x16xf32>,
      %swap3A_431 = vector.shape_cast %swap3A_430 : vector<1x16xf32> to vector<16xf32>
      %swap3A_432 = vector.shape_cast %add3A_427 : vector<16xf32> to vector<1x16xf32>
      tpu.vector_store %arg12[%swap3A_428, %swap3A_429], %swap3A_432 {strides = array<i32>} : memref<64x768xf32, #tpu.memory_space<vmem>>, vector<1x16xf32>,
      %get3A_433 = arith.index_cast %scan3A_26 : i32 to index
      %get3A_434 = arith.constant 400 : index
      %get3A_435 = tpu.vector_load %arg12[%get3A_433, %get3A_434] {strides = array<i32>} : memref<64x768xf32, #tpu.memory_space<vmem>>, vector<1x16xf32>,
      %get3A_436 = vector.shape_cast %get3A_435 : vector<1x16xf32> to vector<16xf32>
      %mul3A_437 = arith.mulf %get3A_29, %get3A_436 : vector<16xf32>
      %get3A_438 = arith.index_cast %scan3A_26 : i32 to index
      %get3A_439 = arith.constant 400 : index
      %get3A_440 = tpu.vector_load %arg13[%get3A_438, %get3A_439] {strides = array<i32>} : memref<64x768xf32, #tpu.memory_space<vmem>>, vector<1x16xf32>,
      %get3A_441 = vector.shape_cast %get3A_440 : vector<1x16xf32> to vector<16xf32>
      %mul3A_442 = arith.mulf %get3A_33, %get3A_441 : vector<16xf32>
      %add3A_443 = arith.addf %mul3A_437, %mul3A_442 : vector<16xf32>
      %swap3A_444 = arith.index_cast %scan3A_26 : i32 to index
      %swap3A_445 = arith.constant 400 : index
      %swap3A_446 = tpu.vector_load %arg12[%swap3A_444, %swap3A_445] {strides = array<i32>} : memref<64x768xf32, #tpu.memory_space<vmem>>, vector<1x16xf32>,
      %swap3A_447 = vector.shape_cast %swap3A_446 : vector<1x16xf32> to vector<16xf32>
      %swap3A_448 = vector.shape_cast %add3A_443 : vector<16xf32> to vector<1x16xf32>
      tpu.vector_store %arg12[%swap3A_444, %swap3A_445], %swap3A_448 {strides = array<i32>} : memref<64x768xf32, #tpu.memory_space<vmem>>, vector<1x16xf32>,
      %get3A_449 = arith.index_cast %scan3A_26 : i32 to index
      %get3A_450 = arith.constant 416 : index
      %get3A_451 = tpu.vector_load %arg12[%get3A_449, %get3A_450] {strides = array<i32>} : memref<64x768xf32, #tpu.memory_space<vmem>>, vector<1x16xf32>,
      %get3A_452 = vector.shape_cast %get3A_451 : vector<1x16xf32> to vector<16xf32>
      %mul3A_453 = arith.mulf %get3A_29, %get3A_452 : vector<16xf32>
      %get3A_454 = arith.index_cast %scan3A_26 : i32 to index
      %get3A_455 = arith.constant 416 : index
      %get3A_456 = tpu.vector_load %arg13[%get3A_454, %get3A_455] {strides = array<i32>} : memref<64x768xf32, #tpu.memory_space<vmem>>, vector<1x16xf32>,
      %get3A_457 = vector.shape_cast %get3A_456 : vector<1x16xf32> to vector<16xf32>
      %mul3A_458 = arith.mulf %get3A_33, %get3A_457 : vector<16xf32>
      %add3A_459 = arith.addf %mul3A_453, %mul3A_458 : vector<16xf32>
      %swap3A_460 = arith.index_cast %scan3A_26 : i32 to index
      %swap3A_461 = arith.constant 416 : index
      %swap3A_462 = tpu.vector_load %arg12[%swap3A_460, %swap3A_461] {strides = array<i32>} : memref<64x768xf32, #tpu.memory_space<vmem>>, vector<1x16xf32>,
      %swap3A_463 = vector.shape_cast %swap3A_462 : vector<1x16xf32> to vector<16xf32>
      %swap3A_464 = vector.shape_cast %add3A_459 : vector<16xf32> to vector<1x16xf32>
      tpu.vector_store %arg12[%swap3A_460, %swap3A_461], %swap3A_464 {strides = array<i32>} : memref<64x768xf32, #tpu.memory_space<vmem>>, vector<1x16xf32>,
      %get3A_465 = arith.index_cast %scan3A_26 : i32 to index
      %get3A_466 = arith.constant 432 : index
      %get3A_467 = tpu.vector_load %arg12[%get3A_465, %get3A_466] {strides = array<i32>} : memref<64x768xf32, #tpu.memory_space<vmem>>, vector<1x16xf32>,
      %get3A_468 = vector.shape_cast %get3A_467 : vector<1x16xf32> to vector<16xf32>
      %mul3A_469 = arith.mulf %get3A_29, %get3A_468 : vector<16xf32>
      %get3A_470 = arith.index_cast %scan3A_26 : i32 to index
      %get3A_471 = arith.constant 432 : index
      %get3A_472 = tpu.vector_load %arg13[%get3A_470, %get3A_471] {strides = array<i32>} : memref<64x768xf32, #tpu.memory_space<vmem>>, vector<1x16xf32>,
      %get3A_473 = vector.shape_cast %get3A_472 : vector<1x16xf32> to vector<16xf32>
      %mul3A_474 = arith.mulf %get3A_33, %get3A_473 : vector<16xf32>
      %add3A_475 = arith.addf %mul3A_469, %mul3A_474 : vector<16xf32>
      %swap3A_476 = arith.index_cast %scan3A_26 : i32 to index
      %swap3A_477 = arith.constant 432 : index
      %swap3A_478 = tpu.vector_load %arg12[%swap3A_476, %swap3A_477] {strides = array<i32>} : memref<64x768xf32, #tpu.memory_space<vmem>>, vector<1x16xf32>,
      %swap3A_479 = vector.shape_cast %swap3A_478 : vector<1x16xf32> to vector<16xf32>
      %swap3A_480 = vector.shape_cast %add3A_475 : vector<16xf32> to vector<1x16xf32>
      tpu.vector_store %arg12[%swap3A_476, %swap3A_477], %swap3A_480 {strides = array<i32>} : memref<64x768xf32, #tpu.memory_space<vmem>>, vector<1x16xf32>,
      %get3A_481 = arith.index_cast %scan3A_26 : i32 to index
      %get3A_482 = arith.constant 448 : index
      %get3A_483 = tpu.vector_load %arg12[%get3A_481, %get3A_482] {strides = array<i32>} : memref<64x768xf32, #tpu.memory_space<vmem>>, vector<1x16xf32>,
      %get3A_484 = vector.shape_cast %get3A_483 : vector<1x16xf32> to vector<16xf32>
      %mul3A_485 = arith.mulf %get3A_29, %get3A_484 : vector<16xf32>
      %get3A_486 = arith.index_cast %scan3A_26 : i32 to index
      %get3A_487 = arith.constant 448 : index
      %get3A_488 = tpu.vector_load %arg13[%get3A_486, %get3A_487] {strides = array<i32>} : memref<64x768xf32, #tpu.memory_space<vmem>>, vector<1x16xf32>,
      %get3A_489 = vector.shape_cast %get3A_488 : vector<1x16xf32> to vector<16xf32>
      %mul3A_490 = arith.mulf %get3A_33, %get3A_489 : vector<16xf32>
      %add3A_491 = arith.addf %mul3A_485, %mul3A_490 : vector<16xf32>
      %swap3A_492 = arith.index_cast %scan3A_26 : i32 to index
      %swap3A_493 = arith.constant 448 : index
      %swap3A_494 = tpu.vector_load %arg12[%swap3A_492, %swap3A_493] {strides = array<i32>} : memref<64x768xf32, #tpu.memory_space<vmem>>, vector<1x16xf32>,
      %swap3A_495 = vector.shape_cast %swap3A_494 : vector<1x16xf32> to vector<16xf32>
      %swap3A_496 = vector.shape_cast %add3A_491 : vector<16xf32> to vector<1x16xf32>
      tpu.vector_store %arg12[%swap3A_492, %swap3A_493], %swap3A_496 {strides = array<i32>} : memref<64x768xf32, #tpu.memory_space<vmem>>, vector<1x16xf32>,
      %get3A_497 = arith.index_cast %scan3A_26 : i32 to index
      %get3A_498 = arith.constant 464 : index
      %get3A_499 = tpu.vector_load %arg12[%get3A_497, %get3A_498] {strides = array<i32>} : memref<64x768xf32, #tpu.memory_space<vmem>>, vector<1x16xf32>,
      %get3A_500 = vector.shape_cast %get3A_499 : vector<1x16xf32> to vector<16xf32>
      %mul3A_501 = arith.mulf %get3A_29, %get3A_500 : vector<16xf32>
      %get3A_502 = arith.index_cast %scan3A_26 : i32 to index
      %get3A_503 = arith.constant 464 : index
      %get3A_504 = tpu.vector_load %arg13[%get3A_502, %get3A_503] {strides = array<i32>} : memref<64x768xf32, #tpu.memory_space<vmem>>, vector<1x16xf32>,
      %get3A_505 = vector.shape_cast %get3A_504 : vector<1x16xf32> to vector<16xf32>
      %mul3A_506 = arith.mulf %get3A_33, %get3A_505 : vector<16xf32>
      %add3A_507 = arith.addf %mul3A_501, %mul3A_506 : vector<16xf32>
      %swap3A_508 = arith.index_cast %scan3A_26 : i32 to index
      %swap3A_509 = arith.constant 464 : index
      %swap3A_510 = tpu.vector_load %arg12[%swap3A_508, %swap3A_509] {strides = array<i32>} : memref<64x768xf32, #tpu.memory_space<vmem>>, vector<1x16xf32>,
      %swap3A_511 = vector.shape_cast %swap3A_510 : vector<1x16xf32> to vector<16xf32>
      %swap3A_512 = vector.shape_cast %add3A_507 : vector<16xf32> to vector<1x16xf32>
      tpu.vector_store %arg12[%swap3A_508, %swap3A_509], %swap3A_512 {strides = array<i32>} : memref<64x768xf32, #tpu.memory_space<vmem>>, vector<1x16xf32>,
      %get3A_513 = arith.index_cast %scan3A_26 : i32 to index
      %get3A_514 = arith.constant 480 : index
      %get3A_515 = tpu.vector_load %arg12[%get3A_513, %get3A_514] {strides = array<i32>} : memref<64x768xf32, #tpu.memory_space<vmem>>, vector<1x16xf32>,
      %get3A_516 = vector.shape_cast %get3A_515 : vector<1x16xf32> to vector<16xf32>
      %mul3A_517 = arith.mulf %get3A_29, %get3A_516 : vector<16xf32>
      %get3A_518 = arith.index_cast %scan3A_26 : i32 to index
      %get3A_519 = arith.constant 480 : index
      %get3A_520 = tpu.vector_load %arg13[%get3A_518, %get3A_519] {strides = array<i32>} : memref<64x768xf32, #tpu.memory_space<vmem>>, vector<1x16xf32>,
      %get3A_521 = vector.shape_cast %get3A_520 : vector<1x16xf32> to vector<16xf32>
      %mul3A_522 = arith.mulf %get3A_33, %get3A_521 : vector<16xf32>
      %add3A_523 = arith.addf %mul3A_517, %mul3A_522 : vector<16xf32>
      %swap3A_524 = arith.index_cast %scan3A_26 : i32 to index
      %swap3A_525 = arith.constant 480 : index
      %swap3A_526 = tpu.vector_load %arg12[%swap3A_524, %swap3A_525] {strides = array<i32>} : memref<64x768xf32, #tpu.memory_space<vmem>>, vector<1x16xf32>,
      %swap3A_527 = vector.shape_cast %swap3A_526 : vector<1x16xf32> to vector<16xf32>
      %swap3A_528 = vector.shape_cast %add3A_523 : vector<16xf32> to vector<1x16xf32>
      tpu.vector_store %arg12[%swap3A_524, %swap3A_525], %swap3A_528 {strides = array<i32>} : memref<64x768xf32, #tpu.memory_space<vmem>>, vector<1x16xf32>,
      %get3A_529 = arith.index_cast %scan3A_26 : i32 to index
      %get3A_530 = arith.constant 496 : index
      %get3A_531 = tpu.vector_load %arg12[%get3A_529, %get3A_530] {strides = array<i32>} : memref<64x768xf32, #tpu.memory_space<vmem>>, vector<1x16xf32>,
      %get3A_532 = vector.shape_cast %get3A_531 : vector<1x16xf32> to vector<16xf32>
      %mul3A_533 = arith.mulf %get3A_29, %get3A_532 : vector<16xf32>
      %get3A_534 = arith.index_cast %scan3A_26 : i32 to index
      %get3A_535 = arith.constant 496 : index
      %get3A_536 = tpu.vector_load %arg13[%get3A_534, %get3A_535] {strides = array<i32>} : memref<64x768xf32, #tpu.memory_space<vmem>>, vector<1x16xf32>,
      %get3A_537 = vector.shape_cast %get3A_536 : vector<1x16xf32> to vector<16xf32>
      %mul3A_538 = arith.mulf %get3A_33, %get3A_537 : vector<16xf32>
      %add3A_539 = arith.addf %mul3A_533, %mul3A_538 : vector<16xf32>
      %swap3A_540 = arith.index_cast %scan3A_26 : i32 to index
      %swap3A_541 = arith.constant 496 : index
      %swap3A_542 = tpu.vector_load %arg12[%swap3A_540, %swap3A_541] {strides = array<i32>} : memref<64x768xf32, #tpu.memory_space<vmem>>, vector<1x16xf32>,
      %swap3A_543 = vector.shape_cast %swap3A_542 : vector<1x16xf32> to vector<16xf32>
      %swap3A_544 = vector.shape_cast %add3A_539 : vector<16xf32> to vector<1x16xf32>
      tpu.vector_store %arg12[%swap3A_540, %swap3A_541], %swap3A_544 {strides = array<i32>} : memref<64x768xf32, #tpu.memory_space<vmem>>, vector<1x16xf32>,
      %get3A_545 = arith.index_cast %scan3A_26 : i32 to index
      %get3A_546 = arith.constant 512 : index
      %get3A_547 = tpu.vector_load %arg12[%get3A_545, %get3A_546] {strides = array<i32>} : memref<64x768xf32, #tpu.memory_space<vmem>>, vector<1x16xf32>,
      %get3A_548 = vector.shape_cast %get3A_547 : vector<1x16xf32> to vector<16xf32>
      %mul3A_549 = arith.mulf %get3A_29, %get3A_548 : vector<16xf32>
      %get3A_550 = arith.index_cast %scan3A_26 : i32 to index
      %get3A_551 = arith.constant 512 : index
      %get3A_552 = tpu.vector_load %arg13[%get3A_550, %get3A_551] {strides = array<i32>} : memref<64x768xf32, #tpu.memory_space<vmem>>, vector<1x16xf32>,
      %get3A_553 = vector.shape_cast %get3A_552 : vector<1x16xf32> to vector<16xf32>
      %mul3A_554 = arith.mulf %get3A_33, %get3A_553 : vector<16xf32>
      %add3A_555 = arith.addf %mul3A_549, %mul3A_554 : vector<16xf32>
      %swap3A_556 = arith.index_cast %scan3A_26 : i32 to index
      %swap3A_557 = arith.constant 512 : index
      %swap3A_558 = tpu.vector_load %arg12[%swap3A_556, %swap3A_557] {strides = array<i32>} : memref<64x768xf32, #tpu.memory_space<vmem>>, vector<1x16xf32>,
      %swap3A_559 = vector.shape_cast %swap3A_558 : vector<1x16xf32> to vector<16xf32>
      %swap3A_560 = vector.shape_cast %add3A_555 : vector<16xf32> to vector<1x16xf32>
      tpu.vector_store %arg12[%swap3A_556, %swap3A_557], %swap3A_560 {strides = array<i32>} : memref<64x768xf32, #tpu.memory_space<vmem>>, vector<1x16xf32>,
      %get3A_561 = arith.index_cast %scan3A_26 : i32 to index
      %get3A_562 = arith.constant 528 : index
      %get3A_563 = tpu.vector_load %arg12[%get3A_561, %get3A_562] {strides = array<i32>} : memref<64x768xf32, #tpu.memory_space<vmem>>, vector<1x16xf32>,
      %get3A_564 = vector.shape_cast %get3A_563 : vector<1x16xf32> to vector<16xf32>
      %mul3A_565 = arith.mulf %get3A_29, %get3A_564 : vector<16xf32>
      %get3A_566 = arith.index_cast %scan3A_26 : i32 to index
      %get3A_567 = arith.constant 528 : index
      %get3A_568 = tpu.vector_load %arg13[%get3A_566, %get3A_567] {strides = array<i32>} : memref<64x768xf32, #tpu.memory_space<vmem>>, vector<1x16xf32>,
      %get3A_569 = vector.shape_cast %get3A_568 : vector<1x16xf32> to vector<16xf32>
      %mul3A_570 = arith.mulf %get3A_33, %get3A_569 : vector<16xf32>
      %add3A_571 = arith.addf %mul3A_565, %mul3A_570 : vector<16xf32>
      %swap3A_572 = arith.index_cast %scan3A_26 : i32 to index
      %swap3A_573 = arith.constant 528 : index
      %swap3A_574 = tpu.vector_load %arg12[%swap3A_572, %swap3A_573] {strides = array<i32>} : memref<64x768xf32, #tpu.memory_space<vmem>>, vector<1x16xf32>,
      %swap3A_575 = vector.shape_cast %swap3A_574 : vector<1x16xf32> to vector<16xf32>
      %swap3A_576 = vector.shape_cast %add3A_571 : vector<16xf32> to vector<1x16xf32>
      tpu.vector_store %arg12[%swap3A_572, %swap3A_573], %swap3A_576 {strides = array<i32>} : memref<64x768xf32, #tpu.memory_space<vmem>>, vector<1x16xf32>,
      %get3A_577 = arith.index_cast %scan3A_26 : i32 to index
      %get3A_578 = arith.constant 544 : index
      %get3A_579 = tpu.vector_load %arg12[%get3A_577, %get3A_578] {strides = array<i32>} : memref<64x768xf32, #tpu.memory_space<vmem>>, vector<1x16xf32>,
      %get3A_580 = vector.shape_cast %get3A_579 : vector<1x16xf32> to vector<16xf32>
      %mul3A_581 = arith.mulf %get3A_29, %get3A_580 : vector<16xf32>
      %get3A_582 = arith.index_cast %scan3A_26 : i32 to index
      %get3A_583 = arith.constant 544 : index
      %get3A_584 = tpu.vector_load %arg13[%get3A_582, %get3A_583] {strides = array<i32>} : memref<64x768xf32, #tpu.memory_space<vmem>>, vector<1x16xf32>,
      %get3A_585 = vector.shape_cast %get3A_584 : vector<1x16xf32> to vector<16xf32>
      %mul3A_586 = arith.mulf %get3A_33, %get3A_585 : vector<16xf32>
      %add3A_587 = arith.addf %mul3A_581, %mul3A_586 : vector<16xf32>
      %swap3A_588 = arith.index_cast %scan3A_26 : i32 to index
      %swap3A_589 = arith.constant 544 : index
      %swap3A_590 = tpu.vector_load %arg12[%swap3A_588, %swap3A_589] {strides = array<i32>} : memref<64x768xf32, #tpu.memory_space<vmem>>, vector<1x16xf32>,
      %swap3A_591 = vector.shape_cast %swap3A_590 : vector<1x16xf32> to vector<16xf32>
      %swap3A_592 = vector.shape_cast %add3A_587 : vector<16xf32> to vector<1x16xf32>
      tpu.vector_store %arg12[%swap3A_588, %swap3A_589], %swap3A_592 {strides = array<i32>} : memref<64x768xf32, #tpu.memory_space<vmem>>, vector<1x16xf32>,
      %get3A_593 = arith.index_cast %scan3A_26 : i32 to index
      %get3A_594 = arith.constant 560 : index
      %get3A_595 = tpu.vector_load %arg12[%get3A_593, %get3A_594] {strides = array<i32>} : memref<64x768xf32, #tpu.memory_space<vmem>>, vector<1x16xf32>,
      %get3A_596 = vector.shape_cast %get3A_595 : vector<1x16xf32> to vector<16xf32>
      %mul3A_597 = arith.mulf %get3A_29, %get3A_596 : vector<16xf32>
      %get3A_598 = arith.index_cast %scan3A_26 : i32 to index
      %get3A_599 = arith.constant 560 : index
      %get3A_600 = tpu.vector_load %arg13[%get3A_598, %get3A_599] {strides = array<i32>} : memref<64x768xf32, #tpu.memory_space<vmem>>, vector<1x16xf32>,
      %get3A_601 = vector.shape_cast %get3A_600 : vector<1x16xf32> to vector<16xf32>
      %mul3A_602 = arith.mulf %get3A_33, %get3A_601 : vector<16xf32>
      %add3A_603 = arith.addf %mul3A_597, %mul3A_602 : vector<16xf32>
      %swap3A_604 = arith.index_cast %scan3A_26 : i32 to index
      %swap3A_605 = arith.constant 560 : index
      %swap3A_606 = tpu.vector_load %arg12[%swap3A_604, %swap3A_605] {strides = array<i32>} : memref<64x768xf32, #tpu.memory_space<vmem>>, vector<1x16xf32>,
      %swap3A_607 = vector.shape_cast %swap3A_606 : vector<1x16xf32> to vector<16xf32>
      %swap3A_608 = vector.shape_cast %add3A_603 : vector<16xf32> to vector<1x16xf32>
      tpu.vector_store %arg12[%swap3A_604, %swap3A_605], %swap3A_608 {strides = array<i32>} : memref<64x768xf32, #tpu.memory_space<vmem>>, vector<1x16xf32>,
      %get3A_609 = arith.index_cast %scan3A_26 : i32 to index
      %get3A_610 = arith.constant 576 : index
      %get3A_611 = tpu.vector_load %arg12[%get3A_609, %get3A_610] {strides = array<i32>} : memref<64x768xf32, #tpu.memory_space<vmem>>, vector<1x16xf32>,
      %get3A_612 = vector.shape_cast %get3A_611 : vector<1x16xf32> to vector<16xf32>
      %mul3A_613 = arith.mulf %get3A_29, %get3A_612 : vector<16xf32>
      %get3A_614 = arith.index_cast %scan3A_26 : i32 to index
      %get3A_615 = arith.constant 576 : index
      %get3A_616 = tpu.vector_load %arg13[%get3A_614, %get3A_615] {strides = array<i32>} : memref<64x768xf32, #tpu.memory_space<vmem>>, vector<1x16xf32>,
      %get3A_617 = vector.shape_cast %get3A_616 : vector<1x16xf32> to vector<16xf32>
      %mul3A_618 = arith.mulf %get3A_33, %get3A_617 : vector<16xf32>
      %add3A_619 = arith.addf %mul3A_613, %mul3A_618 : vector<16xf32>
      %swap3A_620 = arith.index_cast %scan3A_26 : i32 to index
      %swap3A_621 = arith.constant 576 : index
      %swap3A_622 = tpu.vector_load %arg12[%swap3A_620, %swap3A_621] {strides = array<i32>} : memref<64x768xf32, #tpu.memory_space<vmem>>, vector<1x16xf32>,
      %swap3A_623 = vector.shape_cast %swap3A_622 : vector<1x16xf32> to vector<16xf32>
      %swap3A_624 = vector.shape_cast %add3A_619 : vector<16xf32> to vector<1x16xf32>
      tpu.vector_store %arg12[%swap3A_620, %swap3A_621], %swap3A_624 {strides = array<i32>} : memref<64x768xf32, #tpu.memory_space<vmem>>, vector<1x16xf32>,
      %get3A_625 = arith.index_cast %scan3A_26 : i32 to index
      %get3A_626 = arith.constant 592 : index
      %get3A_627 = tpu.vector_load %arg12[%get3A_625, %get3A_626] {strides = array<i32>} : memref<64x768xf32, #tpu.memory_space<vmem>>, vector<1x16xf32>,
      %get3A_628 = vector.shape_cast %get3A_627 : vector<1x16xf32> to vector<16xf32>
      %mul3A_629 = arith.mulf %get3A_29, %get3A_628 : vector<16xf32>
      %get3A_630 = arith.index_cast %scan3A_26 : i32 to index
      %get3A_631 = arith.constant 592 : index
      %get3A_632 = tpu.vector_load %arg13[%get3A_630, %get3A_631] {strides = array<i32>} : memref<64x768xf32, #tpu.memory_space<vmem>>, vector<1x16xf32>,
      %get3A_633 = vector.shape_cast %get3A_632 : vector<1x16xf32> to vector<16xf32>
      %mul3A_634 = arith.mulf %get3A_33, %get3A_633 : vector<16xf32>
      %add3A_635 = arith.addf %mul3A_629, %mul3A_634 : vector<16xf32>
      %swap3A_636 = arith.index_cast %scan3A_26 : i32 to index
      %swap3A_637 = arith.constant 592 : index
      %swap3A_638 = tpu.vector_load %arg12[%swap3A_636, %swap3A_637] {strides = array<i32>} : memref<64x768xf32, #tpu.memory_space<vmem>>, vector<1x16xf32>,
      %swap3A_639 = vector.shape_cast %swap3A_638 : vector<1x16xf32> to vector<16xf32>
      %swap3A_640 = vector.shape_cast %add3A_635 : vector<16xf32> to vector<1x16xf32>
      tpu.vector_store %arg12[%swap3A_636, %swap3A_637], %swap3A_640 {strides = array<i32>} : memref<64x768xf32, #tpu.memory_space<vmem>>, vector<1x16xf32>,
      %get3A_641 = arith.index_cast %scan3A_26 : i32 to index
      %get3A_642 = arith.constant 608 : index
      %get3A_643 = tpu.vector_load %arg12[%get3A_641, %get3A_642] {strides = array<i32>} : memref<64x768xf32, #tpu.memory_space<vmem>>, vector<1x16xf32>,
      %get3A_644 = vector.shape_cast %get3A_643 : vector<1x16xf32> to vector<16xf32>
      %mul3A_645 = arith.mulf %get3A_29, %get3A_644 : vector<16xf32>
      %get3A_646 = arith.index_cast %scan3A_26 : i32 to index
      %get3A_647 = arith.constant 608 : index
      %get3A_648 = tpu.vector_load %arg13[%get3A_646, %get3A_647] {strides = array<i32>} : memref<64x768xf32, #tpu.memory_space<vmem>>, vector<1x16xf32>,
      %get3A_649 = vector.shape_cast %get3A_648 : vector<1x16xf32> to vector<16xf32>
      %mul3A_650 = arith.mulf %get3A_33, %get3A_649 : vector<16xf32>
      %add3A_651 = arith.addf %mul3A_645, %mul3A_650 : vector<16xf32>
      %swap3A_652 = arith.index_cast %scan3A_26 : i32 to index
      %swap3A_653 = arith.constant 608 : index
      %swap3A_654 = tpu.vector_load %arg12[%swap3A_652, %swap3A_653] {strides = array<i32>} : memref<64x768xf32, #tpu.memory_space<vmem>>, vector<1x16xf32>,
      %swap3A_655 = vector.shape_cast %swap3A_654 : vector<1x16xf32> to vector<16xf32>
      %swap3A_656 = vector.shape_cast %add3A_651 : vector<16xf32> to vector<1x16xf32>
      tpu.vector_store %arg12[%swap3A_652, %swap3A_653], %swap3A_656 {strides = array<i32>} : memref<64x768xf32, #tpu.memory_space<vmem>>, vector<1x16xf32>,
      %get3A_657 = arith.index_cast %scan3A_26 : i32 to index
      %get3A_658 = arith.constant 624 : index
      %get3A_659 = tpu.vector_load %arg12[%get3A_657, %get3A_658] {strides = array<i32>} : memref<64x768xf32, #tpu.memory_space<vmem>>, vector<1x16xf32>,
      %get3A_660 = vector.shape_cast %get3A_659 : vector<1x16xf32> to vector<16xf32>
      %mul3A_661 = arith.mulf %get3A_29, %get3A_660 : vector<16xf32>
      %get3A_662 = arith.index_cast %scan3A_26 : i32 to index
      %get3A_663 = arith.constant 624 : index
      %get3A_664 = tpu.vector_load %arg13[%get3A_662, %get3A_663] {strides = array<i32>} : memref<64x768xf32, #tpu.memory_space<vmem>>, vector<1x16xf32>,
      %get3A_665 = vector.shape_cast %get3A_664 : vector<1x16xf32> to vector<16xf32>
      %mul3A_666 = arith.mulf %get3A_33, %get3A_665 : vector<16xf32>
      %add3A_667 = arith.addf %mul3A_661, %mul3A_666 : vector<16xf32>
      %swap3A_668 = arith.index_cast %scan3A_26 : i32 to index
      %swap3A_669 = arith.constant 624 : index
      %swap3A_670 = tpu.vector_load %arg12[%swap3A_668, %swap3A_669] {strides = array<i32>} : memref<64x768xf32, #tpu.memory_space<vmem>>, vector<1x16xf32>,
      %swap3A_671 = vector.shape_cast %swap3A_670 : vector<1x16xf32> to vector<16xf32>
      %swap3A_672 = vector.shape_cast %add3A_667 : vector<16xf32> to vector<1x16xf32>
      tpu.vector_store %arg12[%swap3A_668, %swap3A_669], %swap3A_672 {strides = array<i32>} : memref<64x768xf32, #tpu.memory_space<vmem>>, vector<1x16xf32>,
      %get3A_673 = arith.index_cast %scan3A_26 : i32 to index
      %get3A_674 = arith.constant 640 : index
      %get3A_675 = tpu.vector_load %arg12[%get3A_673, %get3A_674] {strides = array<i32>} : memref<64x768xf32, #tpu.memory_space<vmem>>, vector<1x16xf32>,
      %get3A_676 = vector.shape_cast %get3A_675 : vector<1x16xf32> to vector<16xf32>
      %mul3A_677 = arith.mulf %get3A_29, %get3A_676 : vector<16xf32>
      %get3A_678 = arith.index_cast %scan3A_26 : i32 to index
      %get3A_679 = arith.constant 640 : index
      %get3A_680 = tpu.vector_load %arg13[%get3A_678, %get3A_679] {strides = array<i32>} : memref<64x768xf32, #tpu.memory_space<vmem>>, vector<1x16xf32>,
      %get3A_681 = vector.shape_cast %get3A_680 : vector<1x16xf32> to vector<16xf32>
      %mul3A_682 = arith.mulf %get3A_33, %get3A_681 : vector<16xf32>
      %add3A_683 = arith.addf %mul3A_677, %mul3A_682 : vector<16xf32>
      %swap3A_684 = arith.index_cast %scan3A_26 : i32 to index
      %swap3A_685 = arith.constant 640 : index
      %swap3A_686 = tpu.vector_load %arg12[%swap3A_684, %swap3A_685] {strides = array<i32>} : memref<64x768xf32, #tpu.memory_space<vmem>>, vector<1x16xf32>,
      %swap3A_687 = vector.shape_cast %swap3A_686 : vector<1x16xf32> to vector<16xf32>
      %swap3A_688 = vector.shape_cast %add3A_683 : vector<16xf32> to vector<1x16xf32>
      tpu.vector_store %arg12[%swap3A_684, %swap3A_685], %swap3A_688 {strides = array<i32>} : memref<64x768xf32, #tpu.memory_space<vmem>>, vector<1x16xf32>,
      %get3A_689 = arith.index_cast %scan3A_26 : i32 to index
      %get3A_690 = arith.constant 656 : index
      %get3A_691 = tpu.vector_load %arg12[%get3A_689, %get3A_690] {strides = array<i32>} : memref<64x768xf32, #tpu.memory_space<vmem>>, vector<1x16xf32>,
      %get3A_692 = vector.shape_cast %get3A_691 : vector<1x16xf32> to vector<16xf32>
      %mul3A_693 = arith.mulf %get3A_29, %get3A_692 : vector<16xf32>
      %get3A_694 = arith.index_cast %scan3A_26 : i32 to index
      %get3A_695 = arith.constant 656 : index
      %get3A_696 = tpu.vector_load %arg13[%get3A_694, %get3A_695] {strides = array<i32>} : memref<64x768xf32, #tpu.memory_space<vmem>>, vector<1x16xf32>,
      %get3A_697 = vector.shape_cast %get3A_696 : vector<1x16xf32> to vector<16xf32>
      %mul3A_698 = arith.mulf %get3A_33, %get3A_697 : vector<16xf32>
      %add3A_699 = arith.addf %mul3A_693, %mul3A_698 : vector<16xf32>
      %swap3A_700 = arith.index_cast %scan3A_26 : i32 to index
      %swap3A_701 = arith.constant 656 : index
      %swap3A_702 = tpu.vector_load %arg12[%swap3A_700, %swap3A_701] {strides = array<i32>} : memref<64x768xf32, #tpu.memory_space<vmem>>, vector<1x16xf32>,
      %swap3A_703 = vector.shape_cast %swap3A_702 : vector<1x16xf32> to vector<16xf32>
      %swap3A_704 = vector.shape_cast %add3A_699 : vector<16xf32> to vector<1x16xf32>
      tpu.vector_store %arg12[%swap3A_700, %swap3A_701], %swap3A_704 {strides = array<i32>} : memref<64x768xf32, #tpu.memory_space<vmem>>, vector<1x16xf32>,
      %get3A_705 = arith.index_cast %scan3A_26 : i32 to index
      %get3A_706 = arith.constant 672 : index
      %get3A_707 = tpu.vector_load %arg12[%get3A_705, %get3A_706] {strides = array<i32>} : memref<64x768xf32, #tpu.memory_space<vmem>>, vector<1x16xf32>,
      %get3A_708 = vector.shape_cast %get3A_707 : vector<1x16xf32> to vector<16xf32>
      %mul3A_709 = arith.mulf %get3A_29, %get3A_708 : vector<16xf32>
      %get3A_710 = arith.index_cast %scan3A_26 : i32 to index
      %get3A_711 = arith.constant 672 : index
      %get3A_712 = tpu.vector_load %arg13[%get3A_710, %get3A_711] {strides = array<i32>} : memref<64x768xf32, #tpu.memory_space<vmem>>, vector<1x16xf32>,
      %get3A_713 = vector.shape_cast %get3A_712 : vector<1x16xf32> to vector<16xf32>
      %mul3A_714 = arith.mulf %get3A_33, %get3A_713 : vector<16xf32>
      %add3A_715 = arith.addf %mul3A_709, %mul3A_714 : vector<16xf32>
      %swap3A_716 = arith.index_cast %scan3A_26 : i32 to index
      %swap3A_717 = arith.constant 672 : index
      %swap3A_718 = tpu.vector_load %arg12[%swap3A_716, %swap3A_717] {strides = array<i32>} : memref<64x768xf32, #tpu.memory_space<vmem>>, vector<1x16xf32>,
      %swap3A_719 = vector.shape_cast %swap3A_718 : vector<1x16xf32> to vector<16xf32>
      %swap3A_720 = vector.shape_cast %add3A_715 : vector<16xf32> to vector<1x16xf32>
      tpu.vector_store %arg12[%swap3A_716, %swap3A_717], %swap3A_720 {strides = array<i32>} : memref<64x768xf32, #tpu.memory_space<vmem>>, vector<1x16xf32>,
      %get3A_721 = arith.index_cast %scan3A_26 : i32 to index
      %get3A_722 = arith.constant 688 : index
      %get3A_723 = tpu.vector_load %arg12[%get3A_721, %get3A_722] {strides = array<i32>} : memref<64x768xf32, #tpu.memory_space<vmem>>, vector<1x16xf32>,
      %get3A_724 = vector.shape_cast %get3A_723 : vector<1x16xf32> to vector<16xf32>
      %mul3A_725 = arith.mulf %get3A_29, %get3A_724 : vector<16xf32>
      %get3A_726 = arith.index_cast %scan3A_26 : i32 to index
      %get3A_727 = arith.constant 688 : index
      %get3A_728 = tpu.vector_load %arg13[%get3A_726, %get3A_727] {strides = array<i32>} : memref<64x768xf32, #tpu.memory_space<vmem>>, vector<1x16xf32>,
      %get3A_729 = vector.shape_cast %get3A_728 : vector<1x16xf32> to vector<16xf32>
      %mul3A_730 = arith.mulf %get3A_33, %get3A_729 : vector<16xf32>
      %add3A_731 = arith.addf %mul3A_725, %mul3A_730 : vector<16xf32>
      %swap3A_732 = arith.index_cast %scan3A_26 : i32 to index
      %swap3A_733 = arith.constant 688 : index
      %swap3A_734 = tpu.vector_load %arg12[%swap3A_732, %swap3A_733] {strides = array<i32>} : memref<64x768xf32, #tpu.memory_space<vmem>>, vector<1x16xf32>,
      %swap3A_735 = vector.shape_cast %swap3A_734 : vector<1x16xf32> to vector<16xf32>
      %swap3A_736 = vector.shape_cast %add3A_731 : vector<16xf32> to vector<1x16xf32>
      tpu.vector_store %arg12[%swap3A_732, %swap3A_733], %swap3A_736 {strides = array<i32>} : memref<64x768xf32, #tpu.memory_space<vmem>>, vector<1x16xf32>,
      %get3A_737 = arith.index_cast %scan3A_26 : i32 to index
      %get3A_738 = arith.constant 704 : index
      %get3A_739 = tpu.vector_load %arg12[%get3A_737, %get3A_738] {strides = array<i32>} : memref<64x768xf32, #tpu.memory_space<vmem>>, vector<1x16xf32>,
      %get3A_740 = vector.shape_cast %get3A_739 : vector<1x16xf32> to vector<16xf32>
      %mul3A_741 = arith.mulf %get3A_29, %get3A_740 : vector<16xf32>
      %get3A_742 = arith.index_cast %scan3A_26 : i32 to index
      %get3A_743 = arith.constant 704 : index
      %get3A_744 = tpu.vector_load %arg13[%get3A_742, %get3A_743] {strides = array<i32>} : memref<64x768xf32, #tpu.memory_space<vmem>>, vector<1x16xf32>,
      %get3A_745 = vector.shape_cast %get3A_744 : vector<1x16xf32> to vector<16xf32>
      %mul3A_746 = arith.mulf %get3A_33, %get3A_745 : vector<16xf32>
      %add3A_747 = arith.addf %mul3A_741, %mul3A_746 : vector<16xf32>
      %swap3A_748 = arith.index_cast %scan3A_26 : i32 to index
      %swap3A_749 = arith.constant 704 : index
      %swap3A_750 = tpu.vector_load %arg12[%swap3A_748, %swap3A_749] {strides = array<i32>} : memref<64x768xf32, #tpu.memory_space<vmem>>, vector<1x16xf32>,
      %swap3A_751 = vector.shape_cast %swap3A_750 : vector<1x16xf32> to vector<16xf32>
      %swap3A_752 = vector.shape_cast %add3A_747 : vector<16xf32> to vector<1x16xf32>
      tpu.vector_store %arg12[%swap3A_748, %swap3A_749], %swap3A_752 {strides = array<i32>} : memref<64x768xf32, #tpu.memory_space<vmem>>, vector<1x16xf32>,
      %get3A_753 = arith.index_cast %scan3A_26 : i32 to index
      %get3A_754 = arith.constant 720 : index
      %get3A_755 = tpu.vector_load %arg12[%get3A_753, %get3A_754] {strides = array<i32>} : memref<64x768xf32, #tpu.memory_space<vmem>>, vector<1x16xf32>,
      %get3A_756 = vector.shape_cast %get3A_755 : vector<1x16xf32> to vector<16xf32>
      %mul3A_757 = arith.mulf %get3A_29, %get3A_756 : vector<16xf32>
      %get3A_758 = arith.index_cast %scan3A_26 : i32 to index
      %get3A_759 = arith.constant 720 : index
      %get3A_760 = tpu.vector_load %arg13[%get3A_758, %get3A_759] {strides = array<i32>} : memref<64x768xf32, #tpu.memory_space<vmem>>, vector<1x16xf32>,
      %get3A_761 = vector.shape_cast %get3A_760 : vector<1x16xf32> to vector<16xf32>
      %mul3A_762 = arith.mulf %get3A_33, %get3A_761 : vector<16xf32>
      %add3A_763 = arith.addf %mul3A_757, %mul3A_762 : vector<16xf32>
      %swap3A_764 = arith.index_cast %scan3A_26 : i32 to index
      %swap3A_765 = arith.constant 720 : index
      %swap3A_766 = tpu.vector_load %arg12[%swap3A_764, %swap3A_765] {strides = array<i32>} : memref<64x768xf32, #tpu.memory_space<vmem>>, vector<1x16xf32>,
      %swap3A_767 = vector.shape_cast %swap3A_766 : vector<1x16xf32> to vector<16xf32>
      %swap3A_768 = vector.shape_cast %add3A_763 : vector<16xf32> to vector<1x16xf32>
      tpu.vector_store %arg12[%swap3A_764, %swap3A_765], %swap3A_768 {strides = array<i32>} : memref<64x768xf32, #tpu.memory_space<vmem>>, vector<1x16xf32>,
      %get3A_769 = arith.index_cast %scan3A_26 : i32 to index
      %get3A_770 = arith.constant 736 : index
      %get3A_771 = tpu.vector_load %arg12[%get3A_769, %get3A_770] {strides = array<i32>} : memref<64x768xf32, #tpu.memory_space<vmem>>, vector<1x16xf32>,
      %get3A_772 = vector.shape_cast %get3A_771 : vector<1x16xf32> to vector<16xf32>
      %mul3A_773 = arith.mulf %get3A_29, %get3A_772 : vector<16xf32>
      %get3A_774 = arith.index_cast %scan3A_26 : i32 to index
      %get3A_775 = arith.constant 736 : index
      %get3A_776 = tpu.vector_load %arg13[%get3A_774, %get3A_775] {strides = array<i32>} : memref<64x768xf32, #tpu.memory_space<vmem>>, vector<1x16xf32>,
      %get3A_777 = vector.shape_cast %get3A_776 : vector<1x16xf32> to vector<16xf32>
      %mul3A_778 = arith.mulf %get3A_33, %get3A_777 : vector<16xf32>
      %add3A_779 = arith.addf %mul3A_773, %mul3A_778 : vector<16xf32>
      %swap3A_780 = arith.index_cast %scan3A_26 : i32 to index
      %swap3A_781 = arith.constant 736 : index
      %swap3A_782 = tpu.vector_load %arg12[%swap3A_780, %swap3A_781] {strides = array<i32>} : memref<64x768xf32, #tpu.memory_space<vmem>>, vector<1x16xf32>,
      %swap3A_783 = vector.shape_cast %swap3A_782 : vector<1x16xf32> to vector<16xf32>
      %swap3A_784 = vector.shape_cast %add3A_779 : vector<16xf32> to vector<1x16xf32>
      tpu.vector_store %arg12[%swap3A_780, %swap3A_781], %swap3A_784 {strides = array<i32>} : memref<64x768xf32, #tpu.memory_space<vmem>>, vector<1x16xf32>,
      %get3A_785 = arith.index_cast %scan3A_26 : i32 to index
      %get3A_786 = arith.constant 752 : index
      %get3A_787 = tpu.vector_load %arg12[%get3A_785, %get3A_786] {strides = array<i32>} : memref<64x768xf32, #tpu.memory_space<vmem>>, vector<1x16xf32>,
      %get3A_788 = vector.shape_cast %get3A_787 : vector<1x16xf32> to vector<16xf32>
      %mul3A_789 = arith.mulf %get3A_29, %get3A_788 : vector<16xf32>
      %get3A_790 = arith.index_cast %scan3A_26 : i32 to index
      %get3A_791 = arith.constant 752 : index
      %get3A_792 = tpu.vector_load %arg13[%get3A_790, %get3A_791] {strides = array<i32>} : memref<64x768xf32, #tpu.memory_space<vmem>>, vector<1x16xf32>,
      %get3A_793 = vector.shape_cast %get3A_792 : vector<1x16xf32> to vector<16xf32>
      %mul3A_794 = arith.mulf %get3A_33, %get3A_793 : vector<16xf32>
      %add3A_795 = arith.addf %mul3A_789, %mul3A_794 : vector<16xf32>
      %swap3A_796 = arith.index_cast %scan3A_26 : i32 to index
      %swap3A_797 = arith.constant 752 : index
      %swap3A_798 = tpu.vector_load %arg12[%swap3A_796, %swap3A_797] {strides = array<i32>} : memref<64x768xf32, #tpu.memory_space<vmem>>, vector<1x16xf32>,
      %swap3A_799 = vector.shape_cast %swap3A_798 : vector<1x16xf32> to vector<16xf32>
      %swap3A_800 = vector.shape_cast %add3A_795 : vector<16xf32> to vector<1x16xf32>
      tpu.vector_store %arg12[%swap3A_796, %swap3A_797], %swap3A_800 {strides = array<i32>} : memref<64x768xf32, #tpu.memory_space<vmem>>, vector<1x16xf32>,
    }
    %scan3A_25 = arith.constant 64 : i32
    "tpu.region"() ({
      %run_scoped3A = tpu.sem_alloc : memref<!tpu.dma_semaphore, #tpu.memory_space<semaphore_mem>>
      %dma_start3A_26 = arith.constant 0 : i32
      %dma_start3A_27 = tpu.memref_slice %arg7[%mul3A_2, %dma_start3A_26] : memref<2048x768xf32, #tpu.memory_space<hbm>> -> memref<64x768xf32, #tpu.memory_space<hbm>>
      %dma_start3A_28 = arith.constant 0 : i32
      %dma_start3A_29 = tpu.memref_slice %arg7[%mul3A_2, %dma_start3A_28] : memref<2048x768xf32, #tpu.memory_space<hbm>> -> memref<64x768xf32, #tpu.memory_space<hbm>>
      tpu.enqueue_dma source(%arg12 : memref<64x768xf32, #tpu.memory_space<vmem>>) target(%dma_start3A_29 : memref<64x768xf32, #tpu.memory_space<hbm>>) target_semaphore(%run_scoped3A : memref<!tpu.dma_semaphore, #tpu.memory_space<semaphore_mem>>)
      %dma_wait3A_30 = arith.constant 0 : i32
      %dma_wait3A_31 = tpu.memref_slice %arg7[%mul3A_2, %dma_wait3A_30] : memref<2048x768xf32, #tpu.memory_space<hbm>> -> memref<64x768xf32, #tpu.memory_space<hbm>>
      %dma_wait3A_32 = arith.constant 0 : i32
      %dma_wait3A_33 = tpu.memref_slice %arg7[%mul3A_2, %dma_wait3A_32] : memref<2048x768xf32, #tpu.memory_space<hbm>> -> memref<64x768xf32, #tpu.memory_space<hbm>>
      tpu.wait_dma2 semaphore(%run_scoped3A : memref<!tpu.dma_semaphore, #tpu.memory_space<semaphore_mem>>) src(%arg12 : memref<64x768xf32, #tpu.memory_space<vmem>>) dst(%dma_wait3A_33 : memref<64x768xf32, #tpu.memory_space<hbm>>)
      tpu.yield
    }) : () -> ()
    return
  }
}

module attributes {stable_mosaic.version = 14 : i64} {
  func.func @_router_body(%arg0: memref<2048x768xf32, #tpu.memory_space<vmem>>, %arg1: memref<768x8xf32, #tpu.memory_space<vmem>>, %arg2: memref<1x8xf32, #tpu.memory_space<vmem>>, %arg3: memref<2048x1xi32, #tpu.memory_space<vmem>>, %arg4: memref<2048x1xi32, #tpu.memory_space<vmem>>, %arg5: memref<2048x16xf32, #tpu.memory_space<vmem>>, %arg6: memref<2048x16xf32, #tpu.memory_space<vmem>>, %arg7: memref<24x1xi32, #tpu.memory_space<vmem>>, %arg8: memref<1x1xi32, #tpu.memory_space<vmem>>, %arg9: memref<24x1xi32, #tpu.memory_space<vmem>>, %arg10: memref<24x1xi32, #tpu.memory_space<vmem>>, %arg11: memref<24x1xi32, #tpu.memory_space<vmem>>, %arg12: memref<24x1xi32, #tpu.memory_space<vmem>>, %arg13: memref<24x1xi32, #tpu.memory_space<vmem>>, %arg14: memref<1x1xi32, #tpu.memory_space<vmem>>, %arg15: memref<8x1xi32, #tpu.memory_space<vmem>>) attributes {dimension_semantics = [], scalar_prefetch = 0 : i64, scratch_operands = 0 : i64, tpu.core_type = #tpu.core_type<tc>} {
    %get3A = arith.constant 0 : index
    %get3A_0 = arith.constant 0 : index
    %get3A_1 = vector.load %arg0[%get3A, %get3A_0] : memref<2048x768xf32, #tpu.memory_space<vmem>>, vector<2048x768xf32>
    %get3A_2 = arith.constant 0 : index
    %get3A_3 = arith.constant 0 : index
    %get3A_4 = vector.load %arg1[%get3A_2, %get3A_3] : memref<768x8xf32, #tpu.memory_space<vmem>>, vector<768x8xf32>
    %dot_general3A = arith.constant dense<0.000000e+00> : vector<2048x8xf32>
    %dot_general3A_5 = tpu.matmul %get3A_1, %get3A_4, %dot_general3A {dimension_numbers = #tpu.dot_dimension_numbers<[1], [0], [0], [1], [0, 0, 1, 1], [], []>, transpose_lhs_hint = false} : vector<2048x768xf32>, vector<768x8xf32>, vector<2048x8xf32> -> vector<2048x8xf32>
    %get3A_6 = arith.constant 0 : index
    %get3A_7 = arith.constant 0 : index
    %get3A_8 = vector.load %arg2[%get3A_6, %get3A_7] : memref<1x8xf32, #tpu.memory_space<vmem>>, vector<1x8xf32>
    %add3A = vector.broadcast %get3A_8 : vector<1x8xf32> to vector<2048x8xf32>
    %add3A_9 = arith.addf %dot_general3A_5, %add3A : vector<2048x8xf32>
    %iota3A = tpu.iota {dimensions = array<i32: 1>} : vector<2048x8xi32>
    %reduce_max3A = arith.constant dense<0xFF800000> : vector<2048xf32>
    %reduce_max3A_10 = vector.multi_reduction <maximumf>, %add3A_9, %reduce_max3A [1] : vector<2048x8xf32> to vector<2048xf32>
    %broadcast_in_dim3A = vector.shape_cast %reduce_max3A_10 : vector<2048xf32> to vector<2048x1xf32>
    %eq3A = vector.broadcast %broadcast_in_dim3A : vector<2048x1xf32> to vector<2048x8xf32>
    %eq3A_11 = arith.cmpf oeq, %add3A_9, %eq3A : vector<2048x8xf32>
    %jit3A = arith.constant 8 : i32
    %broadcast_in_dim3A_12 = vector.broadcast %jit3A : i32 to vector<2048x8xi32>
    %select_n3A = arith.select %eq3A_11, %iota3A, %broadcast_in_dim3A_12 : vector<2048x8xi1>, vector<2048x8xi32>
    %reduce_min3A = arith.constant dense<2147483647> : vector<2048xi32>
    %reduce_min3A_13 = vector.multi_reduction <minsi>, %select_n3A, %reduce_min3A [1] : vector<2048x8xi32> to vector<2048xi32>
    %broadcast_in_dim3A_14 = vector.shape_cast %reduce_min3A_13 : vector<2048xi32> to vector<2048x1xi32>
    %eq3A_15 = vector.broadcast %broadcast_in_dim3A_14 : vector<2048x1xi32> to vector<2048x8xi32>
    %eq3A_16 = arith.cmpi eq, %iota3A, %eq3A_15 : vector<2048x8xi32>
    %jit3A_17 = arith.constant 0xFF800000 : f32
    %broadcast_in_dim3A_18 = vector.broadcast %jit3A_17 : f32 to vector<2048x8xf32>
    %select_n3A_19 = arith.select %eq3A_16, %broadcast_in_dim3A_18, %add3A_9 : vector<2048x8xi1>, vector<2048x8xf32>
    %reduce_max3A_20 = arith.constant dense<0xFF800000> : vector<2048xf32>
    %reduce_max3A_21 = vector.multi_reduction <maximumf>, %select_n3A_19, %reduce_max3A_20 [1] : vector<2048x8xf32> to vector<2048xf32>
    %broadcast_in_dim3A_22 = vector.shape_cast %reduce_max3A_21 : vector<2048xf32> to vector<2048x1xf32>
    %eq3A_23 = vector.broadcast %broadcast_in_dim3A_22 : vector<2048x1xf32> to vector<2048x8xf32>
    %eq3A_24 = arith.cmpf oeq, %select_n3A_19, %eq3A_23 : vector<2048x8xf32>
    %jit3A_25 = arith.constant 8 : i32
    %broadcast_in_dim3A_26 = vector.broadcast %jit3A_25 : i32 to vector<2048x8xi32>
    %select_n3A_27 = arith.select %eq3A_24, %iota3A, %broadcast_in_dim3A_26 : vector<2048x8xi1>, vector<2048x8xi32>
    %reduce_min3A_28 = arith.constant dense<2147483647> : vector<2048xi32>
    %reduce_min3A_29 = vector.multi_reduction <minsi>, %select_n3A_27, %reduce_min3A_28 [1] : vector<2048x8xi32> to vector<2048xi32>
    %broadcast_in_dim3A_30 = vector.shape_cast %reduce_min3A_29 : vector<2048xi32> to vector<2048x1xi32>
    %eq3A_31 = vector.broadcast %broadcast_in_dim3A_30 : vector<2048x1xi32> to vector<2048x8xi32>
    %eq3A_32 = arith.cmpi eq, %iota3A, %eq3A_31 : vector<2048x8xi32>
    %sub3A = arith.subf %broadcast_in_dim3A_22, %broadcast_in_dim3A : vector<2048x1xf32>
    %exp3A = math.exp %sub3A : vector<2048x1xf32>
    %add3A_33 = arith.constant 1.000000e+00 : f32
    %add3A_34 = vector.broadcast %add3A_33 : f32 to vector<2048x1xf32>
    %add3A_35 = arith.addf %add3A_34, %exp3A : vector<2048x1xf32>
    %div3A = arith.constant 1.000000e+00 : f32
    %div3A_36 = vector.broadcast %div3A : f32 to vector<2048x1xf32>
    %div3A_37 = arith.divf %div3A_36, %add3A_35 : vector<2048x1xf32>
    %div3A_38 = arith.divf %exp3A, %add3A_35 : vector<2048x1xf32>
    %convert_element_type3A = arith.extui %eq3A_16 : vector<2048x8xi1> to vector<2048x8xi32>
    %convert_element_type3A_39 = arith.sitofp %convert_element_type3A : vector<2048x8xi32> to vector<2048x8xf32>
    %convert_element_type3A_40 = arith.extui %eq3A_32 : vector<2048x8xi1> to vector<2048x8xi32>
    %convert_element_type3A_41 = arith.sitofp %convert_element_type3A_40 : vector<2048x8xi32> to vector<2048x8xf32>
    %concatenate3A = tpu.concatenate %convert_element_type3A_39, %convert_element_type3A_41 in 1 : vector<2048x8xf32>, vector<2048x8xf32> -> vector<2048x16xf32>
    %iota3A_42 = tpu.iota {dimensions = array<i32: 0>} : vector<128x128xi32>
    %iota3A_43 = tpu.iota {dimensions = array<i32: 1>} : vector<128x128xi32>
    %ge3A = arith.cmpi sge, %iota3A_42, %iota3A_43 : vector<128x128xi32>
    %convert_element_type3A_44 = arith.extui %ge3A : vector<128x128xi1> to vector<128x128xi32>
    %convert_element_type3A_45 = arith.sitofp %convert_element_type3A_44 : vector<128x128xi32> to vector<128x128xf32>
    %broadcast_in_dim3A_46 = arith.constant 0.000000e+00 : f32
    %broadcast_in_dim3A_47 = vector.broadcast %broadcast_in_dim3A_46 : f32 to vector<1x16xf32>
    %slice3A = vector.extract_strided_slice %concatenate3A {offsets = [0, 0], sizes = [128, 16], strides = [1, 1]} : vector<2048x16xf32> to vector<128x16xf32>
    %dot_general3A_48 = arith.constant dense<0.000000e+00> : vector<128x16xf32>
    %dot_general3A_49 = tpu.matmul %convert_element_type3A_45, %slice3A, %dot_general3A_48 {dimension_numbers = #tpu.dot_dimension_numbers<[1], [0], [0], [1], [0, 0, 1, 1], [], []>, transpose_lhs_hint = false} : vector<128x128xf32>, vector<128x16xf32>, vector<128x16xf32> -> vector<128x16xf32>
    %add3A_50 = vector.broadcast %broadcast_in_dim3A_47 : vector<1x16xf32> to vector<128x16xf32>
    %add3A_51 = arith.addf %dot_general3A_49, %add3A_50 : vector<128x16xf32>
    %slice3A_52 = vector.extract_strided_slice %add3A_51 {offsets = [127, 0], sizes = [1, 16], strides = [1, 1]} : vector<128x16xf32> to vector<1x16xf32>
    %slice3A_53 = vector.extract_strided_slice %concatenate3A {offsets = [128, 0], sizes = [128, 16], strides = [1, 1]} : vector<2048x16xf32> to vector<128x16xf32>
    %dot_general3A_54 = arith.constant dense<0.000000e+00> : vector<128x16xf32>
    %dot_general3A_55 = tpu.matmul %convert_element_type3A_45, %slice3A_53, %dot_general3A_54 {dimension_numbers = #tpu.dot_dimension_numbers<[1], [0], [0], [1], [0, 0, 1, 1], [], []>, transpose_lhs_hint = false} : vector<128x128xf32>, vector<128x16xf32>, vector<128x16xf32> -> vector<128x16xf32>
    %add3A_56 = vector.broadcast %slice3A_52 : vector<1x16xf32> to vector<128x16xf32>
    %add3A_57 = arith.addf %dot_general3A_55, %add3A_56 : vector<128x16xf32>
    %slice3A_58 = vector.extract_strided_slice %add3A_57 {offsets = [127, 0], sizes = [1, 16], strides = [1, 1]} : vector<128x16xf32> to vector<1x16xf32>
    %slice3A_59 = vector.extract_strided_slice %concatenate3A {offsets = [256, 0], sizes = [128, 16], strides = [1, 1]} : vector<2048x16xf32> to vector<128x16xf32>
    %dot_general3A_60 = arith.constant dense<0.000000e+00> : vector<128x16xf32>
    %dot_general3A_61 = tpu.matmul %convert_element_type3A_45, %slice3A_59, %dot_general3A_60 {dimension_numbers = #tpu.dot_dimension_numbers<[1], [0], [0], [1], [0, 0, 1, 1], [], []>, transpose_lhs_hint = false} : vector<128x128xf32>, vector<128x16xf32>, vector<128x16xf32> -> vector<128x16xf32>
    %add3A_62 = vector.broadcast %slice3A_58 : vector<1x16xf32> to vector<128x16xf32>
    %add3A_63 = arith.addf %dot_general3A_61, %add3A_62 : vector<128x16xf32>
    %slice3A_64 = vector.extract_strided_slice %add3A_63 {offsets = [127, 0], sizes = [1, 16], strides = [1, 1]} : vector<128x16xf32> to vector<1x16xf32>
    %slice3A_65 = vector.extract_strided_slice %concatenate3A {offsets = [384, 0], sizes = [128, 16], strides = [1, 1]} : vector<2048x16xf32> to vector<128x16xf32>
    %dot_general3A_66 = arith.constant dense<0.000000e+00> : vector<128x16xf32>
    %dot_general3A_67 = tpu.matmul %convert_element_type3A_45, %slice3A_65, %dot_general3A_66 {dimension_numbers = #tpu.dot_dimension_numbers<[1], [0], [0], [1], [0, 0, 1, 1], [], []>, transpose_lhs_hint = false} : vector<128x128xf32>, vector<128x16xf32>, vector<128x16xf32> -> vector<128x16xf32>
    %add3A_68 = vector.broadcast %slice3A_64 : vector<1x16xf32> to vector<128x16xf32>
    %add3A_69 = arith.addf %dot_general3A_67, %add3A_68 : vector<128x16xf32>
    %slice3A_70 = vector.extract_strided_slice %add3A_69 {offsets = [127, 0], sizes = [1, 16], strides = [1, 1]} : vector<128x16xf32> to vector<1x16xf32>
    %slice3A_71 = vector.extract_strided_slice %concatenate3A {offsets = [512, 0], sizes = [128, 16], strides = [1, 1]} : vector<2048x16xf32> to vector<128x16xf32>
    %dot_general3A_72 = arith.constant dense<0.000000e+00> : vector<128x16xf32>
    %dot_general3A_73 = tpu.matmul %convert_element_type3A_45, %slice3A_71, %dot_general3A_72 {dimension_numbers = #tpu.dot_dimension_numbers<[1], [0], [0], [1], [0, 0, 1, 1], [], []>, transpose_lhs_hint = false} : vector<128x128xf32>, vector<128x16xf32>, vector<128x16xf32> -> vector<128x16xf32>
    %add3A_74 = vector.broadcast %slice3A_70 : vector<1x16xf32> to vector<128x16xf32>
    %add3A_75 = arith.addf %dot_general3A_73, %add3A_74 : vector<128x16xf32>
    %slice3A_76 = vector.extract_strided_slice %add3A_75 {offsets = [127, 0], sizes = [1, 16], strides = [1, 1]} : vector<128x16xf32> to vector<1x16xf32>
    %slice3A_77 = vector.extract_strided_slice %concatenate3A {offsets = [640, 0], sizes = [128, 16], strides = [1, 1]} : vector<2048x16xf32> to vector<128x16xf32>
    %dot_general3A_78 = arith.constant dense<0.000000e+00> : vector<128x16xf32>
    %dot_general3A_79 = tpu.matmul %convert_element_type3A_45, %slice3A_77, %dot_general3A_78 {dimension_numbers = #tpu.dot_dimension_numbers<[1], [0], [0], [1], [0, 0, 1, 1], [], []>, transpose_lhs_hint = false} : vector<128x128xf32>, vector<128x16xf32>, vector<128x16xf32> -> vector<128x16xf32>
    %add3A_80 = vector.broadcast %slice3A_76 : vector<1x16xf32> to vector<128x16xf32>
    %add3A_81 = arith.addf %dot_general3A_79, %add3A_80 : vector<128x16xf32>
    %slice3A_82 = vector.extract_strided_slice %add3A_81 {offsets = [127, 0], sizes = [1, 16], strides = [1, 1]} : vector<128x16xf32> to vector<1x16xf32>
    %slice3A_83 = vector.extract_strided_slice %concatenate3A {offsets = [768, 0], sizes = [128, 16], strides = [1, 1]} : vector<2048x16xf32> to vector<128x16xf32>
    %dot_general3A_84 = arith.constant dense<0.000000e+00> : vector<128x16xf32>
    %dot_general3A_85 = tpu.matmul %convert_element_type3A_45, %slice3A_83, %dot_general3A_84 {dimension_numbers = #tpu.dot_dimension_numbers<[1], [0], [0], [1], [0, 0, 1, 1], [], []>, transpose_lhs_hint = false} : vector<128x128xf32>, vector<128x16xf32>, vector<128x16xf32> -> vector<128x16xf32>
    %add3A_86 = vector.broadcast %slice3A_82 : vector<1x16xf32> to vector<128x16xf32>
    %add3A_87 = arith.addf %dot_general3A_85, %add3A_86 : vector<128x16xf32>
    %slice3A_88 = vector.extract_strided_slice %add3A_87 {offsets = [127, 0], sizes = [1, 16], strides = [1, 1]} : vector<128x16xf32> to vector<1x16xf32>
    %slice3A_89 = vector.extract_strided_slice %concatenate3A {offsets = [896, 0], sizes = [128, 16], strides = [1, 1]} : vector<2048x16xf32> to vector<128x16xf32>
    %dot_general3A_90 = arith.constant dense<0.000000e+00> : vector<128x16xf32>
    %dot_general3A_91 = tpu.matmul %convert_element_type3A_45, %slice3A_89, %dot_general3A_90 {dimension_numbers = #tpu.dot_dimension_numbers<[1], [0], [0], [1], [0, 0, 1, 1], [], []>, transpose_lhs_hint = false} : vector<128x128xf32>, vector<128x16xf32>, vector<128x16xf32> -> vector<128x16xf32>
    %add3A_92 = vector.broadcast %slice3A_88 : vector<1x16xf32> to vector<128x16xf32>
    %add3A_93 = arith.addf %dot_general3A_91, %add3A_92 : vector<128x16xf32>
    %slice3A_94 = vector.extract_strided_slice %add3A_93 {offsets = [127, 0], sizes = [1, 16], strides = [1, 1]} : vector<128x16xf32> to vector<1x16xf32>
    %slice3A_95 = vector.extract_strided_slice %concatenate3A {offsets = [1024, 0], sizes = [128, 16], strides = [1, 1]} : vector<2048x16xf32> to vector<128x16xf32>
    %dot_general3A_96 = arith.constant dense<0.000000e+00> : vector<128x16xf32>
    %dot_general3A_97 = tpu.matmul %convert_element_type3A_45, %slice3A_95, %dot_general3A_96 {dimension_numbers = #tpu.dot_dimension_numbers<[1], [0], [0], [1], [0, 0, 1, 1], [], []>, transpose_lhs_hint = false} : vector<128x128xf32>, vector<128x16xf32>, vector<128x16xf32> -> vector<128x16xf32>
    %add3A_98 = vector.broadcast %slice3A_94 : vector<1x16xf32> to vector<128x16xf32>
    %add3A_99 = arith.addf %dot_general3A_97, %add3A_98 : vector<128x16xf32>
    %slice3A_100 = vector.extract_strided_slice %add3A_99 {offsets = [127, 0], sizes = [1, 16], strides = [1, 1]} : vector<128x16xf32> to vector<1x16xf32>
    %slice3A_101 = vector.extract_strided_slice %concatenate3A {offsets = [1152, 0], sizes = [128, 16], strides = [1, 1]} : vector<2048x16xf32> to vector<128x16xf32>
    %dot_general3A_102 = arith.constant dense<0.000000e+00> : vector<128x16xf32>
    %dot_general3A_103 = tpu.matmul %convert_element_type3A_45, %slice3A_101, %dot_general3A_102 {dimension_numbers = #tpu.dot_dimension_numbers<[1], [0], [0], [1], [0, 0, 1, 1], [], []>, transpose_lhs_hint = false} : vector<128x128xf32>, vector<128x16xf32>, vector<128x16xf32> -> vector<128x16xf32>
    %add3A_104 = vector.broadcast %slice3A_100 : vector<1x16xf32> to vector<128x16xf32>
    %add3A_105 = arith.addf %dot_general3A_103, %add3A_104 : vector<128x16xf32>
    %slice3A_106 = vector.extract_strided_slice %add3A_105 {offsets = [127, 0], sizes = [1, 16], strides = [1, 1]} : vector<128x16xf32> to vector<1x16xf32>
    %slice3A_107 = vector.extract_strided_slice %concatenate3A {offsets = [1280, 0], sizes = [128, 16], strides = [1, 1]} : vector<2048x16xf32> to vector<128x16xf32>
    %dot_general3A_108 = arith.constant dense<0.000000e+00> : vector<128x16xf32>
    %dot_general3A_109 = tpu.matmul %convert_element_type3A_45, %slice3A_107, %dot_general3A_108 {dimension_numbers = #tpu.dot_dimension_numbers<[1], [0], [0], [1], [0, 0, 1, 1], [], []>, transpose_lhs_hint = false} : vector<128x128xf32>, vector<128x16xf32>, vector<128x16xf32> -> vector<128x16xf32>
    %add3A_110 = vector.broadcast %slice3A_106 : vector<1x16xf32> to vector<128x16xf32>
    %add3A_111 = arith.addf %dot_general3A_109, %add3A_110 : vector<128x16xf32>
    %slice3A_112 = vector.extract_strided_slice %add3A_111 {offsets = [127, 0], sizes = [1, 16], strides = [1, 1]} : vector<128x16xf32> to vector<1x16xf32>
    %slice3A_113 = vector.extract_strided_slice %concatenate3A {offsets = [1408, 0], sizes = [128, 16], strides = [1, 1]} : vector<2048x16xf32> to vector<128x16xf32>
    %dot_general3A_114 = arith.constant dense<0.000000e+00> : vector<128x16xf32>
    %dot_general3A_115 = tpu.matmul %convert_element_type3A_45, %slice3A_113, %dot_general3A_114 {dimension_numbers = #tpu.dot_dimension_numbers<[1], [0], [0], [1], [0, 0, 1, 1], [], []>, transpose_lhs_hint = false} : vector<128x128xf32>, vector<128x16xf32>, vector<128x16xf32> -> vector<128x16xf32>
    %add3A_116 = vector.broadcast %slice3A_112 : vector<1x16xf32> to vector<128x16xf32>
    %add3A_117 = arith.addf %dot_general3A_115, %add3A_116 : vector<128x16xf32>
    %slice3A_118 = vector.extract_strided_slice %add3A_117 {offsets = [127, 0], sizes = [1, 16], strides = [1, 1]} : vector<128x16xf32> to vector<1x16xf32>
    %slice3A_119 = vector.extract_strided_slice %concatenate3A {offsets = [1536, 0], sizes = [128, 16], strides = [1, 1]} : vector<2048x16xf32> to vector<128x16xf32>
    %dot_general3A_120 = arith.constant dense<0.000000e+00> : vector<128x16xf32>
    %dot_general3A_121 = tpu.matmul %convert_element_type3A_45, %slice3A_119, %dot_general3A_120 {dimension_numbers = #tpu.dot_dimension_numbers<[1], [0], [0], [1], [0, 0, 1, 1], [], []>, transpose_lhs_hint = false} : vector<128x128xf32>, vector<128x16xf32>, vector<128x16xf32> -> vector<128x16xf32>
    %add3A_122 = vector.broadcast %slice3A_118 : vector<1x16xf32> to vector<128x16xf32>
    %add3A_123 = arith.addf %dot_general3A_121, %add3A_122 : vector<128x16xf32>
    %slice3A_124 = vector.extract_strided_slice %add3A_123 {offsets = [127, 0], sizes = [1, 16], strides = [1, 1]} : vector<128x16xf32> to vector<1x16xf32>
    %slice3A_125 = vector.extract_strided_slice %concatenate3A {offsets = [1664, 0], sizes = [128, 16], strides = [1, 1]} : vector<2048x16xf32> to vector<128x16xf32>
    %dot_general3A_126 = arith.constant dense<0.000000e+00> : vector<128x16xf32>
    %dot_general3A_127 = tpu.matmul %convert_element_type3A_45, %slice3A_125, %dot_general3A_126 {dimension_numbers = #tpu.dot_dimension_numbers<[1], [0], [0], [1], [0, 0, 1, 1], [], []>, transpose_lhs_hint = false} : vector<128x128xf32>, vector<128x16xf32>, vector<128x16xf32> -> vector<128x16xf32>
    %add3A_128 = vector.broadcast %slice3A_124 : vector<1x16xf32> to vector<128x16xf32>
    %add3A_129 = arith.addf %dot_general3A_127, %add3A_128 : vector<128x16xf32>
    %slice3A_130 = vector.extract_strided_slice %add3A_129 {offsets = [127, 0], sizes = [1, 16], strides = [1, 1]} : vector<128x16xf32> to vector<1x16xf32>
    %slice3A_131 = vector.extract_strided_slice %concatenate3A {offsets = [1792, 0], sizes = [128, 16], strides = [1, 1]} : vector<2048x16xf32> to vector<128x16xf32>
    %dot_general3A_132 = arith.constant dense<0.000000e+00> : vector<128x16xf32>
    %dot_general3A_133 = tpu.matmul %convert_element_type3A_45, %slice3A_131, %dot_general3A_132 {dimension_numbers = #tpu.dot_dimension_numbers<[1], [0], [0], [1], [0, 0, 1, 1], [], []>, transpose_lhs_hint = false} : vector<128x128xf32>, vector<128x16xf32>, vector<128x16xf32> -> vector<128x16xf32>
    %add3A_134 = vector.broadcast %slice3A_130 : vector<1x16xf32> to vector<128x16xf32>
    %add3A_135 = arith.addf %dot_general3A_133, %add3A_134 : vector<128x16xf32>
    %slice3A_136 = vector.extract_strided_slice %add3A_135 {offsets = [127, 0], sizes = [1, 16], strides = [1, 1]} : vector<128x16xf32> to vector<1x16xf32>
    %slice3A_137 = vector.extract_strided_slice %concatenate3A {offsets = [1920, 0], sizes = [128, 16], strides = [1, 1]} : vector<2048x16xf32> to vector<128x16xf32>
    %dot_general3A_138 = arith.constant dense<0.000000e+00> : vector<128x16xf32>
    %dot_general3A_139 = tpu.matmul %convert_element_type3A_45, %slice3A_137, %dot_general3A_138 {dimension_numbers = #tpu.dot_dimension_numbers<[1], [0], [0], [1], [0, 0, 1, 1], [], []>, transpose_lhs_hint = false} : vector<128x128xf32>, vector<128x16xf32>, vector<128x16xf32> -> vector<128x16xf32>
    %add3A_140 = vector.broadcast %slice3A_136 : vector<1x16xf32> to vector<128x16xf32>
    %add3A_141 = arith.addf %dot_general3A_139, %add3A_140 : vector<128x16xf32>
    %slice3A_142 = vector.extract_strided_slice %add3A_141 {offsets = [127, 0], sizes = [1, 16], strides = [1, 1]} : vector<128x16xf32> to vector<1x16xf32>
    %concatenate3A_143 = tpu.concatenate %add3A_51, %add3A_57, %add3A_63, %add3A_69, %add3A_75, %add3A_81, %add3A_87, %add3A_93, %add3A_99, %add3A_105, %add3A_111, %add3A_117, %add3A_123, %add3A_129, %add3A_135, %add3A_141 in 0 : vector<128x16xf32>, vector<128x16xf32>, vector<128x16xf32>, vector<128x16xf32>, vector<128x16xf32>, vector<128x16xf32>, vector<128x16xf32>, vector<128x16xf32>, vector<128x16xf32>, vector<128x16xf32>, vector<128x16xf32>, vector<128x16xf32>, vector<128x16xf32>, vector<128x16xf32>, vector<128x16xf32>, vector<128x16xf32> -> vector<2048x16xf32>
    %slice3A_144 = vector.extract_strided_slice %concatenate3A_143 {offsets = [0, 0], sizes = [2048, 8], strides = [1, 1]} : vector<2048x16xf32> to vector<2048x8xf32>
    %slice3A_145 = vector.extract_strided_slice %concatenate3A_143 {offsets = [0, 8], sizes = [2048, 8], strides = [1, 1]} : vector<2048x16xf32> to vector<2048x8xf32>
    %slice3A_146 = vector.extract_strided_slice %slice3A_142 {offsets = [0, 0], sizes = [1, 8], strides = [1, 1]} : vector<1x16xf32> to vector<1x8xf32>
    %slice3A_147 = vector.extract_strided_slice %slice3A_142 {offsets = [0, 8], sizes = [1, 8], strides = [1, 1]} : vector<1x16xf32> to vector<1x8xf32>
    %add3A_148 = arith.addf %slice3A_146, %slice3A_147 : vector<1x8xf32>
    %mul3A = arith.constant 3.906250e-03 : f32
    %mul3A_149 = vector.broadcast %mul3A : f32 to vector<1x8xf32>
    %mul3A_150 = arith.mulf %add3A_148, %mul3A_149 : vector<1x8xf32>
    %ceil3A = math.ceil %mul3A_150 : vector<1x8xf32>
    %iota3A_151 = tpu.iota {dimensions = array<i32: 0>} : vector<8x8xi32>
    %iota3A_152 = tpu.iota {dimensions = array<i32: 1>} : vector<8x8xi32>
    %lt3A = arith.cmpi slt, %iota3A_151, %iota3A_152 : vector<8x8xi32>
    %convert_element_type3A_153 = arith.extui %lt3A : vector<8x8xi1> to vector<8x8xi32>
    %convert_element_type3A_154 = arith.sitofp %convert_element_type3A_153 : vector<8x8xi32> to vector<8x8xf32>
    %dot_general3A_155 = arith.constant dense<0.000000e+00> : vector<1x8xf32>
    %dot_general3A_156 = tpu.matmul %ceil3A, %convert_element_type3A_154, %dot_general3A_155 {dimension_numbers = #tpu.dot_dimension_numbers<[1], [0], [0], [1], [0, 0, 1, 1], [], []>, transpose_lhs_hint = false} : vector<1x8xf32>, vector<8x8xf32>, vector<1x8xf32> -> vector<1x8xf32>
    %mul3A_157 = arith.constant 2.560000e+02 : f32
    %mul3A_158 = vector.broadcast %mul3A_157 : f32 to vector<1x8xf32>
    %mul3A_159 = arith.mulf %dot_general3A_156, %mul3A_158 : vector<1x8xf32>
    %jit3A_160 = arith.constant 0.000000e+00 : f32
    %broadcast_in_dim3A_161 = vector.shape_cast %mul3A_159 : vector<1x8xf32> to vector<1x8xf32>
    %broadcast_in_dim3A_162 = vector.broadcast %broadcast_in_dim3A_161 : vector<1x8xf32> to vector<2048x8xf32>
    %broadcast_in_dim3A_163 = vector.broadcast %jit3A_160 : f32 to vector<2048x8xf32>
    %select_n3A_164 = arith.select %eq3A_16, %broadcast_in_dim3A_162, %broadcast_in_dim3A_163 : vector<2048x8xi1>, vector<2048x8xf32>
    %reduce_sum3A = arith.constant dense<0.000000e+00> : vector<2048xf32>
    %reduce_sum3A_165 = vector.multi_reduction <add>, %select_n3A_164, %reduce_sum3A [1] : vector<2048x8xf32> to vector<2048xf32>
    %broadcast_in_dim3A_166 = vector.shape_cast %reduce_sum3A_165 : vector<2048xf32> to vector<2048x1xf32>
    %jit3A_167 = arith.constant 0.000000e+00 : f32
    %broadcast_in_dim3A_168 = vector.broadcast %jit3A_167 : f32 to vector<2048x8xf32>
    %select_n3A_169 = arith.select %eq3A_16, %slice3A_144, %broadcast_in_dim3A_168 : vector<2048x8xi1>, vector<2048x8xf32>
    %reduce_sum3A_170 = arith.constant dense<0.000000e+00> : vector<2048xf32>
    %reduce_sum3A_171 = vector.multi_reduction <add>, %select_n3A_169, %reduce_sum3A_170 [1] : vector<2048x8xf32> to vector<2048xf32>
    %broadcast_in_dim3A_172 = vector.shape_cast %reduce_sum3A_171 : vector<2048xf32> to vector<2048x1xf32>
    %sub3A_173 = arith.constant 1.000000e+00 : f32
    %sub3A_174 = vector.broadcast %sub3A_173 : f32 to vector<2048x1xf32>
    %sub3A_175 = arith.subf %broadcast_in_dim3A_172, %sub3A_174 : vector<2048x1xf32>
    %add3A_176 = arith.addf %mul3A_159, %slice3A_146 : vector<1x8xf32>
    %jit3A_177 = arith.constant 0.000000e+00 : f32
    %broadcast_in_dim3A_178 = vector.shape_cast %add3A_176 : vector<1x8xf32> to vector<1x8xf32>
    %broadcast_in_dim3A_179 = vector.broadcast %broadcast_in_dim3A_178 : vector<1x8xf32> to vector<2048x8xf32>
    %broadcast_in_dim3A_180 = vector.broadcast %jit3A_177 : f32 to vector<2048x8xf32>
    %select_n3A_181 = arith.select %eq3A_32, %broadcast_in_dim3A_179, %broadcast_in_dim3A_180 : vector<2048x8xi1>, vector<2048x8xf32>
    %reduce_sum3A_182 = arith.constant dense<0.000000e+00> : vector<2048xf32>
    %reduce_sum3A_183 = vector.multi_reduction <add>, %select_n3A_181, %reduce_sum3A_182 [1] : vector<2048x8xf32> to vector<2048xf32>
    %broadcast_in_dim3A_184 = vector.shape_cast %reduce_sum3A_183 : vector<2048xf32> to vector<2048x1xf32>
    %jit3A_185 = arith.constant 0.000000e+00 : f32
    %broadcast_in_dim3A_186 = vector.broadcast %jit3A_185 : f32 to vector<2048x8xf32>
    %select_n3A_187 = arith.select %eq3A_32, %slice3A_145, %broadcast_in_dim3A_186 : vector<2048x8xi1>, vector<2048x8xf32>
    %reduce_sum3A_188 = arith.constant dense<0.000000e+00> : vector<2048xf32>
    %reduce_sum3A_189 = vector.multi_reduction <add>, %select_n3A_187, %reduce_sum3A_188 [1] : vector<2048x8xf32> to vector<2048xf32>
    %broadcast_in_dim3A_190 = vector.shape_cast %reduce_sum3A_189 : vector<2048xf32> to vector<2048x1xf32>
    %sub3A_191 = arith.constant 1.000000e+00 : f32
    %sub3A_192 = vector.broadcast %sub3A_191 : f32 to vector<2048x1xf32>
    %sub3A_193 = arith.subf %broadcast_in_dim3A_190, %sub3A_192 : vector<2048x1xf32>
    %add3A_194 = arith.addf %broadcast_in_dim3A_166, %sub3A_175 : vector<2048x1xf32>
    %convert_element_type3A_195 = arith.fptosi %add3A_194 : vector<2048x1xf32> to vector<2048x1xi32>
    %swap3A = arith.constant 0 : index
    %swap3A_196 = arith.constant 0 : index
    %swap3A_197 = vector.load %arg3[%swap3A, %swap3A_196] : memref<2048x1xi32, #tpu.memory_space<vmem>>, vector<2048x1xi32>
    tpu.vector_store %arg3[%swap3A, %swap3A_196], %convert_element_type3A_195 {strides = array<i32>} : memref<2048x1xi32, #tpu.memory_space<vmem>>, vector<2048x1xi32>,
    %add3A_198 = arith.addf %broadcast_in_dim3A_184, %sub3A_193 : vector<2048x1xf32>
    %convert_element_type3A_199 = arith.fptosi %add3A_198 : vector<2048x1xf32> to vector<2048x1xi32>
    %swap3A_200 = arith.constant 0 : index
    %swap3A_201 = arith.constant 0 : index
    %swap3A_202 = vector.load %arg4[%swap3A_200, %swap3A_201] : memref<2048x1xi32, #tpu.memory_space<vmem>>, vector<2048x1xi32>
    tpu.vector_store %arg4[%swap3A_200, %swap3A_201], %convert_element_type3A_199 {strides = array<i32>} : memref<2048x1xi32, #tpu.memory_space<vmem>>, vector<2048x1xi32>,
    %broadcast_in_dim3A_203 = vector.shape_cast %div3A_37 : vector<2048x1xf32> to vector<2048x1xf32>
    %broadcast_in_dim3A_204 = vector.broadcast %broadcast_in_dim3A_203 : vector<2048x1xf32> to vector<2048x16xf32>
    %swap3A_205 = arith.constant 0 : index
    %swap3A_206 = arith.constant 0 : index
    %swap3A_207 = vector.load %arg5[%swap3A_205, %swap3A_206] : memref<2048x16xf32, #tpu.memory_space<vmem>>, vector<2048x16xf32>
    tpu.vector_store %arg5[%swap3A_205, %swap3A_206], %broadcast_in_dim3A_204 {strides = array<i32>} : memref<2048x16xf32, #tpu.memory_space<vmem>>, vector<2048x16xf32>,
    %broadcast_in_dim3A_208 = vector.shape_cast %div3A_38 : vector<2048x1xf32> to vector<2048x1xf32>
    %broadcast_in_dim3A_209 = vector.broadcast %broadcast_in_dim3A_208 : vector<2048x1xf32> to vector<2048x16xf32>
    %swap3A_210 = arith.constant 0 : index
    %swap3A_211 = arith.constant 0 : index
    %swap3A_212 = vector.load %arg6[%swap3A_210, %swap3A_211] : memref<2048x16xf32, #tpu.memory_space<vmem>>, vector<2048x16xf32>
    tpu.vector_store %arg6[%swap3A_210, %swap3A_211], %broadcast_in_dim3A_209 {strides = array<i32>} : memref<2048x16xf32, #tpu.memory_space<vmem>>, vector<2048x16xf32>,
    %add3A_213 = arith.addf %dot_general3A_156, %ceil3A : vector<1x8xf32>
    %iota3A_214 = tpu.iota {dimensions = array<i32: 0>} : vector<24x8xi32>
    %convert_element_type3A_215 = arith.sitofp %iota3A_214 : vector<24x8xi32> to vector<24x8xf32>
    %add3A_216 = arith.constant 5.000000e-01 : f32
    %add3A_217 = vector.broadcast %add3A_216 : f32 to vector<24x8xf32>
    %add3A_218 = arith.addf %convert_element_type3A_215, %add3A_217 : vector<24x8xf32>
    %le3A = vector.broadcast %add3A_213 : vector<1x8xf32> to vector<24x8xf32>
    %le3A_219 = arith.cmpf ole, %le3A, %add3A_218 : vector<24x8xf32>
    %convert_element_type3A_220 = arith.extui %le3A_219 : vector<24x8xi1> to vector<24x8xi32>
    %reduce_sum3A_221 = arith.constant dense<0> : vector<24xi32>
    %reduce_sum3A_222 = vector.multi_reduction <add>, %convert_element_type3A_220, %reduce_sum3A_221 [1] : vector<24x8xi32> to vector<24xi32>
    %broadcast_in_dim3A_223 = vector.shape_cast %reduce_sum3A_222 : vector<24xi32> to vector<24x1xi32>
    %min3A = arith.constant 7 : i32
    %min3A_224 = vector.broadcast %min3A : i32 to vector<24x1xi32>
    %min3A_225 = arith.minsi %broadcast_in_dim3A_223, %min3A_224 : vector<24x1xi32>
    %swap3A_226 = arith.constant 0 : index
    %swap3A_227 = arith.constant 0 : index
    %swap3A_228 = vector.load %arg7[%swap3A_226, %swap3A_227] : memref<24x1xi32, #tpu.memory_space<vmem>>, vector<24x1xi32>
    tpu.vector_store %arg7[%swap3A_226, %swap3A_227], %min3A_225 {strides = array<i32>} : memref<24x1xi32, #tpu.memory_space<vmem>>, vector<24x1xi32>,
    %reduce_sum3A_229 = arith.constant dense<0.000000e+00> : vector<1xf32>
    %reduce_sum3A_230 = vector.multi_reduction <add>, %ceil3A, %reduce_sum3A_229 [1] : vector<1x8xf32> to vector<1xf32>
    %broadcast_in_dim3A_231 = vector.shape_cast %reduce_sum3A_230 : vector<1xf32> to vector<1x1xf32>
    %convert_element_type3A_232 = arith.fptosi %broadcast_in_dim3A_231 : vector<1x1xf32> to vector<1x1xi32>
    %swap3A_233 = arith.constant 0 : index
    %swap3A_234 = arith.constant 0 : index
    %swap3A_235 = vector.load %arg8[%swap3A_233, %swap3A_234] : memref<1x1xi32, #tpu.memory_space<vmem>>, vector<1x1xi32>
    tpu.vector_store %arg8[%swap3A_233, %swap3A_234], %convert_element_type3A_232 {strides = array<i32>} : memref<1x1xi32, #tpu.memory_space<vmem>>, vector<1x1xi32>,
    %gt3A = arith.constant 5.000000e-01 : f32
    %gt3A_236 = vector.broadcast %gt3A : f32 to vector<1x8xf32>
    %gt3A_237 = arith.cmpf ogt, %ceil3A, %gt3A_236 : vector<1x8xf32>
    %iota3A_238 = tpu.iota {dimensions = array<i32: 1>} : vector<24x8xi32>
    %convert_element_type3A_239 = arith.sitofp %iota3A_238 : vector<24x8xi32> to vector<24x8xf32>
    %sub3A_240 = vector.broadcast %dot_general3A_156 : vector<1x8xf32> to vector<24x8xf32>
    %sub3A_241 = arith.subf %sub3A_240, %convert_element_type3A_215 : vector<24x8xf32>
    %abs3A = math.absf %sub3A_241 : vector<24x8xf32>
    %lt3A_242 = arith.constant 5.000000e-01 : f32
    %lt3A_243 = vector.broadcast %lt3A_242 : f32 to vector<24x8xf32>
    %lt3A_244 = arith.cmpf olt, %abs3A, %lt3A_243 : vector<24x8xf32>
    %and3A = vector.broadcast %gt3A_237 : vector<1x8xi1> to vector<24x8xi1>
    %and3A_245 = arith.andi %and3A, %lt3A_244 : vector<24x8xi1>
    %convert_element_type3A_246 = arith.extui %and3A_245 : vector<24x8xi1> to vector<24x8xi32>
    %reduce_max3A_247 = arith.constant dense<-2147483648> : vector<24xi32>
    %reduce_max3A_248 = vector.multi_reduction <maxsi>, %convert_element_type3A_246, %reduce_max3A_247 [1] : vector<24x8xi32> to vector<24xi32>
    %broadcast_in_dim3A_249 = vector.shape_cast %reduce_max3A_248 : vector<24xi32> to vector<24x1xi32>
    %swap3A_250 = arith.constant 0 : index
    %swap3A_251 = arith.constant 0 : index
    %swap3A_252 = vector.load %arg10[%swap3A_250, %swap3A_251] : memref<24x1xi32, #tpu.memory_space<vmem>>, vector<24x1xi32>
    tpu.vector_store %arg10[%swap3A_250, %swap3A_251], %broadcast_in_dim3A_249 {strides = array<i32>} : memref<24x1xi32, #tpu.memory_space<vmem>>, vector<24x1xi32>,
    %add3A_253 = arith.constant 5.000000e-01 : f32
    %add3A_254 = vector.broadcast %add3A_253 : f32 to vector<24x8xf32>
    %add3A_255 = arith.addf %convert_element_type3A_215, %add3A_254 : vector<24x8xf32>
    %le3A_256 = vector.broadcast %dot_general3A_156 : vector<1x8xf32> to vector<24x8xf32>
    %le3A_257 = arith.cmpf ole, %le3A_256, %add3A_255 : vector<24x8xf32>
    %and3A_258 = vector.broadcast %gt3A_237 : vector<1x8xi1> to vector<24x8xi1>
    %and3A_259 = arith.andi %and3A_258, %le3A_257 : vector<24x8xi1>
    %convert_element_type3A_260 = arith.extui %and3A_259 : vector<24x8xi1> to vector<24x8xi32>
    %reduce_sum3A_261 = arith.constant dense<0> : vector<24xi32>
    %reduce_sum3A_262 = vector.multi_reduction <add>, %convert_element_type3A_260, %reduce_sum3A_261 [1] : vector<24x8xi32> to vector<24xi32>
    %broadcast_in_dim3A_263 = vector.shape_cast %reduce_sum3A_262 : vector<24xi32> to vector<24x1xi32>
    %sub3A_264 = arith.constant 1 : i32
    %sub3A_265 = vector.broadcast %sub3A_264 : i32 to vector<24x1xi32>
    %sub3A_266 = arith.subi %broadcast_in_dim3A_263, %sub3A_265 : vector<24x1xi32>
    %max3A = arith.constant 0 : i32
    %max3A_267 = vector.broadcast %max3A : i32 to vector<24x1xi32>
    %max3A_268 = arith.maxsi %sub3A_266, %max3A_267 : vector<24x1xi32>
    %jit3A_269 = arith.constant 2 : i32
    %eq3A_270 = arith.constant 0 : i32
    %eq3A_271 = arith.cmpi eq, %jit3A_269, %eq3A_270 : i32
    %jit3A_272 = arith.constant 1 : i32
    %select_n3A_273 = arith.select %eq3A_271, %jit3A_272, %jit3A_269 : i32
    %rem3A = vector.broadcast %select_n3A_273 : i32 to vector<24x1xi32>
    %rem3A_274 = arith.remsi %max3A_268, %rem3A : vector<24x1xi32>
    %ne3A = arith.constant 0 : i32
    %ne3A_275 = vector.broadcast %ne3A : i32 to vector<24x1xi32>
    %ne3A_276 = arith.cmpi ne, %rem3A_274, %ne3A_275 : vector<24x1xi32>
    %lt3A_277 = arith.constant 0 : i32
    %lt3A_278 = vector.broadcast %lt3A_277 : i32 to vector<24x1xi32>
    %lt3A_279 = arith.cmpi slt, %rem3A_274, %lt3A_278 : vector<24x1xi32>
    %lt3A_280 = arith.constant 0 : i32
    %lt3A_281 = arith.cmpi slt, %select_n3A_273, %lt3A_280 : i32
    %ne3A_282 = vector.broadcast %lt3A_281 : i1 to vector<24x1xi1>
    %ne3A_283 = vector.broadcast %ne3A_282 : vector<24x1xi1> to vector<24x1xi1>
    %ne3A_284 = arith.xori %lt3A_279, %ne3A_283 : vector<24x1xi1>
    %and3A_285 = arith.andi %ne3A_284, %ne3A_276 : vector<24x1xi1>
    %add3A_286 = vector.broadcast %select_n3A_273 : i32 to vector<24x1xi32>
    %add3A_287 = arith.addi %rem3A_274, %add3A_286 : vector<24x1xi32>
    %select_n3A_288 = arith.select %and3A_285, %add3A_287, %rem3A_274 : vector<24x1xi1>, vector<24x1xi32>
    %swap3A_289 = arith.constant 0 : index
    %swap3A_290 = arith.constant 0 : index
    %swap3A_291 = vector.load %arg9[%swap3A_289, %swap3A_290] : memref<24x1xi32, #tpu.memory_space<vmem>>, vector<24x1xi32>
    tpu.vector_store %arg9[%swap3A_289, %swap3A_290], %select_n3A_288 {strides = array<i32>} : memref<24x1xi32, #tpu.memory_space<vmem>>, vector<24x1xi32>,
    %convert_element_type3A_292 = arith.extui %gt3A_237 : vector<1x8xi1> to vector<1x8xi32>
    %convert_element_type3A_293 = arith.sitofp %convert_element_type3A_292 : vector<1x8xi32> to vector<1x8xf32>
    %dot_general3A_294 = arith.constant dense<0.000000e+00> : vector<1x8xf32>
    %dot_general3A_295 = tpu.matmul %convert_element_type3A_293, %convert_element_type3A_154, %dot_general3A_294 {dimension_numbers = #tpu.dot_dimension_numbers<[1], [0], [0], [1], [0, 0, 1, 1], [], []>, transpose_lhs_hint = false} : vector<1x8xf32>, vector<8x8xf32>, vector<1x8xf32> -> vector<1x8xf32>
    %reduce_sum3A_296 = arith.constant dense<0.000000e+00> : vector<1xf32>
    %reduce_sum3A_297 = vector.multi_reduction <add>, %convert_element_type3A_293, %reduce_sum3A_296 [1] : vector<1x8xf32> to vector<1xf32>
    %broadcast_in_dim3A_298 = vector.shape_cast %reduce_sum3A_297 : vector<1xf32> to vector<1x1xf32>
    %convert_element_type3A_299 = arith.fptosi %broadcast_in_dim3A_298 : vector<1x1xf32> to vector<1x1xi32>
    %swap3A_300 = arith.constant 0 : index
    %swap3A_301 = arith.constant 0 : index
    %swap3A_302 = vector.load %arg14[%swap3A_300, %swap3A_301] : memref<1x1xi32, #tpu.memory_space<vmem>>, vector<1x1xi32>
    tpu.vector_store %arg14[%swap3A_300, %swap3A_301], %convert_element_type3A_299 {strides = array<i32>} : memref<1x1xi32, #tpu.memory_space<vmem>>, vector<1x1xi32>,
    %iota3A_303 = tpu.iota {dimensions = array<i32: 0>} : vector<8x8xi32>
    %convert_element_type3A_304 = arith.sitofp %iota3A_303 : vector<8x8xi32> to vector<8x8xf32>
    %iota3A_305 = tpu.iota {dimensions = array<i32: 1>} : vector<8x8xi32>
    %convert_element_type3A_306 = arith.sitofp %iota3A_305 : vector<8x8xi32> to vector<8x8xf32>
    %sub3A_307 = vector.broadcast %dot_general3A_295 : vector<1x8xf32> to vector<8x8xf32>
    %sub3A_308 = arith.subf %sub3A_307, %convert_element_type3A_304 : vector<8x8xf32>
    %abs3A_309 = math.absf %sub3A_308 : vector<8x8xf32>
    %lt3A_310 = arith.constant 5.000000e-01 : f32
    %lt3A_311 = vector.broadcast %lt3A_310 : f32 to vector<8x8xf32>
    %lt3A_312 = arith.cmpf olt, %abs3A_309, %lt3A_311 : vector<8x8xf32>
    %and3A_313 = vector.broadcast %gt3A_237 : vector<1x8xi1> to vector<8x8xi1>
    %and3A_314 = arith.andi %and3A_313, %lt3A_312 : vector<8x8xi1>
    %jit3A_315 = arith.constant 0.000000e+00 : f32
    %broadcast_in_dim3A_316 = vector.broadcast %jit3A_315 : f32 to vector<8x8xf32>
    %select_n3A_317 = arith.select %and3A_314, %convert_element_type3A_306, %broadcast_in_dim3A_316 : vector<8x8xi1>, vector<8x8xf32>
    %reduce_sum3A_318 = arith.constant dense<0.000000e+00> : vector<8xf32>
    %reduce_sum3A_319 = vector.multi_reduction <add>, %select_n3A_317, %reduce_sum3A_318 [1] : vector<8x8xf32> to vector<8xf32>
    %broadcast_in_dim3A_320 = vector.shape_cast %reduce_sum3A_319 : vector<8xf32> to vector<8x1xf32>
    %convert_element_type3A_321 = arith.fptosi %broadcast_in_dim3A_320 : vector<8x1xf32> to vector<8x1xi32>
    %swap3A_322 = arith.constant 0 : index
    %swap3A_323 = arith.constant 0 : index
    %swap3A_324 = vector.load %arg15[%swap3A_322, %swap3A_323] : memref<8x1xi32, #tpu.memory_space<vmem>>, vector<8x1xi32>
    tpu.vector_store %arg15[%swap3A_322, %swap3A_323], %convert_element_type3A_321 {strides = array<i32>} : memref<8x1xi32, #tpu.memory_space<vmem>>, vector<8x1xi32>,
    %convert_element_type3A_325 = arith.sitofp %max3A_268 : vector<24x1xi32> to vector<24x1xf32>
    %add3A_326 = arith.constant 1.000000e+00 : f32
    %add3A_327 = vector.broadcast %add3A_326 : f32 to vector<24x1xf32>
    %add3A_328 = arith.addf %convert_element_type3A_325, %add3A_327 : vector<24x1xf32>
    %sub3A_329 = vector.broadcast %dot_general3A_295 : vector<1x8xf32> to vector<24x8xf32>
    %sub3A_330 = vector.broadcast %add3A_328 : vector<24x1xf32> to vector<24x8xf32>
    %sub3A_331 = arith.subf %sub3A_329, %sub3A_330 : vector<24x8xf32>
    %abs3A_332 = math.absf %sub3A_331 : vector<24x8xf32>
    %lt3A_333 = arith.constant 5.000000e-01 : f32
    %lt3A_334 = vector.broadcast %lt3A_333 : f32 to vector<24x8xf32>
    %lt3A_335 = arith.cmpf olt, %abs3A_332, %lt3A_334 : vector<24x8xf32>
    %and3A_336 = vector.broadcast %gt3A_237 : vector<1x8xi1> to vector<24x8xi1>
    %and3A_337 = arith.andi %and3A_336, %lt3A_335 : vector<24x8xi1>
    %jit3A_338 = arith.constant 0.000000e+00 : f32
    %broadcast_in_dim3A_339 = vector.broadcast %jit3A_338 : f32 to vector<24x8xf32>
    %select_n3A_340 = arith.select %and3A_337, %convert_element_type3A_239, %broadcast_in_dim3A_339 : vector<24x8xi1>, vector<24x8xf32>
    %reduce_sum3A_341 = arith.constant dense<0.000000e+00> : vector<24xf32>
    %reduce_sum3A_342 = vector.multi_reduction <add>, %select_n3A_340, %reduce_sum3A_341 [1] : vector<24x8xf32> to vector<24xf32>
    %broadcast_in_dim3A_343 = vector.shape_cast %reduce_sum3A_342 : vector<24xf32> to vector<24x1xf32>
    %convert_element_type3A_344 = arith.fptosi %broadcast_in_dim3A_343 : vector<24x1xf32> to vector<24x1xi32>
    %swap3A_345 = arith.constant 0 : index
    %swap3A_346 = arith.constant 0 : index
    %swap3A_347 = vector.load %arg11[%swap3A_345, %swap3A_346] : memref<24x1xi32, #tpu.memory_space<vmem>>, vector<24x1xi32>
    tpu.vector_store %arg11[%swap3A_345, %swap3A_346], %convert_element_type3A_344 {strides = array<i32>} : memref<24x1xi32, #tpu.memory_space<vmem>>, vector<24x1xi32>,
    %sub3A_348 = arith.constant 5.000000e-01 : f32
    %sub3A_349 = vector.broadcast %sub3A_348 : f32 to vector<1x1xf32>
    %sub3A_350 = arith.subf %broadcast_in_dim3A_298, %sub3A_349 : vector<1x1xf32>
    %lt3A_351 = vector.broadcast %sub3A_350 : vector<1x1xf32> to vector<24x1xf32>
    %lt3A_352 = arith.cmpf olt, %add3A_328, %lt3A_351 : vector<24x1xf32>
    %ge3A_353 = arith.constant 1 : i32
    %ge3A_354 = vector.broadcast %ge3A_353 : i32 to vector<24x1xi32>
    %ge3A_355 = arith.cmpi sge, %max3A_268, %ge3A_354 : vector<24x1xi32>
    %and3A_356 = arith.andi %lt3A_352, %ge3A_355 : vector<24x1xi1>
    %get3A_357 = arith.constant 0 : index
    %get3A_358 = arith.constant 0 : index
    %get3A_359 = vector.load %arg10[%get3A_357, %get3A_358] : memref<24x1xi32, #tpu.memory_space<vmem>>, vector<24x1xi32>
    %eq3A_360 = arith.constant 1 : i32
    %eq3A_361 = vector.broadcast %eq3A_360 : i32 to vector<24x1xi32>
    %eq3A_362 = arith.cmpi eq, %get3A_359, %eq3A_361 : vector<24x1xi32>
    %and3A_363 = arith.andi %and3A_356, %eq3A_362 : vector<24x1xi1>
    %convert_element_type3A_364 = arith.extui %and3A_363 : vector<24x1xi1> to vector<24x1xi32>
    %swap3A_365 = arith.constant 0 : index
    %swap3A_366 = arith.constant 0 : index
    %swap3A_367 = vector.load %arg12[%swap3A_365, %swap3A_366] : memref<24x1xi32, #tpu.memory_space<vmem>>, vector<24x1xi32>
    tpu.vector_store %arg12[%swap3A_365, %swap3A_366], %convert_element_type3A_364 {strides = array<i32>} : memref<24x1xi32, #tpu.memory_space<vmem>>, vector<24x1xi32>,
    %convert_element_type3A_368 = arith.fptosi %add3A_328 : vector<24x1xf32> to vector<24x1xi32>
    %jit3A_369 = arith.constant 2 : i32
    %eq3A_370 = arith.constant 0 : i32
    %eq3A_371 = arith.cmpi eq, %jit3A_369, %eq3A_370 : i32
    %jit3A_372 = arith.constant 1 : i32
    %select_n3A_373 = arith.select %eq3A_371, %jit3A_372, %jit3A_369 : i32
    %rem3A_374 = vector.broadcast %select_n3A_373 : i32 to vector<24x1xi32>
    %rem3A_375 = arith.remsi %convert_element_type3A_368, %rem3A_374 : vector<24x1xi32>
    %ne3A_376 = arith.constant 0 : i32
    %ne3A_377 = vector.broadcast %ne3A_376 : i32 to vector<24x1xi32>
    %ne3A_378 = arith.cmpi ne, %rem3A_375, %ne3A_377 : vector<24x1xi32>
    %lt3A_379 = arith.constant 0 : i32
    %lt3A_380 = vector.broadcast %lt3A_379 : i32 to vector<24x1xi32>
    %lt3A_381 = arith.cmpi slt, %rem3A_375, %lt3A_380 : vector<24x1xi32>
    %lt3A_382 = arith.constant 0 : i32
    %lt3A_383 = arith.cmpi slt, %select_n3A_373, %lt3A_382 : i32
    %ne3A_384 = vector.broadcast %lt3A_383 : i1 to vector<24x1xi1>
    %ne3A_385 = vector.broadcast %ne3A_384 : vector<24x1xi1> to vector<24x1xi1>
    %ne3A_386 = arith.xori %lt3A_381, %ne3A_385 : vector<24x1xi1>
    %and3A_387 = arith.andi %ne3A_386, %ne3A_378 : vector<24x1xi1>
    %add3A_388 = vector.broadcast %select_n3A_373 : i32 to vector<24x1xi32>
    %add3A_389 = arith.addi %rem3A_375, %add3A_388 : vector<24x1xi32>
    %select_n3A_390 = arith.select %and3A_387, %add3A_389, %rem3A_375 : vector<24x1xi1>, vector<24x1xi32>
    %swap3A_391 = arith.constant 0 : index
    %swap3A_392 = arith.constant 0 : index
    %swap3A_393 = vector.load %arg13[%swap3A_391, %swap3A_392] : memref<24x1xi32, #tpu.memory_space<vmem>>, vector<24x1xi32>
    tpu.vector_store %arg13[%swap3A_391, %swap3A_392], %select_n3A_390 {strides = array<i32>} : memref<24x1xi32, #tpu.memory_space<vmem>>, vector<24x1xi32>,
    return
  }
}

module attributes {stable_mosaic.version = 14 : i64} {
  func.func @_ffn_body(%arg0: i32, %arg1: memref<24xi32, #tpu.memory_space<smem>>, %arg2: memref<1xi32, #tpu.memory_space<smem>>, %arg3: memref<24xi32, #tpu.memory_space<smem>>, %arg4: memref<24xi32, #tpu.memory_space<smem>>, %arg5: memref<24xi32, #tpu.memory_space<smem>>, %arg6: memref<24xi32, #tpu.memory_space<smem>>, %arg7: memref<24xi32, #tpu.memory_space<smem>>, %arg8: memref<1xi32, #tpu.memory_space<smem>>, %arg9: memref<8xi32, #tpu.memory_space<smem>>, %arg10: memref<256x768xf32, #tpu.memory_space<vmem>>, %arg11: memref<8x768x1536xf32, #tpu.memory_space<any>>, %arg12: memref<1x1x1536xf32, #tpu.memory_space<vmem>>, %arg13: memref<8x1536x768xf32, #tpu.memory_space<any>>, %arg14: memref<1x1x768xf32, #tpu.memory_space<vmem>>, %arg15: memref<256x768xf32, #tpu.memory_space<vmem>>, %arg16: memref<2x768x1536xf32, #tpu.memory_space<vmem>>, %arg17: memref<2x1536x768xf32, #tpu.memory_space<vmem>>, %arg18: memref<2x2x1x!tpu.dma_semaphore, #tpu.memory_space<semaphore_mem>>) attributes {dimension_semantics = [#tpu.dimension_semantics<arbitrary>], iteration_bounds = array<i64: 24>, scalar_prefetch = 9 : i64, scratch_operands = 3 : i64, tpu.core_type = #tpu.core_type<tc>, window_params = [{transform_indices = @transform_0, window_bounds = array<i64: 256, 768>}, {}, {transform_indices = @transform_2, window_bounds = array<i64: 1, 1, 1536>}, {}, {transform_indices = @transform_4, window_bounds = array<i64: 1, 1, 768>}, {transform_indices = @transform_5, window_bounds = array<i64: 256, 768>}]} {
    %get3A = arith.index_cast %arg0 : i32 to index
    %get3A_0 = memref.load %arg1[%get3A] : memref<24xi32, #tpu.memory_space<smem>>
    %get3A_1 = arith.index_cast %arg0 : i32 to index
    %get3A_2 = memref.load %arg3[%get3A_1] : memref<24xi32, #tpu.memory_space<smem>>
    %get3A_3 = arith.constant 0 : index
    %get3A_4 = memref.load %arg2[%get3A_3] : memref<1xi32, #tpu.memory_space<smem>>
    %eq3A = arith.constant 0 : i32
    %eq3A_5 = arith.cmpi eq, %arg0, %eq3A : i32
    %convert_element_type3A = arith.extui %eq3A_5 : i1 to i32
    %cond3A = arith.constant 0 : i32
    %cond3A_6 = arith.cmpi ne, %convert_element_type3A, %cond3A : i32
    scf.if %cond3A_6 {
      %get3A_27 = arith.constant 0 : index
      %get3A_28 = memref.load %arg8[%get3A_27] : memref<1xi32, #tpu.memory_space<smem>>
      %gt3A = arith.constant 0 : i32
      %gt3A_29 = arith.cmpi sgt, %get3A_28, %gt3A : i32
      %convert_element_type3A_30 = arith.extui %gt3A_29 : i1 to i32
      %cond3A_31 = arith.constant 0 : i32
      %cond3A_32 = arith.cmpi ne, %convert_element_type3A_30, %cond3A_31 : i32
      scf.if %cond3A_32 {
        %get3A_40 = arith.constant 0 : index
        %get3A_41 = memref.load %arg9[%get3A_40] : memref<8xi32, #tpu.memory_space<smem>>
        %dma_start3A = arith.constant 0 : i32
        %dma_start3A_42 = arith.constant 0 : i32
        %dma_start3A_43 = arith.constant 0 : i32
        %dma_start3A_44 = arith.constant 0 : i32
        %dma_start3A_45 = tpu.memref_slice %arg18[%dma_start3A_42, %dma_start3A_43, %dma_start3A_44] : memref<2x2x1x!tpu.dma_semaphore, #tpu.memory_space<semaphore_mem>> -> memref<1x1x1x!tpu.dma_semaphore, #tpu.memory_space<semaphore_mem>>
        %dma_start3A_46 = tpu.memref_squeeze %dma_start3A_45 : memref<1x1x1x!tpu.dma_semaphore, #tpu.memory_space<semaphore_mem>> -> memref<!tpu.dma_semaphore, #tpu.memory_space<semaphore_mem>>
        %dma_start3A_47 = arith.constant 0 : i32
        %dma_start3A_48 = arith.constant 0 : i32
        %dma_start3A_49 = tpu.memref_slice %arg16[%dma_start3A, %dma_start3A_47, %dma_start3A_48] : memref<2x768x1536xf32, #tpu.memory_space<vmem>> -> memref<1x768x1536xf32, #tpu.memory_space<vmem>>
        %dma_start3A_50 = tpu.memref_squeeze %dma_start3A_49 : memref<1x768x1536xf32, #tpu.memory_space<vmem>> -> memref<768x1536xf32, #tpu.memory_space<vmem>>
        %dma_start3A_51 = arith.constant 0 : i32
        %dma_start3A_52 = arith.constant 0 : i32
        %dma_start3A_53 = tpu.memref_slice %arg11[%get3A_41, %dma_start3A_51, %dma_start3A_52] : memref<8x768x1536xf32, #tpu.memory_space<any>> -> memref<1x768x1536xf32, #tpu.memory_space<any>>
        %dma_start3A_54 = tpu.memref_squeeze %dma_start3A_53 : memref<1x768x1536xf32, #tpu.memory_space<any>> -> memref<768x1536xf32, #tpu.memory_space<any>>
        tpu.enqueue_dma source(%dma_start3A_54 : memref<768x1536xf32, #tpu.memory_space<any>>) target(%dma_start3A_50 : memref<768x1536xf32, #tpu.memory_space<vmem>>) target_semaphore(%dma_start3A_46 : memref<!tpu.dma_semaphore, #tpu.memory_space<semaphore_mem>>)
        %dma_start3A_55 = arith.constant 0 : i32
        %dma_start3A_56 = arith.constant 0 : i32
        %dma_start3A_57 = arith.constant 1 : i32
        %dma_start3A_58 = arith.constant 0 : i32
        %dma_start3A_59 = tpu.memref_slice %arg18[%dma_start3A_56, %dma_start3A_57, %dma_start3A_58] : memref<2x2x1x!tpu.dma_semaphore, #tpu.memory_space<semaphore_mem>> -> memref<1x1x1x!tpu.dma_semaphore, #tpu.memory_space<semaphore_mem>>
        %dma_start3A_60 = tpu.memref_squeeze %dma_start3A_59 : memref<1x1x1x!tpu.dma_semaphore, #tpu.memory_space<semaphore_mem>> -> memref<!tpu.dma_semaphore, #tpu.memory_space<semaphore_mem>>
        %dma_start3A_61 = arith.constant 0 : i32
        %dma_start3A_62 = arith.constant 0 : i32
        %dma_start3A_63 = tpu.memref_slice %arg17[%dma_start3A_55, %dma_start3A_61, %dma_start3A_62] : memref<2x1536x768xf32, #tpu.memory_space<vmem>> -> memref<1x1536x768xf32, #tpu.memory_space<vmem>>
        %dma_start3A_64 = tpu.memref_squeeze %dma_start3A_63 : memref<1x1536x768xf32, #tpu.memory_space<vmem>> -> memref<1536x768xf32, #tpu.memory_space<vmem>>
        %dma_start3A_65 = arith.constant 0 : i32
        %dma_start3A_66 = arith.constant 0 : i32
        %dma_start3A_67 = tpu.memref_slice %arg13[%get3A_41, %dma_start3A_65, %dma_start3A_66] : memref<8x1536x768xf32, #tpu.memory_space<any>> -> memref<1x1536x768xf32, #tpu.memory_space<any>>
        %dma_start3A_68 = tpu.memref_squeeze %dma_start3A_67 : memref<1x1536x768xf32, #tpu.memory_space<any>> -> memref<1536x768xf32, #tpu.memory_space<any>>
        tpu.enqueue_dma source(%dma_start3A_68 : memref<1536x768xf32, #tpu.memory_space<any>>) target(%dma_start3A_64 : memref<1536x768xf32, #tpu.memory_space<vmem>>) target_semaphore(%dma_start3A_60 : memref<!tpu.dma_semaphore, #tpu.memory_space<semaphore_mem>>)
      } else {
      }
      %get3A_33 = arith.constant 0 : index
      %get3A_34 = memref.load %arg8[%get3A_33] : memref<1xi32, #tpu.memory_space<smem>>
      %gt3A_35 = arith.constant 1 : i32
      %gt3A_36 = arith.cmpi sgt, %get3A_34, %gt3A_35 : i32
      %convert_element_type3A_37 = arith.extui %gt3A_36 : i1 to i32
      %cond3A_38 = arith.constant 0 : i32
      %cond3A_39 = arith.cmpi ne, %convert_element_type3A_37, %cond3A_38 : i32
      scf.if %cond3A_39 {
        %get3A_40 = arith.constant 1 : index
        %get3A_41 = memref.load %arg9[%get3A_40] : memref<8xi32, #tpu.memory_space<smem>>
        %dma_start3A = arith.constant 1 : i32
        %dma_start3A_42 = arith.constant 1 : i32
        %dma_start3A_43 = arith.constant 0 : i32
        %dma_start3A_44 = arith.constant 0 : i32
        %dma_start3A_45 = tpu.memref_slice %arg18[%dma_start3A_42, %dma_start3A_43, %dma_start3A_44] : memref<2x2x1x!tpu.dma_semaphore, #tpu.memory_space<semaphore_mem>> -> memref<1x1x1x!tpu.dma_semaphore, #tpu.memory_space<semaphore_mem>>
        %dma_start3A_46 = tpu.memref_squeeze %dma_start3A_45 : memref<1x1x1x!tpu.dma_semaphore, #tpu.memory_space<semaphore_mem>> -> memref<!tpu.dma_semaphore, #tpu.memory_space<semaphore_mem>>
        %dma_start3A_47 = arith.constant 0 : i32
        %dma_start3A_48 = arith.constant 0 : i32
        %dma_start3A_49 = tpu.memref_slice %arg16[%dma_start3A, %dma_start3A_47, %dma_start3A_48] : memref<2x768x1536xf32, #tpu.memory_space<vmem>> -> memref<1x768x1536xf32, #tpu.memory_space<vmem>>
        %dma_start3A_50 = tpu.memref_squeeze %dma_start3A_49 : memref<1x768x1536xf32, #tpu.memory_space<vmem>> -> memref<768x1536xf32, #tpu.memory_space<vmem>>
        %dma_start3A_51 = arith.constant 0 : i32
        %dma_start3A_52 = arith.constant 0 : i32
        %dma_start3A_53 = tpu.memref_slice %arg11[%get3A_41, %dma_start3A_51, %dma_start3A_52] : memref<8x768x1536xf32, #tpu.memory_space<any>> -> memref<1x768x1536xf32, #tpu.memory_space<any>>
        %dma_start3A_54 = tpu.memref_squeeze %dma_start3A_53 : memref<1x768x1536xf32, #tpu.memory_space<any>> -> memref<768x1536xf32, #tpu.memory_space<any>>
        tpu.enqueue_dma source(%dma_start3A_54 : memref<768x1536xf32, #tpu.memory_space<any>>) target(%dma_start3A_50 : memref<768x1536xf32, #tpu.memory_space<vmem>>) target_semaphore(%dma_start3A_46 : memref<!tpu.dma_semaphore, #tpu.memory_space<semaphore_mem>>)
        %dma_start3A_55 = arith.constant 1 : i32
        %dma_start3A_56 = arith.constant 1 : i32
        %dma_start3A_57 = arith.constant 1 : i32
        %dma_start3A_58 = arith.constant 0 : i32
        %dma_start3A_59 = tpu.memref_slice %arg18[%dma_start3A_56, %dma_start3A_57, %dma_start3A_58] : memref<2x2x1x!tpu.dma_semaphore, #tpu.memory_space<semaphore_mem>> -> memref<1x1x1x!tpu.dma_semaphore, #tpu.memory_space<semaphore_mem>>
        %dma_start3A_60 = tpu.memref_squeeze %dma_start3A_59 : memref<1x1x1x!tpu.dma_semaphore, #tpu.memory_space<semaphore_mem>> -> memref<!tpu.dma_semaphore, #tpu.memory_space<semaphore_mem>>
        %dma_start3A_61 = arith.constant 0 : i32
        %dma_start3A_62 = arith.constant 0 : i32
        %dma_start3A_63 = tpu.memref_slice %arg17[%dma_start3A_55, %dma_start3A_61, %dma_start3A_62] : memref<2x1536x768xf32, #tpu.memory_space<vmem>> -> memref<1x1536x768xf32, #tpu.memory_space<vmem>>
        %dma_start3A_64 = tpu.memref_squeeze %dma_start3A_63 : memref<1x1536x768xf32, #tpu.memory_space<vmem>> -> memref<1536x768xf32, #tpu.memory_space<vmem>>
        %dma_start3A_65 = arith.constant 0 : i32
        %dma_start3A_66 = arith.constant 0 : i32
        %dma_start3A_67 = tpu.memref_slice %arg13[%get3A_41, %dma_start3A_65, %dma_start3A_66] : memref<8x1536x768xf32, #tpu.memory_space<any>> -> memref<1x1536x768xf32, #tpu.memory_space<any>>
        %dma_start3A_68 = tpu.memref_squeeze %dma_start3A_67 : memref<1x1536x768xf32, #tpu.memory_space<any>> -> memref<1536x768xf32, #tpu.memory_space<any>>
        tpu.enqueue_dma source(%dma_start3A_68 : memref<1536x768xf32, #tpu.memory_space<any>>) target(%dma_start3A_64 : memref<1536x768xf32, #tpu.memory_space<vmem>>) target_semaphore(%dma_start3A_60 : memref<!tpu.dma_semaphore, #tpu.memory_space<semaphore_mem>>)
      } else {
      }
    } else {
    }
    %get3A_7 = arith.index_cast %arg0 : i32 to index
    %get3A_8 = memref.load %arg4[%get3A_7] : memref<24xi32, #tpu.memory_space<smem>>
    %eq3A_9 = arith.constant 1 : i32
    %eq3A_10 = arith.cmpi eq, %get3A_8, %eq3A_9 : i32
    %lt3A = arith.cmpi slt, %arg0, %get3A_4 : i32
    %and3A = arith.andi %eq3A_10, %lt3A : i1
    %convert_element_type3A_11 = arith.extui %and3A : i1 to i32
    %cond3A_12 = arith.constant 0 : i32
    %cond3A_13 = arith.cmpi ne, %convert_element_type3A_11, %cond3A_12 : i32
    scf.if %cond3A_13 {
      %dma_wait3A = arith.constant 0 : i32
      %dma_wait3A_27 = arith.constant 0 : i32
      %dma_wait3A_28 = tpu.memref_slice %arg18[%get3A_2, %dma_wait3A, %dma_wait3A_27] : memref<2x2x1x!tpu.dma_semaphore, #tpu.memory_space<semaphore_mem>> -> memref<1x1x1x!tpu.dma_semaphore, #tpu.memory_space<semaphore_mem>>
      %dma_wait3A_29 = tpu.memref_squeeze %dma_wait3A_28 : memref<1x1x1x!tpu.dma_semaphore, #tpu.memory_space<semaphore_mem>> -> memref<!tpu.dma_semaphore, #tpu.memory_space<semaphore_mem>>
      %dma_wait3A_30 = arith.constant 0 : i32
      %dma_wait3A_31 = arith.constant 0 : i32
      %dma_wait3A_32 = tpu.memref_slice %arg16[%get3A_2, %dma_wait3A_30, %dma_wait3A_31] : memref<2x768x1536xf32, #tpu.memory_space<vmem>> -> memref<1x768x1536xf32, #tpu.memory_space<vmem>>
      %dma_wait3A_33 = tpu.memref_squeeze %dma_wait3A_32 : memref<1x768x1536xf32, #tpu.memory_space<vmem>> -> memref<768x1536xf32, #tpu.memory_space<vmem>>
      %dma_wait3A_34 = arith.constant 0 : i32
      %dma_wait3A_35 = arith.constant 0 : i32
      %dma_wait3A_36 = tpu.memref_slice %arg11[%get3A_0, %dma_wait3A_34, %dma_wait3A_35] : memref<8x768x1536xf32, #tpu.memory_space<any>> -> memref<1x768x1536xf32, #tpu.memory_space<any>>
      %dma_wait3A_37 = tpu.memref_squeeze %dma_wait3A_36 : memref<1x768x1536xf32, #tpu.memory_space<any>> -> memref<768x1536xf32, #tpu.memory_space<any>>
      tpu.wait_dma2 semaphore(%dma_wait3A_29 : memref<!tpu.dma_semaphore, #tpu.memory_space<semaphore_mem>>) src(%dma_wait3A_37 : memref<768x1536xf32, #tpu.memory_space<any>>) dst(%dma_wait3A_33 : memref<768x1536xf32, #tpu.memory_space<vmem>>)
      %dma_wait3A_38 = arith.constant 1 : i32
      %dma_wait3A_39 = arith.constant 0 : i32
      %dma_wait3A_40 = tpu.memref_slice %arg18[%get3A_2, %dma_wait3A_38, %dma_wait3A_39] : memref<2x2x1x!tpu.dma_semaphore, #tpu.memory_space<semaphore_mem>> -> memref<1x1x1x!tpu.dma_semaphore, #tpu.memory_space<semaphore_mem>>
      %dma_wait3A_41 = tpu.memref_squeeze %dma_wait3A_40 : memref<1x1x1x!tpu.dma_semaphore, #tpu.memory_space<semaphore_mem>> -> memref<!tpu.dma_semaphore, #tpu.memory_space<semaphore_mem>>
      %dma_wait3A_42 = arith.constant 0 : i32
      %dma_wait3A_43 = arith.constant 0 : i32
      %dma_wait3A_44 = tpu.memref_slice %arg17[%get3A_2, %dma_wait3A_42, %dma_wait3A_43] : memref<2x1536x768xf32, #tpu.memory_space<vmem>> -> memref<1x1536x768xf32, #tpu.memory_space<vmem>>
      %dma_wait3A_45 = tpu.memref_squeeze %dma_wait3A_44 : memref<1x1536x768xf32, #tpu.memory_space<vmem>> -> memref<1536x768xf32, #tpu.memory_space<vmem>>
      %dma_wait3A_46 = arith.constant 0 : i32
      %dma_wait3A_47 = arith.constant 0 : i32
      %dma_wait3A_48 = tpu.memref_slice %arg13[%get3A_0, %dma_wait3A_46, %dma_wait3A_47] : memref<8x1536x768xf32, #tpu.memory_space<any>> -> memref<1x1536x768xf32, #tpu.memory_space<any>>
      %dma_wait3A_49 = tpu.memref_squeeze %dma_wait3A_48 : memref<1x1536x768xf32, #tpu.memory_space<any>> -> memref<1536x768xf32, #tpu.memory_space<any>>
      tpu.wait_dma2 semaphore(%dma_wait3A_41 : memref<!tpu.dma_semaphore, #tpu.memory_space<semaphore_mem>>) src(%dma_wait3A_49 : memref<1536x768xf32, #tpu.memory_space<any>>) dst(%dma_wait3A_45 : memref<1536x768xf32, #tpu.memory_space<vmem>>)
    } else {
    }
    %get3A_14 = arith.index_cast %arg0 : i32 to index
    %get3A_15 = memref.load %arg6[%get3A_14] : memref<24xi32, #tpu.memory_space<smem>>
    %eq3A_16 = arith.constant 1 : i32
    %eq3A_17 = arith.cmpi eq, %get3A_15, %eq3A_16 : i32
    %lt3A_18 = arith.cmpi slt, %arg0, %get3A_4 : i32
    %and3A_19 = arith.andi %eq3A_17, %lt3A_18 : i1
    %convert_element_type3A_20 = arith.extui %and3A_19 : i1 to i32
    %cond3A_21 = arith.constant 0 : i32
    %cond3A_22 = arith.cmpi ne, %convert_element_type3A_20, %cond3A_21 : i32
    scf.if %cond3A_22 {
      %get3A_27 = arith.index_cast %arg0 : i32 to index
      %get3A_28 = memref.load %arg5[%get3A_27] : memref<24xi32, #tpu.memory_space<smem>>
      %get3A_29 = arith.index_cast %arg0 : i32 to index
      %get3A_30 = memref.load %arg7[%get3A_29] : memref<24xi32, #tpu.memory_space<smem>>
      %dma_start3A = arith.constant 0 : i32
      %dma_start3A_31 = arith.constant 0 : i32
      %dma_start3A_32 = tpu.memref_slice %arg18[%get3A_30, %dma_start3A, %dma_start3A_31] : memref<2x2x1x!tpu.dma_semaphore, #tpu.memory_space<semaphore_mem>> -> memref<1x1x1x!tpu.dma_semaphore, #tpu.memory_space<semaphore_mem>>
      %dma_start3A_33 = tpu.memref_squeeze %dma_start3A_32 : memref<1x1x1x!tpu.dma_semaphore, #tpu.memory_space<semaphore_mem>> -> memref<!tpu.dma_semaphore, #tpu.memory_space<semaphore_mem>>
      %dma_start3A_34 = arith.constant 0 : i32
      %dma_start3A_35 = arith.constant 0 : i32
      %dma_start3A_36 = tpu.memref_slice %arg16[%get3A_30, %dma_start3A_34, %dma_start3A_35] : memref<2x768x1536xf32, #tpu.memory_space<vmem>> -> memref<1x768x1536xf32, #tpu.memory_space<vmem>>
      %dma_start3A_37 = tpu.memref_squeeze %dma_start3A_36 : memref<1x768x1536xf32, #tpu.memory_space<vmem>> -> memref<768x1536xf32, #tpu.memory_space<vmem>>
      %dma_start3A_38 = arith.constant 0 : i32
      %dma_start3A_39 = arith.constant 0 : i32
      %dma_start3A_40 = tpu.memref_slice %arg11[%get3A_28, %dma_start3A_38, %dma_start3A_39] : memref<8x768x1536xf32, #tpu.memory_space<any>> -> memref<1x768x1536xf32, #tpu.memory_space<any>>
      %dma_start3A_41 = tpu.memref_squeeze %dma_start3A_40 : memref<1x768x1536xf32, #tpu.memory_space<any>> -> memref<768x1536xf32, #tpu.memory_space<any>>
      tpu.enqueue_dma source(%dma_start3A_41 : memref<768x1536xf32, #tpu.memory_space<any>>) target(%dma_start3A_37 : memref<768x1536xf32, #tpu.memory_space<vmem>>) target_semaphore(%dma_start3A_33 : memref<!tpu.dma_semaphore, #tpu.memory_space<semaphore_mem>>)
      %dma_start3A_42 = arith.constant 1 : i32
      %dma_start3A_43 = arith.constant 0 : i32
      %dma_start3A_44 = tpu.memref_slice %arg18[%get3A_30, %dma_start3A_42, %dma_start3A_43] : memref<2x2x1x!tpu.dma_semaphore, #tpu.memory_space<semaphore_mem>> -> memref<1x1x1x!tpu.dma_semaphore, #tpu.memory_space<semaphore_mem>>
      %dma_start3A_45 = tpu.memref_squeeze %dma_start3A_44 : memref<1x1x1x!tpu.dma_semaphore, #tpu.memory_space<semaphore_mem>> -> memref<!tpu.dma_semaphore, #tpu.memory_space<semaphore_mem>>
      %dma_start3A_46 = arith.constant 0 : i32
      %dma_start3A_47 = arith.constant 0 : i32
      %dma_start3A_48 = tpu.memref_slice %arg17[%get3A_30, %dma_start3A_46, %dma_start3A_47] : memref<2x1536x768xf32, #tpu.memory_space<vmem>> -> memref<1x1536x768xf32, #tpu.memory_space<vmem>>
      %dma_start3A_49 = tpu.memref_squeeze %dma_start3A_48 : memref<1x1536x768xf32, #tpu.memory_space<vmem>> -> memref<1536x768xf32, #tpu.memory_space<vmem>>
      %dma_start3A_50 = arith.constant 0 : i32
      %dma_start3A_51 = arith.constant 0 : i32
      %dma_start3A_52 = tpu.memref_slice %arg13[%get3A_28, %dma_start3A_50, %dma_start3A_51] : memref<8x1536x768xf32, #tpu.memory_space<any>> -> memref<1x1536x768xf32, #tpu.memory_space<any>>
      %dma_start3A_53 = tpu.memref_squeeze %dma_start3A_52 : memref<1x1536x768xf32, #tpu.memory_space<any>> -> memref<1536x768xf32, #tpu.memory_space<any>>
      tpu.enqueue_dma source(%dma_start3A_53 : memref<1536x768xf32, #tpu.memory_space<any>>) target(%dma_start3A_49 : memref<1536x768xf32, #tpu.memory_space<vmem>>) target_semaphore(%dma_start3A_45 : memref<!tpu.dma_semaphore, #tpu.memory_space<semaphore_mem>>)
    } else {
    }
    %lt3A_23 = arith.cmpi slt, %arg0, %get3A_4 : i32
    %convert_element_type3A_24 = arith.extui %lt3A_23 : i1 to i32
    %cond3A_25 = arith.constant 0 : i32
    %cond3A_26 = arith.cmpi ne, %convert_element_type3A_24, %cond3A_25 : i32
    scf.if %cond3A_26 {
      %get3A_27 = arith.constant 0 : index
      %get3A_28 = arith.constant 0 : index
      %get3A_29 = vector.load %arg10[%get3A_27, %get3A_28] : memref<256x768xf32, #tpu.memory_space<vmem>>, vector<256x768xf32>
      %get3A_30 = arith.index_cast %get3A_2 : i32 to index
      %get3A_31 = arith.constant 0 : index
      %get3A_32 = arith.constant 0 : index
      %get3A_33 = vector.load %arg16[%get3A_30, %get3A_31, %get3A_32] : memref<2x768x1536xf32, #tpu.memory_space<vmem>>, vector<1x768x1536xf32>
      %get3A_34 = vector.shape_cast %get3A_33 : vector<1x768x1536xf32> to vector<768x1536xf32>
      %dot_general3A = arith.constant dense<0.000000e+00> : vector<256x1536xf32>
      %dot_general3A_35 = tpu.matmul %get3A_29, %get3A_34, %dot_general3A {dimension_numbers = #tpu.dot_dimension_numbers<[1], [0], [0], [1], [0, 0, 1, 1], [], []>, transpose_lhs_hint = false} : vector<256x768xf32>, vector<768x1536xf32>, vector<256x1536xf32> -> vector<256x1536xf32>
      %get3A_36 = arith.constant 0 : index
      %get3A_37 = arith.constant 0 : index
      %get3A_38 = arith.constant 0 : index
      %get3A_39 = vector.load %arg12[%get3A_36, %get3A_37, %get3A_38] : memref<1x1x1536xf32, #tpu.memory_space<vmem>>, vector<1x1x1536xf32>
      %get3A_40 = vector.shape_cast %get3A_39 : vector<1x1x1536xf32> to vector<1x1536xf32>
      %add3A = vector.broadcast %get3A_40 : vector<1x1536xf32> to vector<256x1536xf32>
      %add3A_41 = arith.addf %dot_general3A_35, %add3A : vector<256x1536xf32>
      %max3A = arith.constant 0.000000e+00 : f32
      %max3A_42 = vector.broadcast %max3A : f32 to vector<256x1536xf32>
      %max3A_43 = arith.maximumf %add3A_41, %max3A_42 : vector<256x1536xf32>
      %get3A_44 = arith.index_cast %get3A_2 : i32 to index
      %get3A_45 = arith.constant 0 : index
      %get3A_46 = arith.constant 0 : index
      %get3A_47 = vector.load %arg17[%get3A_44, %get3A_45, %get3A_46] : memref<2x1536x768xf32, #tpu.memory_space<vmem>>, vector<1x1536x768xf32>
      %get3A_48 = vector.shape_cast %get3A_47 : vector<1x1536x768xf32> to vector<1536x768xf32>
      %dot_general3A_49 = arith.constant dense<0.000000e+00> : vector<256x768xf32>
      %dot_general3A_50 = tpu.matmul %max3A_43, %get3A_48, %dot_general3A_49 {dimension_numbers = #tpu.dot_dimension_numbers<[1], [0], [0], [1], [0, 0, 1, 1], [], []>, transpose_lhs_hint = false} : vector<256x1536xf32>, vector<1536x768xf32>, vector<256x768xf32> -> vector<256x768xf32>
      %get3A_51 = arith.constant 0 : index
      %get3A_52 = arith.constant 0 : index
      %get3A_53 = arith.constant 0 : index
      %get3A_54 = vector.load %arg14[%get3A_51, %get3A_52, %get3A_53] : memref<1x1x768xf32, #tpu.memory_space<vmem>>, vector<1x1x768xf32>
      %get3A_55 = vector.shape_cast %get3A_54 : vector<1x1x768xf32> to vector<1x768xf32>
      %add3A_56 = vector.broadcast %get3A_55 : vector<1x768xf32> to vector<256x768xf32>
      %add3A_57 = arith.addf %dot_general3A_50, %add3A_56 : vector<256x768xf32>
      %swap3A = arith.constant 0 : index
      %swap3A_58 = arith.constant 0 : index
      %swap3A_59 = vector.load %arg15[%swap3A, %swap3A_58] : memref<256x768xf32, #tpu.memory_space<vmem>>, vector<256x768xf32>
      tpu.vector_store %arg15[%swap3A, %swap3A_58], %add3A_57 {strides = array<i32>} : memref<256x768xf32, #tpu.memory_space<vmem>>, vector<256x768xf32>,
    } else {
    }
    return
  }
  func.func @transform_0(%arg0: i32, %arg1: memref<24xi32, #tpu.memory_space<smem>>, %arg2: memref<1xi32, #tpu.memory_space<smem>>, %arg3: memref<24xi32, #tpu.memory_space<smem>>, %arg4: memref<24xi32, #tpu.memory_space<smem>>, %arg5: memref<24xi32, #tpu.memory_space<smem>>, %arg6: memref<24xi32, #tpu.memory_space<smem>>, %arg7: memref<24xi32, #tpu.memory_space<smem>>, %arg8: memref<1xi32, #tpu.memory_space<smem>>, %arg9: memref<8xi32, #tpu.memory_space<smem>>) -> (i32, i32) {
    %get3A = arith.constant 0 : index
    %get3A_0 = memref.load %arg2[%get3A] : memref<1xi32, #tpu.memory_space<smem>>
    %sub3A = arith.constant 1 : i32
    %sub3A_1 = arith.subi %get3A_0, %sub3A : i32
    %min3A = arith.minsi %arg0, %sub3A_1 : i32
    %c0_i32 = arith.constant 0 : i32
    %c0_i32_2 = arith.constant 0 : i32
    return %min3A, %c0_i32 : i32, i32
  }
  func.func @transform_2(%arg0: i32, %arg1: memref<24xi32, #tpu.memory_space<smem>>, %arg2: memref<1xi32, #tpu.memory_space<smem>>, %arg3: memref<24xi32, #tpu.memory_space<smem>>, %arg4: memref<24xi32, #tpu.memory_space<smem>>, %arg5: memref<24xi32, #tpu.memory_space<smem>>, %arg6: memref<24xi32, #tpu.memory_space<smem>>, %arg7: memref<24xi32, #tpu.memory_space<smem>>, %arg8: memref<1xi32, #tpu.memory_space<smem>>, %arg9: memref<8xi32, #tpu.memory_space<smem>>) -> (i32, i32, i32) {
    %get3A = arith.index_cast %arg0 : i32 to index
    %get3A_0 = memref.load %arg1[%get3A] : memref<24xi32, #tpu.memory_space<smem>>
    %c0_i32 = arith.constant 0 : i32
    %c0_i32_1 = arith.constant 0 : i32
    %c0_i32_2 = arith.constant 0 : i32
    return %get3A_0, %c0_i32, %c0_i32_1 : i32, i32, i32
  }
  func.func @transform_4(%arg0: i32, %arg1: memref<24xi32, #tpu.memory_space<smem>>, %arg2: memref<1xi32, #tpu.memory_space<smem>>, %arg3: memref<24xi32, #tpu.memory_space<smem>>, %arg4: memref<24xi32, #tpu.memory_space<smem>>, %arg5: memref<24xi32, #tpu.memory_space<smem>>, %arg6: memref<24xi32, #tpu.memory_space<smem>>, %arg7: memref<24xi32, #tpu.memory_space<smem>>, %arg8: memref<1xi32, #tpu.memory_space<smem>>, %arg9: memref<8xi32, #tpu.memory_space<smem>>) -> (i32, i32, i32) {
    %get3A = arith.index_cast %arg0 : i32 to index
    %get3A_0 = memref.load %arg1[%get3A] : memref<24xi32, #tpu.memory_space<smem>>
    %c0_i32 = arith.constant 0 : i32
    %c0_i32_1 = arith.constant 0 : i32
    %c0_i32_2 = arith.constant 0 : i32
    return %get3A_0, %c0_i32, %c0_i32_1 : i32, i32, i32
  }
  func.func @transform_5(%arg0: i32, %arg1: memref<24xi32, #tpu.memory_space<smem>>, %arg2: memref<1xi32, #tpu.memory_space<smem>>, %arg3: memref<24xi32, #tpu.memory_space<smem>>, %arg4: memref<24xi32, #tpu.memory_space<smem>>, %arg5: memref<24xi32, #tpu.memory_space<smem>>, %arg6: memref<24xi32, #tpu.memory_space<smem>>, %arg7: memref<24xi32, #tpu.memory_space<smem>>, %arg8: memref<1xi32, #tpu.memory_space<smem>>, %arg9: memref<8xi32, #tpu.memory_space<smem>>) -> (i32, i32) {
    %get3A = arith.constant 0 : index
    %get3A_0 = memref.load %arg2[%get3A] : memref<1xi32, #tpu.memory_space<smem>>
    %lt3A = arith.cmpi slt, %arg0, %get3A_0 : i32
    %jit3A = arith.constant 23 : i32
    %select_n3A = arith.select %lt3A, %arg0, %jit3A : i32
    %c0_i32 = arith.constant 0 : i32
    %c0_i32_1 = arith.constant 0 : i32
    return %select_n3A, %c0_i32 : i32, i32
  }
}

</mosaic_0001>

<sc_bundles>
// kernel: kernel.6.cloned.1.call-start
scs
__scs_entry_jumppad:
0x0: {  	(pc) =	sbr.rel $0x88, $3  }
0x1: {  	(tag) =	ssettag $0x0;
	lr =	simm.s32 $0x1  }
0x2: {  	[smem:$0x3F9A] =	sst lr;
	_ =	strace $0xD0000000  }
0x3: {  	_ = 	snop  }
0x4: {  	_ = 	snop  }
0x5: {  	_ = 	snop  }
0x6: {  	_ = 	snop  }
0x7: {  	_ = 	snop  }
__scs_overlays_trampoline_lowered:
0x8: {  	[smem:$0x3FA9] =	sst s0  }
0x9: {  	[smem:$0x3FAA] =	sst s1  }
0xa: {  	[smem:$0x3FAB] =	sst s2  }
0xb: {  	[smem:$0x3FAC] =	sst s3  }
0xc: {  	[smem:$0x3FAD] =	sst s4  }
0xd: {  	[smem:$0x3FAE] =	sst s5  }
0xe: {  	[smem:$0x3FAF] =	sst s6  }
0xf: {  	[smem:$0x3FB0] =	sst s7  }
0x10: {  	[smem:$0x3FB1] =	sst s8  }
0x11: {  	[smem:$0x3FB2] =	sst s9;
	s0 =	simm.s32 @!p0 $0x0  }
0x12: {  	s1 =	sld [smem:$0x3F98];
	s0 =	simm.s32 @p0 $0x1  }
0x13: {  	[smem:$0x3FB3] =	sst s0;
	s0 =	simm.s32 @!p1 $0x0  }
0x14: {  	s2 =	sld [smem:$0x3F97];
	s0 =	simm.s32 @p1 $0x1  }
0x15: {  	[smem:$0x3FB4] =	sst s0;
	s0 =	simm.s32 @!p2 $0x0  }
0x16: {  	s3 =	sld [smem:$0x3FDB];
	s0 =	simm.s32 @p2 $0x1  }
0x17: {  	s4 =	simm.s32 $0x1BF5;
	[smem:$0x3FB6] =	sst s0  }
0x18: {  	s0 =	sld [smem:$0x3F99];
	_ =	swait.ge [sflag:s4], $0x0  }
0x19: {  	s7 =	sld [smem:$0x3F9A]  }
0x1a: {  	s8 =	sadd.s32 $0xFFFFE003, lr  }
0x1b: {  	s9 =	sadd.s32 $0xFFFFFEF7, lr;
	s5 =	simm.s32 $0xFFFFFFFF;
	p2 =	slt.u32 s8, $0xFFFFF086  }
0x1c: {  	p1 =	slt.u32 s9, $0xF7A;
	s5 =	simm.s32 @!p2 $0x0  }
0x1d: {  	s5 =	simm.s32 @p1 $0x1;
	p0 =	seq.s32 s7, s2  }
0x1e: {  	s7 =	smul.u32 @!p0 $0xF7A, s2;
	p2 =	seq.s32 @!p0 s5, $0x0  }
0x1f: {  	s9 =	smul.u32 $0xF7A, s1;
	s8 =	simm.s32 @!p0 $0x1BF5;
	p2 =	por !p2, p0  }
0x20: {  	[sflag:s8] =	ssyncset.s32 @!p0 $0xFFFFF086;
	s6 =	sadd.s32 @!p0 s3, s7;
	s7 =	simm.s32 @!p0 $0x108  }
0x21: {  	s3 =	sadd.s32 s3, s9;
	s6 =	sadd.s32 @!p0 $0x88, s6;
	s7 =	simm.s32 @p2 $0x1082  }
0x22: {  	[simem:s7], [sflag:s8] =	dma.local @!p0 [hbm:s6], $0xF7A  }
0x23: {  	s9 =	sor.u32 $0xD0000000, s2;
	s6 =	simm.s32 $0x108;
	_ =	swait.ge @!p0 [sflag:s8], $0x0  }
0x24: {  	s3 =	sadd.s32 $0x88, s3;
	s6 =	simm.s32 @!p1 $0x1082;
	[sflag:s4] =	ssyncset.s32 $0xFFFFF086  }
0x25: {  	[simem:s6], [sflag:s4] =	dma.local [hbm:s3], $0xF7A  }
0x26: {  	[smem:$0x3F9A] =	sst s1;
	(tag) =	ssettag s2;
	_ =	strace s9  }
0x27: {  	s1 =	sld [smem:$0x3FAA]  }
0x28: {  	s2 =	sld [smem:$0x3FAB]  }
0x29: {  	s4 =	sld [smem:$0x3FAD]  }
0x2a: {  	p0 =	seq.s32 s5, $0x0;
	s5 =	sld [smem:$0x3FAE]  }
0x2b: {  	s6 =	sld [smem:$0x3FAF]  }
0x2c: {  	s7 =	sld [smem:$0x3FB0]  }
0x2d: {  	s3 =	simm.s32 $0x108;
	s8 =	sld [smem:$0x3FB1]  }
0x2e: {  	s3 =	simm.s32 @!p0 $0x1082;
	s9 =	sld [smem:$0x3FB2]  }
0x2f: {  	lr =	sadd.s32 s0, s3;
	s0 =	sld [smem:$0x3FA9]  }
0x30: {  	s3 =	sld [smem:$0x3FAC]  }
0x31: {  	[smem:$0x3FB5] =	sst s10  }
0x32: {  	s10 =	sld [smem:$0x3FB3];
	_ =	sdelay $0x3  }
0x33: {  	p0 =	seq.s32 s10, $0x1;
	s10 =	sld [smem:$0x3FB5];
	_ =	sdelay $0x3  }
0x34: {  	[smem:$0x3FB5] =	sst s10  }
0x35: {  	s10 =	sld [smem:$0x3FB4];
	_ =	sdelay $0x3  }
0x36: {  	p1 =	seq.s32 s10, $0x1;
	s10 =	sld [smem:$0x3FB5];
	_ =	sdelay $0x3  }
0x37: {  	[smem:$0x3FB5] =	sst s10  }
0x38: {  	s10 =	sld [smem:$0x3FB6]  }
0x39: {  	_ = 	snop;
	(pc) =	sbr.ind lr, $3  }
0x3a: {  	_ = 	snop  }
0x3b: {  	_ = 	snop  }
0x3c: {  	p2 =	seq.s32 s10, $0x1;
	s10 =	sld [smem:$0x3FB5]  }
0x3d: {  	_ =	shalt  }
0x3e: {  	_ =	shalt  }
0x3f: {  	_ =	shalt  }
0x40: {  	_ =	shalt  }
0x41: {  	_ =	shalt  }
0x42: {  	_ =	shalt  }
0x43: {  	_ =	shalt  }
0x44: {  	_ =	shalt  }
0x45: {  	_ =	shalt  }
0x46: {  	_ =	shalt  }
0x47: {  	_ =	shalt  }
0x48: {  	_ =	shalt  }
0x49: {  	_ =	shalt  }
0x4a: {  	_ =	shalt  }
0x4b: {  	_ =	shalt  }
0x4c: {  	_ =	shalt  }
0x4d: {  	_ =	shalt  }
0x4e: {  	_ =	shalt  }
0x4f: {  	_ =	shalt  }
0x50: {  	_ =	shalt  }
0x51: {  	_ =	shalt  }
0x52: {  	_ =	shalt  }
0x53: {  	_ =	shalt  }
0x54: {  	_ =	shalt  }
0x55: {  	_ =	shalt  }
0x56: {  	_ =	shalt  }
0x57: {  	_ =	shalt  }
0x58: {  	_ =	shalt  }
0x59: {  	_ =	shalt  }
0x5a: {  	_ =	shalt  }
0x5b: {  	_ =	shalt  }
0x5c: {  	_ =	shalt  }
0x5d: {  	_ =	shalt  }
0x5e: {  	_ =	shalt  }
0x5f: {  	_ =	shalt  }
0x60: {  	_ =	shalt  }
0x61: {  	_ =	shalt  }
0x62: {  	_ =	shalt  }
0x63: {  	_ =	shalt  }
0x64: {  	_ =	shalt  }
0x65: {  	_ =	shalt  }
0x66: {  	_ =	shalt  }
0x67: {  	_ =	shalt  }
0x68: {  	_ =	shalt  }
0x69: {  	_ =	shalt  }
0x6a: {  	_ =	shalt  }
0x6b: {  	_ =	shalt  }
0x6c: {  	_ =	shalt  }
0x6d: {  	_ =	shalt  }
0x6e: {  	_ =	shalt  }
0x6f: {  	_ =	shalt  }
0x70: {  	_ =	shalt  }
0x71: {  	_ =	shalt  }
0x72: {  	_ =	shalt  }
0x73: {  	_ =	shalt  }
0x74: {  	_ =	shalt  }
0x75: {  	_ =	shalt  }
0x76: {  	_ =	shalt  }
0x77: {  	_ =	shalt  }
0x78: {  	_ =	shalt  }
0x79: {  	_ =	shalt  }
0x7a: {  	_ =	shalt  }
0x7b: {  	_ =	shalt  }
0x7c: {  	_ =	shalt  }
0x7d: {  	_ =	shalt  }
0x7e: {  	_ =	shalt  }
0x7f: {  	_ =	shalt  }
0x80: {  	_ =	shalt  }
0x81: {  	_ =	shalt  }
0x82: {  	_ =	shalt  }
0x83: {  	_ =	shalt  }
0x84: {  	_ =	shalt  }
0x85: {  	_ =	shalt  }
0x86: {  	_ =	shalt  }
0x87: {  	_ =	shalt  }
.Lfunc_end0:
.L_simem_size_0:
called_computation_lowered:
.L_overlay_start_0:
0x88: {  	s2 =	sld [smem:$0x3FD9]  }
0x89: {  	s3 =	sld [smem:$0x3FFE];
	_ =	sdelay $0x1  }
0x8a: {  	s1 =	srdreg.scid  }
0x8b: {  	s0 =	sand.u32 $0x1, s1  }
0x8c: {  	s17 =	sshll.u32 s0, $0xA;
	s2 =	sadd.s32 s3, s2  }
0x8d: {  	s2 =	sadd.s32 s2, s17  }
0x8e: {  	[smem:$0x3FC1] =	sst s2  }
0x8f: {  	_ = 	snop  }
0x90: {  	s2 =	sld [smem:$0x3FC9];
	(tm) =	ssettm $0x1  }
0x91: {  	s18 =	sld [smem:$0x3FFB];
	_ =	sdelay $0x3  }
0x92: {  	_ =	strace s18  }
0x93: {  	s3 =	sld [smem:$0x3FFC];
	_ =	sdelay $0x3  }
0x94: {  	_ =	strace s3  }
0x95: {  	s3 =	sld [smem:$0x3FFD];
	_ =	sdelay $0x3  }
0x96: {  	_ =	strace s3  }
0x97: {  	_ =	strace $0x8FFFFFFF  }
0x98: {  	s19 =	sld [smem:$0x3FDB];
	_ =	sdelay $0x1  }
0x99: {  	s4 =	simm.s32 $_scs_section_size  }
0x9a: {  	s5 =	simm.s32 $_size__tile_overlayer_lowered;
	s6 =	simm.s32 $_tile_overlayer_lowered  }
0x9b: {  	s22 =	simm.s32 $0x1BFF;
	s21 =	sshll.u32 s6, $0x1;
	s3 =	sadd.s32 s4, s19  }
0x9c: {  	s7 =	simm.s32 $0x0;
	s20 =	sshll.u32 s5, $0x1;
	s5 =	sadd.s32 s21, s3  }
0x9d: {  	[timem:s7], [sflag:s22] =	dma.local [hbm:s5], s20  }
0x9e: {  	_ =	swait.ge [sflag:s22], s20  }
0x9f: {  	s4 =	ssub.s32 $0x0, s20;
	[sflag:s22] =	ssyncset.done $0x0  }
0xa0: {  	[sflag:s22] =	ssyncadd.s32 s4;
	_ =	sdelay $0x1  }
0xa1: {  	s23 =	simm.s32 $0x1B8B  }
0xa2: {  	_ =	swait.ge [sflag:s23], $0x1  }
0xa3: {  	[sflag:s23] =	ssyncset.done $0x0  }
0xa4: {  	s25 =	simm.s32 $0x1B8E;
	s24 =	sld [smem:$0x3FFE];
	[sflag:s23] =	ssyncadd.s32 $0xFFFFFFFF  }
0xa5: {  	s26 =	simm.s32 $execute0_lowered;
	[smem:$0x3FD2] =	sst s25  }
0xa6: {  	s5 =	sshll.u32 s26, $0x1;
	_ =	strace $0x80000046;
	[dreg:$0x1] =	wrdreg $0xFFFFFFFF  }
0xa7: {  	s28 =	simm.s32 $_size_execute0_lowered;
	s3 =	sadd.s32 s3, s5;
	[dreg:$0x0] =	wrdreg $0x0  }
0xa8: {  	s5 =	sshll.u32 s28, $0x1;
	[dreg:$0x2] =	wrdreg s3  }
0xa9: {  	[dreg:$0x3] =	wrdreg s5  }
0xaa: {  	[dreg:$0x4] =	wrdreg $0xC0  }
0xab: {  	_ =	task [dreg:s7], $0x5FFFF  }
0xac: {  	[dreg:$0x1] =	wrdreg $0xFFFFFFFF  }
0xad: {  	[dreg:$0x0] =	wrdreg $0x60  }
0xae: {  	[dreg:$0x2] =	wrdreg s2  }
0xaf: {  	[dreg:$0x3] =	wrdreg s24  }
0xb0: {  	[dreg:$0x4] =	wrdreg $0x9  }
0xb1: {  	_ =	task.clear_ibuf [dreg:s7], $0x5FFFF;
	_ =	strace $0x90000046  }
0xb2: {  	s29 =	simm.s32 $0x9;
	_ =	strace $0x80000048  }
0xb3: {  	_ =	swait.ge [sflag:s29], $0x1  }
0xb4: {  	[sflag:s29] =	ssyncadd.s32 $0xFFFFFFFF  }
0xb5: {  	_ =	strace $0x90000048  }
0xb6: {  	_ =	sfence  }
0xb7: {  	s30 =	sld [smem:$0x0];
	_ =	sdelay $0x2  }
0xb8: {  	s31 =	sshll.u32 s1, $0xD;
	s1 =	sshrl.u32 s1, $0x2  }
0xb9: {  	s3 =	sand.u32 $0x4000, s31;
	s1 =	sadd.s32 s1, s30  }
0xba: {  	s0 =	sor.u32 s3, s0;
	s1 =	sshll.u32 s1, $0x11  }
0xbb: {  	s0 =	sor.u32 s1, s0  }
0xbc: {  	s0 =	sadd.s32 $0x8F2B, s0  }
0xbd: {  	[sflag:s0] =	ssyncadd.remote.s32 $0x1  }
0xbe: {  	_ =	sfence.sel $0xFFFF  }
0xbf: {  	[dreg:$0x0] =	wrdreg $0xFFFFFFFF;
	(pc) =	sbr.abs _section_cstart, $3  }
0xc0: {  	[dreg:$0x1] =	wrdreg $0xFFFFFFFF  }
0xc1: {  	_ =	task.clear_ibuf [dreg:s7], $0x2FFFF;
	_ =	strace $0x9FFFFFFF  }
0xc2: {  	(tm) =	ssettm $0x7FFFFFFF  }
0xc3: {  	_ =	shalt  }
tec
execute0_lowered:
.L_overlay_start_1:
0x0: {  	(tag) =	ssettag $0x1  }
0x1: {  	s0 =	rddreg [dreg:$0x0]  }
0x2: {  	s1 =	rddreg [dreg:$0x1]  }
0x3: {  	s2 =	srdreg.scid;
	s3 =	stileid.u32;
	s26 =	simm.s32 $0x80  }
0x4: {  	s9 =	simm.s32 $0x1;
	s10 =	simm.s32 $0x2;
	s15 =	simm.s32 $0x2100  }
0x5: {  	s16 =	simm.s32 $0x2900;
	s17 =	simm.s32 $0x3100;
	s18 =	simm.s32 $0x3900  }
0x6: {  	s19 =	simm.s32 $0x4100;
	s20 =	simm.s32 $0x4900;
	s21 =	simm.s32 $0x5100  }
0x7: {  	s22 =	simm.s32 $0x5900;
	s23 =	simm.s32 $0x6100;
	s24 =	simm.s32 $0x6900  }
0x8: {  	s28 =	simm.s32 $0x8100;
	s29 =	simm.s32 $0x8900;
	s30 =	simm.s32 $0x9100  }
0x9: {  	s31 =	simm.s32 $0x9900;
	s11 =	simm.s32 $0xB100;
	s4 =	sand.u32 $0x1, s2  }
0xa: {  	s2 =	simm.s32 $0x0;
	s3 =	sshll.u32 s3, $0x4;
	s5 =	sshll.u32 s4, $0x3  }
0xb: {  	[smem:$0x7FF] =	sst s2;
	s4 =	ssub.s32 $0x2, s4;
	s5 =	sor.u32 s5, s3  }
0xc: {  	_ =	strace $0x80000047;
	s3 =	sadd.s32 $0x10600, s1;
	s8 =	sshrl.u32 s4, $0x1  }
0xd: {  	[dreg:$0x6] =	wrdreg s26;
	s26 =	simm.s32 $0x7900;
	s6 =	sadd.s32 s5, s1  }
0xe: {  	s5 =	smul.u32 $0x300, s5;
	s25 =	ssub.s32 s4, s8;
	s7 =	sadd.s32 $0x10200, s6  }
0xf: {  	s4 =	sadd.s32 $0x10700, s1;
	s6 =	sadd.s32 $0x10400, s6;
	[dreg:$0x3] =	wrdreg s7  }
0x10: {  	v2 =	vlaneseq.u32;
	s8 =	simm.s32 $0x100;
	[dreg:$0x4] =	wrdreg s6;
	s0 =	sadd.s32 s0, s5  }
0x11: {  	vm0 =	vmmov $0xffff;
	v1 =	vshrl.u32 v2, $0x3;
	s5 =	sadd.s32 $0x10800, s1;
	s6 =	smax.u32 s25, $0x1;
	s25 =	simm.s32 $0x7100  }
0x12: {  	v0 =	vand.u32 $0x7, v2;
	v2 =	vor.u32 $0x8, v2;
	v1 =	vmul.u32 $0x8, v1;
	s1 =	simm.s32 $0xA900;
	s7 =	simm.s32 $0xB900;
	[dreg:$0x5] =	wrdreg s0  }
.LBB2_1:
0x13: {  	s12 =	rddreg [dreg:$0x3]  }
0x14: {  	s13 =	rddreg [dreg:$0x4]  }
0x15: {  	[tilespmem:s2], [sflag:$0x1] =	stream.linear.gather [hbm4b:s12+s2], $0x40, $0x38;
	[tilespmem:$0xC100] =	vst v63  }
0x16: {  	s14 =	rddreg [dreg:$0x6]  }
0x17: {  	[tilespmem:s14], [sflag:$0x2] =	stream.linear.gather [hbm4b:s13+s2], $0x40, $0x38;
	[tilespmem:$0xC100] =	vst v63  }
0x18: {  	s0 =	rddreg [dreg:$0x5]  }
0x19: {  	[tilespmem:s8], [sflag:$0x3] =	stream.linear.gather [hbm4b:s0+s2], $0xC000, $0x38;
	[tilespmem:$0xC100] =	vst v63  }
0x1a: {  	s0 =	simm.s32 $0x3  }
0x1b: {  	_ =	swait.ge [sflag:s0], $0xC000  }
0x1c: {  	[sflag:s0] =	ssyncset.done $0x0  }
0x1d: {  	[sflag:s0] =	ssyncadd.s32 $0xFFFF4000  }
0x1e: {  	_ =	swait.ge [sflag:s9], $0x40  }
0x1f: {  	[sflag:s9] =	ssyncset.done $0x0  }
0x20: {  	[sflag:s9] =	ssyncadd.s32 $0xFFFFFFC0  }
0x21: {  	_ =	swait.ge [sflag:s10], $0x40  }
0x22: {  	[sflag:s10] =	ssyncset.done $0x0  }
0x23: {  	[sflag:s10] =	ssyncadd.s32 $0xFFFFFFC0  }
0x24: {  	v3 =	vld [tilespmem:$0x0];
	_ =	sdelay $0x4  }
0x25: {  	v4 =	vshrl.u32 v3, $0x3  }
0x26: {  	v4 =	vmul.u32 $0x30, v4  }
0x27: {  	v3 =	vand.u32 $0x7, v3  }
0x28: {  	v3 =	vor.u32 v3, v4  }
0x29: {  	v4 =	vperm.xlane v3, v0;
	_ =	sdelay $0x1  }
0x2a: {  	v4 =	vadd.s32 v1, v4;
	_ =	sdelay $0x3  }
0x2b: {  	v3 =	vperm.xlane v3, v2  }
0x2c: {  	[hbm4b:s3+s2] =	stream.indirect_vreg.scatter [tilespmem:s8], [sflag:$0x1], $0x80, v4, vm0, $0xb8;
	[tilespmem:$0xC100] =	vst v63  }
0x2d: {  	s12 =	simm.s32 $0x900;
	v3 =	vadd.s32 v1, v3  }
0x2e: {  	[hbm4b:s4+s2] =	stream.indirect_vreg.scatter [tilespmem:s12], [sflag:$0x1], $0x80, v4, vm0, $0xb8;
	[tilespmem:$0xC100] =	vst v63  }
0x2f: {  	s13 =	simm.s32 $0x1100  }
0x30: {  	[hbm4b:s5+s2] =	stream.indirect_vreg.scatter [tilespmem:s13], [sflag:$0x1], $0x80, v4, vm0, $0xb8;
	[tilespmem:$0xC100] =	vst v63  }
0x31: {  	s14 =	simm.s32 $0x1900  }
0x32: {  	[hbm4b:s3+s2] =	stream.indirect_vreg.scatter [tilespmem:s14], [sflag:$0x1], $0x80, v3, vm0, $0xb8;
	[tilespmem:$0xC100] =	vst v63  }
0x33: {  	_ = 	snop  }
0x34: {  	[hbm4b:s4+s2] =	stream.indirect_vreg.scatter [tilespmem:s15], [sflag:$0x1], $0x80, v3, vm0, $0xb8;
	[tilespmem:$0xC100] =	vst v63  }
0x35: {  	_ = 	snop  }
0x36: {  	[hbm4b:s5+s2] =	stream.indirect_vreg.scatter [tilespmem:s16], [sflag:$0x1], $0x80, v3, vm0, $0xb8;
	[tilespmem:$0xC100] =	vst v63  }
0x37: {  	v3 =	vld [tilespmem:$0x10];
	_ =	sdelay $0x4  }
0x38: {  	v57 =	vshrl.u32 v3, $0x3  }
0x39: {  	v4 =	vmul.u32 $0x30, v57  }
0x3a: {  	v3 =	vand.u32 $0x7, v3  }
0x3b: {  	v3 =	vor.u32 v3, v4  }
0x3c: {  	v4 =	vperm.xlane v3, v0;
	_ =	sdelay $0x1  }
0x3d: {  	v4 =	vadd.s32 v1, v4;
	_ =	sdelay $0x3  }
0x3e: {  	v3 =	vperm.xlane v3, v2  }
0x3f: {  	[hbm4b:s3+s2] =	stream.indirect_vreg.scatter [tilespmem:s17], [sflag:$0x1], $0x80, v4, vm0, $0xb8;
	[tilespmem:$0xC100] =	vst v63  }
0x40: {  	v3 =	vadd.s32 v1, v3  }
0x41: {  	[hbm4b:s4+s2] =	stream.indirect_vreg.scatter [tilespmem:s18], [sflag:$0x1], $0x80, v4, vm0, $0xb8;
	[tilespmem:$0xC100] =	vst v63  }
0x42: {  	_ = 	snop  }
0x43: {  	[hbm4b:s5+s2] =	stream.indirect_vreg.scatter [tilespmem:s19], [sflag:$0x1], $0x80, v4, vm0, $0xb8;
	[tilespmem:$0xC100] =	vst v63  }
0x44: {  	_ = 	snop  }
0x45: {  	[hbm4b:s3+s2] =	stream.indirect_vreg.scatter [tilespmem:s20], [sflag:$0x1], $0x80, v3, vm0, $0xb8;
	[tilespmem:$0xC100] =	vst v63  }
0x46: {  	_ = 	snop  }
0x47: {  	[hbm4b:s4+s2] =	stream.indirect_vreg.scatter [tilespmem:s21], [sflag:$0x1], $0x80, v3, vm0, $0xb8;
	[tilespmem:$0xC100] =	vst v63  }
0x48: {  	_ = 	snop  }
0x49: {  	[hbm4b:s5+s2] =	stream.indirect_vreg.scatter [tilespmem:s22], [sflag:$0x1], $0x80, v3, vm0, $0xb8;
	[tilespmem:$0xC100] =	vst v63  }
0x4a: {  	v3 =	vld [tilespmem:$0x20];
	_ =	sdelay $0x4  }
0x4b: {  	v58 =	vshrl.u32 v3, $0x3  }
0x4c: {  	v4 =	vmul.u32 $0x30, v58  }
0x4d: {  	v3 =	vand.u32 $0x7, v3  }
0x4e: {  	v3 =	vor.u32 v3, v4  }
0x4f: {  	v4 =	vperm.xlane v3, v0;
	_ =	sdelay $0x1  }
0x50: {  	v4 =	vadd.s32 v1, v4;
	_ =	sdelay $0x3  }
0x51: {  	v3 =	vperm.xlane v3, v2  }
0x52: {  	[hbm4b:s3+s2] =	stream.indirect_vreg.scatter [tilespmem:s23], [sflag:$0x1], $0x80, v4, vm0, $0xb8;
	[tilespmem:$0xC100] =	vst v63  }
0x53: {  	v3 =	vadd.s32 v1, v3  }
0x54: {  	[hbm4b:s4+s2] =	stream.indirect_vreg.scatter [tilespmem:s24], [sflag:$0x1], $0x80, v4, vm0, $0xb8;
	[tilespmem:$0xC100] =	vst v63  }
0x55: {  	_ = 	snop  }
0x56: {  	[hbm4b:s5+s2] =	stream.indirect_vreg.scatter [tilespmem:s25], [sflag:$0x1], $0x80, v4, vm0, $0xb8;
	[tilespmem:$0xC100] =	vst v63  }
0x57: {  	_ = 	snop  }
0x58: {  	[hbm4b:s3+s2] =	stream.indirect_vreg.scatter [tilespmem:s26], [sflag:$0x1], $0x80, v3, vm0, $0xb8;
	[tilespmem:$0xC100] =	vst v63  }
0x59: {  	_ = 	snop  }
0x5a: {  	[hbm4b:s4+s2] =	stream.indirect_vreg.scatter [tilespmem:s28], [sflag:$0x1], $0x80, v3, vm0, $0xb8;
	[tilespmem:$0xC100] =	vst v63  }
0x5b: {  	_ = 	snop  }
0x5c: {  	[hbm4b:s5+s2] =	stream.indirect_vreg.scatter [tilespmem:s29], [sflag:$0x1], $0x80, v3, vm0, $0xb8;
	[tilespmem:$0xC100] =	vst v63  }
0x5d: {  	v3 =	vld [tilespmem:$0x30];
	_ =	sdelay $0x4  }
0x5e: {  	v59 =	vshrl.u32 v3, $0x3  }
0x5f: {  	v4 =	vmul.u32 $0x30, v59  }
0x60: {  	v3 =	vand.u32 $0x7, v3  }
0x61: {  	v3 =	vor.u32 v3, v4  }
0x62: {  	v4 =	vperm.xlane v3, v0;
	_ =	sdelay $0x1  }
0x63: {  	v4 =	vadd.s32 v1, v4;
	_ =	sdelay $0x3  }
0x64: {  	v3 =	vperm.xlane v3, v2  }
0x65: {  	[hbm4b:s3+s2] =	stream.indirect_vreg.scatter [tilespmem:s30], [sflag:$0x1], $0x80, v4, vm0, $0xb8;
	[tilespmem:$0xC100] =	vst v63  }
0x66: {  	v3 =	vadd.s32 v1, v3  }
0x67: {  	[hbm4b:s4+s2] =	stream.indirect_vreg.scatter [tilespmem:s31], [sflag:$0x1], $0x80, v4, vm0, $0xb8;
	[tilespmem:$0xC100] =	vst v63  }
0x68: {  	s0 =	simm.s32 $0xA100  }
0x69: {  	[hbm4b:s5+s2] =	stream.indirect_vreg.scatter [tilespmem:s0], [sflag:$0x1], $0x80, v4, vm0, $0xb8;
	[tilespmem:$0xC100] =	vst v63  }
0x6a: {  	_ = 	snop  }
0x6b: {  	[hbm4b:s3+s2] =	stream.indirect_vreg.scatter [tilespmem:s1], [sflag:$0x1], $0x80, v3, vm0, $0xb8;
	[tilespmem:$0xC100] =	vst v63  }
0x6c: {  	_ = 	snop  }
0x6d: {  	[hbm4b:s4+s2] =	stream.indirect_vreg.scatter [tilespmem:s11], [sflag:$0x1], $0x80, v3, vm0, $0xb8;
	[tilespmem:$0xC100] =	vst v63  }
0x6e: {  	_ = 	snop  }
0x6f: {  	[hbm4b:s5+s2] =	stream.indirect_vreg.scatter [tilespmem:s7], [sflag:$0x1], $0x80, v3, vm0, $0xb8;
	[tilespmem:$0xC100] =	vst v63  }
0x70: {  	v3 =	vld [tilespmem:$0x80];
	_ =	sdelay $0x4  }
0x71: {  	v60 =	vshrl.u32 v3, $0x3  }
0x72: {  	v4 =	vmul.u32 $0x30, v60  }
0x73: {  	v3 =	vand.u32 $0x7, v3  }
0x74: {  	v3 =	vor.u32 v3, v4  }
0x75: {  	v4 =	vperm.xlane v3, v0;
	_ =	sdelay $0x1  }
0x76: {  	v4 =	vadd.s32 v1, v4;
	_ =	sdelay $0x3  }
0x77: {  	v3 =	vperm.xlane v3, v2  }
0x78: {  	[hbm4b:s3+s2] =	stream.indirect_vreg.scatter [tilespmem:s8], [sflag:$0x2], $0x80, v4, vm0, $0xb8;
	[tilespmem:$0xC100] =	vst v63  }
0x79: {  	v3 =	vadd.s32 v1, v3  }
0x7a: {  	[hbm4b:s4+s2] =	stream.indirect_vreg.scatter [tilespmem:s12], [sflag:$0x2], $0x80, v4, vm0, $0xb8;
	[tilespmem:$0xC100] =	vst v63  }
0x7b: {  	_ = 	snop  }
0x7c: {  	[hbm4b:s5+s2] =	stream.indirect_vreg.scatter [tilespmem:s13], [sflag:$0x2], $0x80, v4, vm0, $0xb8;
	[tilespmem:$0xC100] =	vst v63  }
0x7d: {  	_ = 	snop  }
0x7e: {  	[hbm4b:s3+s2] =	stream.indirect_vreg.scatter [tilespmem:s14], [sflag:$0x2], $0x80, v3, vm0, $0xb8;
	[tilespmem:$0xC100] =	vst v63  }
0x7f: {  	_ = 	snop  }
0x80: {  	[hbm4b:s4+s2] =	stream.indirect_vreg.scatter [tilespmem:s15], [sflag:$0x2], $0x80, v3, vm0, $0xb8;
	[tilespmem:$0xC100] =	vst v63  }
0x81: {  	_ = 	snop  }
0x82: {  	[hbm4b:s5+s2] =	stream.indirect_vreg.scatter [tilespmem:s16], [sflag:$0x2], $0x80, v3, vm0, $0xb8;
	[tilespmem:$0xC100] =	vst v63  }
0x83: {  	v3 =	vld [tilespmem:$0x90];
	_ =	sdelay $0x4  }
0x84: {  	v61 =	vshrl.u32 v3, $0x3  }
0x85: {  	v4 =	vmul.u32 $0x30, v61  }
0x86: {  	v3 =	vand.u32 $0x7, v3  }
0x87: {  	v3 =	vor.u32 v3, v4  }
0x88: {  	v4 =	vperm.xlane v3, v0;
	_ =	sdelay $0x1  }
0x89: {  	v4 =	vadd.s32 v1, v4;
	_ =	sdelay $0x3  }
0x8a: {  	v3 =	vperm.xlane v3, v2  }
0x8b: {  	[hbm4b:s3+s2] =	stream.indirect_vreg.scatter [tilespmem:s17], [sflag:$0x2], $0x80, v4, vm0, $0xb8;
	[tilespmem:$0xC100] =	vst v63  }
0x8c: {  	v3 =	vadd.s32 v1, v3  }
0x8d: {  	[hbm4b:s4+s2] =	stream.indirect_vreg.scatter [tilespmem:s18], [sflag:$0x2], $0x80, v4, vm0, $0xb8;
	[tilespmem:$0xC100] =	vst v63  }
0x8e: {  	_ = 	snop  }
0x8f: {  	[hbm4b:s5+s2] =	stream.indirect_vreg.scatter [tilespmem:s19], [sflag:$0x2], $0x80, v4, vm0, $0xb8;
	[tilespmem:$0xC100] =	vst v63  }
0x90: {  	_ = 	snop  }
0x91: {  	[hbm4b:s3+s2] =	stream.indirect_vreg.scatter [tilespmem:s20], [sflag:$0x2], $0x80, v3, vm0, $0xb8;
	[tilespmem:$0xC100] =	vst v63  }
0x92: {  	_ = 	snop  }
0x93: {  	[hbm4b:s4+s2] =	stream.indirect_vreg.scatter [tilespmem:s21], [sflag:$0x2], $0x80, v3, vm0, $0xb8;
	[tilespmem:$0xC100] =	vst v63  }
0x94: {  	_ = 	snop  }
0x95: {  	[hbm4b:s5+s2] =	stream.indirect_vreg.scatter [tilespmem:s22], [sflag:$0x2], $0x80, v3, vm0, $0xb8;
	[tilespmem:$0xC100] =	vst v63  }
0x96: {  	v3 =	vld [tilespmem:$0xA0];
	_ =	sdelay $0x4  }
0x97: {  	v62 =	vshrl.u32 v3, $0x3  }
0x98: {  	v4 =	vmul.u32 $0x30, v62  }
0x99: {  	v3 =	vand.u32 $0x7, v3  }
0x9a: {  	v3 =	vor.u32 v3, v4  }
0x9b: {  	v4 =	vperm.xlane v3, v0;
	_ =	sdelay $0x1  }
0x9c: {  	v4 =	vadd.s32 v1, v4;
	_ =	sdelay $0x3  }
0x9d: {  	v3 =	vperm.xlane v3, v2  }
0x9e: {  	[hbm4b:s3+s2] =	stream.indirect_vreg.scatter [tilespmem:s23], [sflag:$0x2], $0x80, v4, vm0, $0xb8;
	[tilespmem:$0xC100] =	vst v63  }
0x9f: {  	v3 =	vadd.s32 v1, v3  }
0xa0: {  	[hbm4b:s4+s2] =	stream.indirect_vreg.scatter [tilespmem:s24], [sflag:$0x2], $0x80, v4, vm0, $0xb8;
	[tilespmem:$0xC100] =	vst v63  }
0xa1: {  	_ = 	snop  }
0xa2: {  	[hbm4b:s5+s2] =	stream.indirect_vreg.scatter [tilespmem:s25], [sflag:$0x2], $0x80, v4, vm0, $0xb8;
	[tilespmem:$0xC100] =	vst v63  }
0xa3: {  	_ = 	snop  }
0xa4: {  	[hbm4b:s3+s2] =	stream.indirect_vreg.scatter [tilespmem:s26], [sflag:$0x2], $0x80, v3, vm0, $0xb8;
	[tilespmem:$0xC100] =	vst v63  }
0xa5: {  	_ = 	snop  }
0xa6: {  	[hbm4b:s4+s2] =	stream.indirect_vreg.scatter [tilespmem:s28], [sflag:$0x2], $0x80, v3, vm0, $0xb8;
	[tilespmem:$0xC100] =	vst v63  }
0xa7: {  	_ = 	snop  }
0xa8: {  	[hbm4b:s5+s2] =	stream.indirect_vreg.scatter [tilespmem:s29], [sflag:$0x2], $0x80, v3, vm0, $0xb8;
	[tilespmem:$0xC100] =	vst v63  }
0xa9: {  	v3 =	vld [tilespmem:$0xB0];
	_ =	sdelay $0x4  }
0xaa: {  	v63 =	vshrl.u32 v3, $0x3  }
0xab: {  	v4 =	vmul.u32 $0x30, v63  }
0xac: {  	v3 =	vand.u32 $0x7, v3  }
0xad: {  	v3 =	vor.u32 v3, v4  }
0xae: {  	v4 =	vperm.xlane v3, v0;
	_ =	sdelay $0x1  }
0xaf: {  	v4 =	vadd.s32 v1, v4;
	_ =	sdelay $0x3  }
0xb0: {  	v3 =	vperm.xlane v3, v2  }
0xb1: {  	[hbm4b:s3+s2] =	stream.indirect_vreg.scatter [tilespmem:s30], [sflag:$0x2], $0x80, v4, vm0, $0xb8;
	[tilespmem:$0xC100] =	vst v63  }
0xb2: {  	v3 =	vadd.s32 v1, v3  }
0xb3: {  	[hbm4b:s4+s2] =	stream.indirect_vreg.scatter [tilespmem:s31], [sflag:$0x2], $0x80, v4, vm0, $0xb8;
	[tilespmem:$0xC100] =	vst v63  }
0xb4: {  	_ = 	snop  }
0xb5: {  	[hbm4b:s5+s2] =	stream.indirect_vreg.scatter [tilespmem:s0], [sflag:$0x2], $0x80, v4, vm0, $0xb8;
	[tilespmem:$0xC100] =	vst v63  }
0xb6: {  	_ = 	snop  }
0xb7: {  	[hbm4b:s3+s2] =	stream.indirect_vreg.scatter [tilespmem:s1], [sflag:$0x2], $0x80, v3, vm0, $0xb8;
	[tilespmem:$0xC100] =	vst v63  }
0xb8: {  	_ = 	snop  }
0xb9: {  	[hbm4b:s4+s2] =	stream.indirect_vreg.scatter [tilespmem:s11], [sflag:$0x2], $0x80, v3, vm0, $0xb8;
	[tilespmem:$0xC100] =	vst v63  }
0xba: {  	_ = 	snop  }
0xbb: {  	[hbm4b:s5+s2] =	stream.indirect_vreg.scatter [tilespmem:s7], [sflag:$0x2], $0x80, v3, vm0, $0xb8;
	[tilespmem:$0xC100] =	vst v63  }
0xbc: {  	p0 =	sne.s32 s6, $0x1;
	_ =	swait.ge [sflag:s9], $0xC000  }
.Ltmp0:
0xbd: {  	[sflag:s9] =	ssyncset.done $0x0;
	(pc) =	sbr.rel @p0 .LBB2_1-.Ltmp0, $4  }
0xbe: {  	[sflag:s9] =	ssyncadd.s32 $0xFFFF4000  }
0xbf: {  	_ =	swait.ge [sflag:s10], $0xC000  }
0xc0: {  	[sflag:s10] =	ssyncset.done $0x0  }
0xc1: {  	s6 =	sadd.s32 $0xFFFFFFFF, s6;
	[sflag:s10] =	ssyncadd.s32 $0xFFFF4000  }
0xc2: {  	_ =	sfence.sel $0x180000  }
0xc3: {  	[bflag:$0x0] =	sbarrier.arrive $0xFFFF  }
0xc4: {  	_ =	strace $0x90000047  }
0xc5: {  	s0 =	stileid.u32;
	[bflag:$0x2] =	sbarrier.arrive $0xFFFF  }
0xc6: {  	p0 =	sne.s32 s0, $0x0;
	s0 =	rddreg [dreg:$0x2]  }
0xc7: {  	s0 =	sadd.s32 @!p0 $0x100000, s0  }
0xc8: {  	[sflag:s0] =	ssyncadd.tile.s32 @!p0 $0x1;
	_ =	shalt  }
.Lfunc_end2:
_tile_overlayer_lowered:
.L_overlay_start_2:
0xc9: {  	(tag) =	ssettag $0x2  }
0xca: {  	s0 =	rddreg [dreg:$0x0];
	s2 =	stileid.u32  }
0xcb: {  	s1 =	rddreg [dreg:$0x1];
	p0 =	sne.s32 s2, $0x0  }
0xcc: {  	s3 =	rddreg [dreg:$0x2];
	[bflag:$0x3] =	sbarrier.arrive $0xFFFF;
	s2 =	simm.s32 @!p0 $0x1C03  }
0xcd: {  	[timem:s3], [sflag:s2] =	dma.local @!p0 [hbm:s0], s1  }
0xce: {  	s0 =	simm.s32 @!p0 $0x3  }
0xcf: {  	_ =	swait.ge @!p0 [sflag:s0], s1  }
0xd0: {  	s1 =	ssub.s32 @!p0 $0x0, s1;
	[sflag:s0] =	ssyncset.done @!p0 $0x0  }
0xd1: {  	[sflag:s0] =	ssyncadd.s32 @!p0 s1  }
0xd2: {  	[bflag:$0x3] =	sbarrier.arrive $0xFFFF  }
0xd3: {  	_ =	shalt  }

// kernel: kernel.9.cloned.1.call-start
scs
__scs_entry_jumppad:
0x0: {  	(pc) =	sbr.rel $0x88, $3  }
0x1: {  	(tag) =	ssettag $0x0;
	lr =	simm.s32 $0x1  }
0x2: {  	[smem:$0x3F9A] =	sst lr;
	_ =	strace $0xD0000000  }
0x3: {  	_ = 	snop  }
0x4: {  	_ = 	snop  }
0x5: {  	_ = 	snop  }
0x6: {  	_ = 	snop  }
0x7: {  	_ = 	snop  }
__scs_overlays_trampoline_lowered:
0x8: {  	[smem:$0x3FA9] =	sst s0  }
0x9: {  	[smem:$0x3FAA] =	sst s1  }
0xa: {  	[smem:$0x3FAB] =	sst s2  }
0xb: {  	[smem:$0x3FAC] =	sst s3  }
0xc: {  	[smem:$0x3FAD] =	sst s4  }
0xd: {  	[smem:$0x3FAE] =	sst s5  }
0xe: {  	[smem:$0x3FAF] =	sst s6  }
0xf: {  	[smem:$0x3FB0] =	sst s7  }
0x10: {  	[smem:$0x3FB1] =	sst s8  }
0x11: {  	[smem:$0x3FB2] =	sst s9;
	s0 =	simm.s32 @!p0 $0x0  }
0x12: {  	s1 =	sld [smem:$0x3F98];
	s0 =	simm.s32 @p0 $0x1  }
0x13: {  	[smem:$0x3FB3] =	sst s0;
	s0 =	simm.s32 @!p1 $0x0  }
0x14: {  	s2 =	sld [smem:$0x3F97];
	s0 =	simm.s32 @p1 $0x1  }
0x15: {  	[smem:$0x3FB4] =	sst s0;
	s0 =	simm.s32 @!p2 $0x0  }
0x16: {  	s3 =	sld [smem:$0x3FDB];
	s0 =	simm.s32 @p2 $0x1  }
0x17: {  	s4 =	simm.s32 $0x1BF5;
	[smem:$0x3FB6] =	sst s0  }
0x18: {  	s0 =	sld [smem:$0x3F99];
	_ =	swait.ge [sflag:s4], $0x0  }
0x19: {  	s7 =	sld [smem:$0x3F9A]  }
0x1a: {  	s8 =	sadd.s32 $0xFFFFE003, lr  }
0x1b: {  	s9 =	sadd.s32 $0xFFFFFEF7, lr;
	s5 =	simm.s32 $0xFFFFFFFF;
	p2 =	slt.u32 s8, $0xFFFFF086  }
0x1c: {  	p1 =	slt.u32 s9, $0xF7A;
	s5 =	simm.s32 @!p2 $0x0  }
0x1d: {  	s5 =	simm.s32 @p1 $0x1;
	p0 =	seq.s32 s7, s2  }
0x1e: {  	s7 =	smul.u32 @!p0 $0xF7A, s2;
	p2 =	seq.s32 @!p0 s5, $0x0  }
0x1f: {  	s9 =	smul.u32 $0xF7A, s1;
	s8 =	simm.s32 @!p0 $0x1BF5;
	p2 =	por !p2, p0  }
0x20: {  	[sflag:s8] =	ssyncset.s32 @!p0 $0xFFFFF086;
	s6 =	sadd.s32 @!p0 s3, s7;
	s7 =	simm.s32 @!p0 $0x108  }
0x21: {  	s3 =	sadd.s32 s3, s9;
	s6 =	sadd.s32 @!p0 $0x88, s6;
	s7 =	simm.s32 @p2 $0x1082  }
0x22: {  	[simem:s7], [sflag:s8] =	dma.local @!p0 [hbm:s6], $0xF7A  }
0x23: {  	s9 =	sor.u32 $0xD0000000, s2;
	s6 =	simm.s32 $0x108;
	_ =	swait.ge @!p0 [sflag:s8], $0x0  }
0x24: {  	s3 =	sadd.s32 $0x88, s3;
	s6 =	simm.s32 @!p1 $0x1082;
	[sflag:s4] =	ssyncset.s32 $0xFFFFF086  }
0x25: {  	[simem:s6], [sflag:s4] =	dma.local [hbm:s3], $0xF7A  }
0x26: {  	[smem:$0x3F9A] =	sst s1;
	(tag) =	ssettag s2;
	_ =	strace s9  }
0x27: {  	s1 =	sld [smem:$0x3FAA]  }
0x28: {  	s2 =	sld [smem:$0x3FAB]  }
0x29: {  	s4 =	sld [smem:$0x3FAD]  }
0x2a: {  	p0 =	seq.s32 s5, $0x0;
	s5 =	sld [smem:$0x3FAE]  }
0x2b: {  	s6 =	sld [smem:$0x3FAF]  }
0x2c: {  	s7 =	sld [smem:$0x3FB0]  }
0x2d: {  	s3 =	simm.s32 $0x108;
	s8 =	sld [smem:$0x3FB1]  }
0x2e: {  	s3 =	simm.s32 @!p0 $0x1082;
	s9 =	sld [smem:$0x3FB2]  }
0x2f: {  	lr =	sadd.s32 s0, s3;
	s0 =	sld [smem:$0x3FA9]  }
0x30: {  	s3 =	sld [smem:$0x3FAC]  }
0x31: {  	[smem:$0x3FB5] =	sst s10  }
0x32: {  	s10 =	sld [smem:$0x3FB3];
	_ =	sdelay $0x3  }
0x33: {  	p0 =	seq.s32 s10, $0x1;
	s10 =	sld [smem:$0x3FB5];
	_ =	sdelay $0x3  }
0x34: {  	[smem:$0x3FB5] =	sst s10  }
0x35: {  	s10 =	sld [smem:$0x3FB4];
	_ =	sdelay $0x3  }
0x36: {  	p1 =	seq.s32 s10, $0x1;
	s10 =	sld [smem:$0x3FB5];
	_ =	sdelay $0x3  }
0x37: {  	[smem:$0x3FB5] =	sst s10  }
0x38: {  	s10 =	sld [smem:$0x3FB6]  }
0x39: {  	_ = 	snop;
	(pc) =	sbr.ind lr, $3  }
0x3a: {  	_ = 	snop  }
0x3b: {  	_ = 	snop  }
0x3c: {  	p2 =	seq.s32 s10, $0x1;
	s10 =	sld [smem:$0x3FB5]  }
0x3d: {  	_ =	shalt  }
0x3e: {  	_ =	shalt  }
0x3f: {  	_ =	shalt  }
0x40: {  	_ =	shalt  }
0x41: {  	_ =	shalt  }
0x42: {  	_ =	shalt  }
0x43: {  	_ =	shalt  }
0x44: {  	_ =	shalt  }
0x45: {  	_ =	shalt  }
0x46: {  	_ =	shalt  }
0x47: {  	_ =	shalt  }
0x48: {  	_ =	shalt  }
0x49: {  	_ =	shalt  }
0x4a: {  	_ =	shalt  }
0x4b: {  	_ =	shalt  }
0x4c: {  	_ =	shalt  }
0x4d: {  	_ =	shalt  }
0x4e: {  	_ =	shalt  }
0x4f: {  	_ =	shalt  }
0x50: {  	_ =	shalt  }
0x51: {  	_ =	shalt  }
0x52: {  	_ =	shalt  }
0x53: {  	_ =	shalt  }
0x54: {  	_ =	shalt  }
0x55: {  	_ =	shalt  }
0x56: {  	_ =	shalt  }
0x57: {  	_ =	shalt  }
0x58: {  	_ =	shalt  }
0x59: {  	_ =	shalt  }
0x5a: {  	_ =	shalt  }
0x5b: {  	_ =	shalt  }
0x5c: {  	_ =	shalt  }
0x5d: {  	_ =	shalt  }
0x5e: {  	_ =	shalt  }
0x5f: {  	_ =	shalt  }
0x60: {  	_ =	shalt  }
0x61: {  	_ =	shalt  }
0x62: {  	_ =	shalt  }
0x63: {  	_ =	shalt  }
0x64: {  	_ =	shalt  }
0x65: {  	_ =	shalt  }
0x66: {  	_ =	shalt  }
0x67: {  	_ =	shalt  }
0x68: {  	_ =	shalt  }
0x69: {  	_ =	shalt  }
0x6a: {  	_ =	shalt  }
0x6b: {  	_ =	shalt  }
0x6c: {  	_ =	shalt  }
0x6d: {  	_ =	shalt  }
0x6e: {  	_ =	shalt  }
0x6f: {  	_ =	shalt  }
0x70: {  	_ =	shalt  }
0x71: {  	_ =	shalt  }
0x72: {  	_ =	shalt  }
0x73: {  	_ =	shalt  }
0x74: {  	_ =	shalt  }
0x75: {  	_ =	shalt  }
0x76: {  	_ =	shalt  }
0x77: {  	_ =	shalt  }
0x78: {  	_ =	shalt  }
0x79: {  	_ =	shalt  }
0x7a: {  	_ =	shalt  }
0x7b: {  	_ =	shalt  }
0x7c: {  	_ =	shalt  }
0x7d: {  	_ =	shalt  }
0x7e: {  	_ =	shalt  }
0x7f: {  	_ =	shalt  }
0x80: {  	_ =	shalt  }
0x81: {  	_ =	shalt  }
0x82: {  	_ =	shalt  }
0x83: {  	_ =	shalt  }
0x84: {  	_ =	shalt  }
0x85: {  	_ =	shalt  }
0x86: {  	_ =	shalt  }
0x87: {  	_ =	shalt  }
.Lfunc_end0:
.L_simem_size_0:
called_computation.1_lowered:
.L_overlay_start_0:
0x88: {  	s2 =	sld [smem:$0x3FD9]  }
0x89: {  	s3 =	sld [smem:$0x3FFE];
	_ =	sdelay $0x1  }
0x8a: {  	s1 =	srdreg.scid  }
0x8b: {  	s0 =	sand.u32 $0x1, s1  }
0x8c: {  	s17 =	sshll.u32 s0, $0xA;
	s2 =	sadd.s32 s3, s2  }
0x8d: {  	s2 =	sadd.s32 s2, s17  }
0x8e: {  	[smem:$0x3FC1] =	sst s2  }
0x8f: {  	_ = 	snop  }
0x90: {  	s2 =	sld [smem:$0x3FD0];
	(tm) =	ssettm $0x1  }
0x91: {  	s18 =	sld [smem:$0x3FFB];
	_ =	sdelay $0x3  }
0x92: {  	_ =	strace s18  }
0x93: {  	s3 =	sld [smem:$0x3FFC];
	_ =	sdelay $0x3  }
0x94: {  	_ =	strace s3  }
0x95: {  	s3 =	sld [smem:$0x3FFD];
	_ =	sdelay $0x3  }
0x96: {  	_ =	strace s3  }
0x97: {  	_ =	strace $0x8FFFFFFF  }
0x98: {  	s19 =	sld [smem:$0x3FDB];
	_ =	sdelay $0x1  }
0x99: {  	s4 =	simm.s32 $_scs_section_size  }
0x9a: {  	s5 =	simm.s32 $_size__tile_overlayer_lowered;
	s6 =	simm.s32 $_tile_overlayer_lowered  }
0x9b: {  	s22 =	simm.s32 $0x1BFF;
	s21 =	sshll.u32 s6, $0x1;
	s3 =	sadd.s32 s4, s19  }
0x9c: {  	s7 =	simm.s32 $0x0;
	s20 =	sshll.u32 s5, $0x1;
	s5 =	sadd.s32 s21, s3  }
0x9d: {  	[timem:s7], [sflag:s22] =	dma.local [hbm:s5], s20  }
0x9e: {  	_ =	swait.ge [sflag:s22], s20  }
0x9f: {  	s4 =	ssub.s32 $0x0, s20;
	[sflag:s22] =	ssyncset.done $0x0  }
0xa0: {  	[sflag:s22] =	ssyncadd.s32 s4;
	_ =	sdelay $0x1  }
0xa1: {  	s23 =	simm.s32 $0x1B8B  }
0xa2: {  	_ =	swait.ge [sflag:s23], $0x1  }
0xa3: {  	[sflag:s23] =	ssyncset.done $0x0  }
0xa4: {  	s25 =	simm.s32 $0x1B8E;
	s24 =	sld [smem:$0x3FFE];
	[sflag:s23] =	ssyncadd.s32 $0xFFFFFFFF  }
0xa5: {  	s26 =	simm.s32 $execute0_lowered;
	[smem:$0x3FD2] =	sst s25  }
0xa6: {  	s5 =	sshll.u32 s26, $0x1;
	_ =	strace $0x80000049;
	[dreg:$0x1] =	wrdreg $0xFFFFFFFF  }
0xa7: {  	s28 =	simm.s32 $_size_execute0_lowered;
	s3 =	sadd.s32 s3, s5;
	[dreg:$0x0] =	wrdreg $0x0  }
0xa8: {  	s5 =	sshll.u32 s28, $0x1;
	[dreg:$0x2] =	wrdreg s3  }
0xa9: {  	[dreg:$0x3] =	wrdreg s5  }
0xaa: {  	[dreg:$0x4] =	wrdreg $0xC0  }
0xab: {  	_ =	task [dreg:s7], $0x5FFFF  }
0xac: {  	[dreg:$0x1] =	wrdreg $0xFFFFFFFF  }
0xad: {  	[dreg:$0x0] =	wrdreg $0x60  }
0xae: {  	[dreg:$0x2] =	wrdreg s24  }
0xaf: {  	[dreg:$0x3] =	wrdreg s2  }
0xb0: {  	[dreg:$0x4] =	wrdreg $0x9  }
0xb1: {  	_ =	task.clear_ibuf [dreg:s7], $0x5FFFF;
	_ =	strace $0x90000049  }
0xb2: {  	s29 =	simm.s32 $0x9;
	_ =	strace $0x8000004B  }
0xb3: {  	_ =	swait.ge [sflag:s29], $0x1  }
0xb4: {  	[sflag:s29] =	ssyncadd.s32 $0xFFFFFFFF  }
0xb5: {  	_ =	strace $0x9000004B  }
0xb6: {  	_ =	sfence  }
0xb7: {  	s30 =	sld [smem:$0x0];
	_ =	sdelay $0x2  }
0xb8: {  	s31 =	sshll.u32 s1, $0xD;
	s1 =	sshrl.u32 s1, $0x2  }
0xb9: {  	s3 =	sand.u32 $0x4000, s31;
	s1 =	sadd.s32 s1, s30  }
0xba: {  	s0 =	sor.u32 s3, s0;
	s1 =	sshll.u32 s1, $0x11  }
0xbb: {  	s0 =	sor.u32 s1, s0  }
0xbc: {  	s0 =	sadd.s32 $0x8F2B, s0  }
0xbd: {  	[sflag:s0] =	ssyncadd.remote.s32 $0x1  }
0xbe: {  	_ =	sfence.sel $0xFFFF  }
0xbf: {  	[dreg:$0x0] =	wrdreg $0xFFFFFFFF;
	(pc) =	sbr.abs _section_cstart, $3  }
0xc0: {  	[dreg:$0x1] =	wrdreg $0xFFFFFFFF  }
0xc1: {  	_ =	task.clear_ibuf [dreg:s7], $0x2FFFF;
	_ =	strace $0x9FFFFFFF  }
0xc2: {  	(tm) =	ssettm $0x7FFFFFFF  }
0xc3: {  	_ =	shalt  }
tec
execute0_lowered:
.L_overlay_start_1:
0x0: {  	(tag) =	ssettag $0x1  }
0x1: {  	s0 =	rddreg [dreg:$0x0]  }
0x2: {  	s1 =	rddreg [dreg:$0x1];
	s3 =	srdreg.scid  }
0x3: {  	s2 =	simm.s32 $0x0;
	s5 =	stileid.u32;
	s13 =	simm.s32 $0x1  }
0x4: {  	s14 =	simm.s32 $0x2;
	s15 =	simm.s32 $0x4100;
	s18 =	simm.s32 $0x17900  }
0x5: {  	s19 =	simm.s32 $0x18100;
	s20 =	simm.s32 $0x18900;
	s21 =	simm.s32 $0x19100  }
0x6: {  	s22 =	simm.s32 $0x19900;
	s23 =	simm.s32 $0x1A100;
	s24 =	simm.s32 $0x1A900  }
0x7: {  	s25 =	simm.s32 $0x1B100;
	s26 =	simm.s32 $0x1B900;
	s28 =	simm.s32 $0x3  }
0x8: {  	s29 =	simm.s32 $0x0;
	s4 =	sand.u32 $0x1, s3;
	[smem:$0x7FF] =	sst s2  }
0x9: {  	s5 =	sshll.u32 s5, $0x7;
	s3 =	sadd.s32 $0x10600, s0;
	s6 =	sshll.u32 s4, $0x6  }
0xa: {  	_ =	strace $0x8000004A;
	s4 =	ssub.s32 $0x2, s4;
	s5 =	sor.u32 s6, s5  }
0xb: {  	s31 =	sshrl.u32 s4, $0x1;
	s6 =	sshrl.u32 s5, $0x3;
	s5 =	sshll.u32 s5, $0x4  }
0xc: {  	s11 =	ssub.s32 s4, s31;
	s7 =	sadd.s32 s6, s0;
	s9 =	sadd.s32 s5, s0  }
0xd: {  	v2 =	vlaneseq.u32;
	s10 =	smul.u32 $0x300, s6;
	s6 =	sadd.s32 $0x10700, s0;
	s11 =	smax.u32 s11, $0x1  }
0xe: {  	vm0 =	vmmov $0xffff;
	v1 =	vshrl.u32 v2, $0x3;
	s4 =	sadd.s32 $0x10200, s7;
	s5 =	sadd.s32 $0x10400, s7;
	s7 =	sadd.s32 $0x10800, s0  }
0xf: {  	v0 =	vand.u32 $0x7, v2;
	v2 =	vor.u32 $0x8, v2;
	v1 =	vmul.u32 $0x8, v1;
	s8 =	sadd.s32 $0x200, s9;
	s9 =	sadd.s32 $0x8200, s9;
	s10 =	sadd.s32 s1, s10  }
.LBB2_1:
0x10: {  	[tilespmem:s2], [sflag:$0x1] =	stream.linear.gather [hbm4b:s4+s2], $0x40, $0x38;
	[tilespmem:$0x1C100] =	vst v63  }
0x11: {  	s0 =	simm.s32 $0x80  }
0x12: {  	[tilespmem:s0], [sflag:$0x2] =	stream.linear.gather [hbm4b:s5+s2], $0x40, $0x38;
	[tilespmem:$0x1C100] =	vst v63  }
0x13: {  	_ =	swait.ge [sflag:s13], $0x40  }
0x14: {  	[sflag:s13] =	ssyncset.done $0x0  }
0x15: {  	[sflag:s13] =	ssyncadd.s32 $0xFFFFFFC0  }
0x16: {  	_ =	swait.ge [sflag:s14], $0x40  }
0x17: {  	[sflag:s14] =	ssyncset.done $0x0  }
0x18: {  	[sflag:s14] =	ssyncadd.s32 $0xFFFFFFC0  }
0x19: {  	v3 =	vld [tilespmem:$0x0];
	_ =	sdelay $0x4  }
0x1a: {  	v4 =	vshrl.u32 v3, $0x3  }
0x1b: {  	v4 =	vmul.u32 $0x30, v4  }
0x1c: {  	v3 =	vand.u32 $0x7, v3  }
0x1d: {  	v3 =	vor.u32 v3, v4  }
0x1e: {  	v4 =	vperm.xlane v3, v0;
	_ =	sdelay $0x1  }
0x1f: {  	v4 =	vadd.s32 v1, v4;
	_ =	sdelay $0x3  }
0x20: {  	v3 =	vperm.xlane v3, v2  }
0x21: {  	[tilespmem:s15], [sflag:$0x1] =	stream.indirect_vreg.gather [hbm4b:s3+s2], $0x80, v4, vm0, $0xb8;
	[tilespmem:$0x1C100] =	vst v63  }
0x22: {  	s1 =	simm.s32 $0x4900;
	v3 =	vadd.s32 v1, v3  }
0x23: {  	[tilespmem:s1], [sflag:$0x1] =	stream.indirect_vreg.gather [hbm4b:s6+s2], $0x80, v4, vm0, $0xb8;
	[tilespmem:$0x1C100] =	vst v63  }
0x24: {  	s12 =	simm.s32 $0x5100  }
0x25: {  	[tilespmem:s12], [sflag:$0x1] =	stream.indirect_vreg.gather [hbm4b:s7+s2], $0x80, v4, vm0, $0xb8;
	[tilespmem:$0x1C100] =	vst v63  }
0x26: {  	s16 =	simm.s32 $0x5900  }
0x27: {  	[tilespmem:s16], [sflag:$0x1] =	stream.indirect_vreg.gather [hbm4b:s3+s2], $0x80, v3, vm0, $0xb8;
	[tilespmem:$0x1C100] =	vst v63  }
0x28: {  	s17 =	simm.s32 $0x6100  }
0x29: {  	[tilespmem:s17], [sflag:$0x1] =	stream.indirect_vreg.gather [hbm4b:s6+s2], $0x80, v3, vm0, $0xb8;
	[tilespmem:$0x1C100] =	vst v63  }
0x2a: {  	s1 =	simm.s32 $0x6900  }
0x2b: {  	[tilespmem:s1], [sflag:$0x1] =	stream.indirect_vreg.gather [hbm4b:s7+s2], $0x80, v3, vm0, $0xb8;
	[tilespmem:$0x1C100] =	vst v63  }
0x2c: {  	v3 =	vld [tilespmem:$0x10];
	_ =	sdelay $0x4  }
0x2d: {  	v4 =	vshrl.u32 v3, $0x3  }
0x2e: {  	v4 =	vmul.u32 $0x30, v4  }
0x2f: {  	v3 =	vand.u32 $0x7, v3  }
0x30: {  	v3 =	vor.u32 v3, v4  }
0x31: {  	v4 =	vperm.xlane v3, v0;
	_ =	sdelay $0x1  }
0x32: {  	v4 =	vadd.s32 v1, v4;
	_ =	sdelay $0x3  }
0x33: {  	s12 =	simm.s32 $0x7100;
	v3 =	vperm.xlane v3, v2  }
0x34: {  	[tilespmem:s12], [sflag:$0x1] =	stream.indirect_vreg.gather [hbm4b:s3+s2], $0x80, v4, vm0, $0xb8;
	[tilespmem:$0x1C100] =	vst v63  }
0x35: {  	s16 =	simm.s32 $0x7900;
	v3 =	vadd.s32 v1, v3  }
0x36: {  	[tilespmem:s16], [sflag:$0x1] =	stream.indirect_vreg.gather [hbm4b:s6+s2], $0x80, v4, vm0, $0xb8;
	[tilespmem:$0x1C100] =	vst v63  }
0x37: {  	s17 =	simm.s32 $0x8100  }
0x38: {  	[tilespmem:s17], [sflag:$0x1] =	stream.indirect_vreg.gather [hbm4b:s7+s2], $0x80, v4, vm0, $0xb8;
	[tilespmem:$0x1C100] =	vst v63  }
0x39: {  	s1 =	simm.s32 $0x8900  }
0x3a: {  	[tilespmem:s1], [sflag:$0x1] =	stream.indirect_vreg.gather [hbm4b:s3+s2], $0x80, v3, vm0, $0xb8;
	[tilespmem:$0x1C100] =	vst v63  }
0x3b: {  	s12 =	simm.s32 $0x9100  }
0x3c: {  	[tilespmem:s12], [sflag:$0x1] =	stream.indirect_vreg.gather [hbm4b:s6+s2], $0x80, v3, vm0, $0xb8;
	[tilespmem:$0x1C100] =	vst v63  }
0x3d: {  	s16 =	simm.s32 $0x9900  }
0x3e: {  	[tilespmem:s16], [sflag:$0x1] =	stream.indirect_vreg.gather [hbm4b:s7+s2], $0x80, v3, vm0, $0xb8;
	[tilespmem:$0x1C100] =	vst v63  }
0x3f: {  	v3 =	vld [tilespmem:$0x20];
	_ =	sdelay $0x4  }
0x40: {  	v4 =	vshrl.u32 v3, $0x3  }
0x41: {  	v4 =	vmul.u32 $0x30, v4  }
0x42: {  	v3 =	vand.u32 $0x7, v3  }
0x43: {  	v3 =	vor.u32 v3, v4  }
0x44: {  	v4 =	vperm.xlane v3, v0;
	_ =	sdelay $0x1  }
0x45: {  	v4 =	vadd.s32 v1, v4;
	_ =	sdelay $0x3  }
0x46: {  	s17 =	simm.s32 $0xA100;
	v3 =	vperm.xlane v3, v2  }
0x47: {  	[tilespmem:s17], [sflag:$0x1] =	stream.indirect_vreg.gather [hbm4b:s3+s2], $0x80, v4, vm0, $0xb8;
	[tilespmem:$0x1C100] =	vst v63  }
0x48: {  	s1 =	simm.s32 $0xA900;
	v3 =	vadd.s32 v1, v3  }
0x49: {  	[tilespmem:s1], [sflag:$0x1] =	stream.indirect_vreg.gather [hbm4b:s6+s2], $0x80, v4, vm0, $0xb8;
	[tilespmem:$0x1C100] =	vst v63  }
0x4a: {  	s12 =	simm.s32 $0xB100  }
0x4b: {  	[tilespmem:s12], [sflag:$0x1] =	stream.indirect_vreg.gather [hbm4b:s7+s2], $0x80, v4, vm0, $0xb8;
	[tilespmem:$0x1C100] =	vst v63  }
0x4c: {  	s16 =	simm.s32 $0xB900  }
0x4d: {  	[tilespmem:s16], [sflag:$0x1] =	stream.indirect_vreg.gather [hbm4b:s3+s2], $0x80, v3, vm0, $0xb8;
	[tilespmem:$0x1C100] =	vst v63  }
0x4e: {  	s17 =	simm.s32 $0xC100  }
0x4f: {  	[tilespmem:s17], [sflag:$0x1] =	stream.indirect_vreg.gather [hbm4b:s6+s2], $0x80, v3, vm0, $0xb8;
	[tilespmem:$0x1C100] =	vst v63  }
0x50: {  	s1 =	simm.s32 $0xC900  }
0x51: {  	[tilespmem:s1], [sflag:$0x1] =	stream.indirect_vreg.gather [hbm4b:s7+s2], $0x80, v3, vm0, $0xb8;
	[tilespmem:$0x1C100] =	vst v63  }
0x52: {  	v3 =	vld [tilespmem:$0x30];
	_ =	sdelay $0x4  }
0x53: {  	v4 =	vshrl.u32 v3, $0x3  }
0x54: {  	v4 =	vmul.u32 $0x30, v4  }
0x55: {  	v3 =	vand.u32 $0x7, v3  }
0x56: {  	v3 =	vor.u32 v3, v4  }
0x57: {  	v4 =	vperm.xlane v3, v0;
	_ =	sdelay $0x1  }
0x58: {  	v4 =	vadd.s32 v1, v4;
	_ =	sdelay $0x3  }
0x59: {  	s12 =	simm.s32 $0xD100;
	v3 =	vperm.xlane v3, v2  }
0x5a: {  	[tilespmem:s12], [sflag:$0x1] =	stream.indirect_vreg.gather [hbm4b:s3+s2], $0x80, v4, vm0, $0xb8;
	[tilespmem:$0x1C100] =	vst v63  }
0x5b: {  	s16 =	simm.s32 $0xD900;
	v3 =	vadd.s32 v1, v3  }
0x5c: {  	[tilespmem:s16], [sflag:$0x1] =	stream.indirect_vreg.gather [hbm4b:s6+s2], $0x80, v4, vm0, $0xb8;
	[tilespmem:$0x1C100] =	vst v63  }
0x5d: {  	s17 =	simm.s32 $0xE100  }
0x5e: {  	[tilespmem:s17], [sflag:$0x1] =	stream.indirect_vreg.gather [hbm4b:s7+s2], $0x80, v4, vm0, $0xb8;
	[tilespmem:$0x1C100] =	vst v63  }
0x5f: {  	s1 =	simm.s32 $0xE900  }
0x60: {  	[tilespmem:s1], [sflag:$0x1] =	stream.indirect_vreg.gather [hbm4b:s3+s2], $0x80, v3, vm0, $0xb8;
	[tilespmem:$0x1C100] =	vst v63  }
0x61: {  	s12 =	simm.s32 $0xF100  }
0x62: {  	[tilespmem:s12], [sflag:$0x1] =	stream.indirect_vreg.gather [hbm4b:s6+s2], $0x80, v3, vm0, $0xb8;
	[tilespmem:$0x1C100] =	vst v63  }
0x63: {  	s16 =	simm.s32 $0xF900  }
0x64: {  	[tilespmem:s16], [sflag:$0x1] =	stream.indirect_vreg.gather [hbm4b:s7+s2], $0x80, v3, vm0, $0xb8;
	[tilespmem:$0x1C100] =	vst v63  }
0x65: {  	v3 =	vld [tilespmem:$0x80];
	_ =	sdelay $0x4  }
0x66: {  	v4 =	vshrl.u32 v3, $0x3  }
0x67: {  	v4 =	vmul.u32 $0x30, v4  }
0x68: {  	v3 =	vand.u32 $0x7, v3  }
0x69: {  	v3 =	vor.u32 v3, v4  }
0x6a: {  	v4 =	vperm.xlane v3, v0;
	_ =	sdelay $0x1  }
0x6b: {  	v4 =	vadd.s32 v1, v4;
	_ =	sdelay $0x3  }
0x6c: {  	s17 =	simm.s32 $0x10100;
	v3 =	vperm.xlane v3, v2  }
0x6d: {  	[tilespmem:s17], [sflag:$0x2] =	stream.indirect_vreg.gather [hbm4b:s3+s2], $0x80, v4, vm0, $0xb8;
	[tilespmem:$0x1C100] =	vst v63  }
0x6e: {  	s1 =	simm.s32 $0x10900;
	v3 =	vadd.s32 v1, v3  }
0x6f: {  	[tilespmem:s1], [sflag:$0x2] =	stream.indirect_vreg.gather [hbm4b:s6+s2], $0x80, v4, vm0, $0xb8;
	[tilespmem:$0x1C100] =	vst v63  }
0x70: {  	s12 =	simm.s32 $0x11100  }
0x71: {  	[tilespmem:s12], [sflag:$0x2] =	stream.indirect_vreg.gather [hbm4b:s7+s2], $0x80, v4, vm0, $0xb8;
	[tilespmem:$0x1C100] =	vst v63  }
0x72: {  	s16 =	simm.s32 $0x11900  }
0x73: {  	[tilespmem:s16], [sflag:$0x2] =	stream.indirect_vreg.gather [hbm4b:s3+s2], $0x80, v3, vm0, $0xb8;
	[tilespmem:$0x1C100] =	vst v63  }
0x74: {  	s17 =	simm.s32 $0x12100  }
0x75: {  	[tilespmem:s17], [sflag:$0x2] =	stream.indirect_vreg.gather [hbm4b:s6+s2], $0x80, v3, vm0, $0xb8;
	[tilespmem:$0x1C100] =	vst v63  }
0x76: {  	s1 =	simm.s32 $0x12900  }
0x77: {  	[tilespmem:s1], [sflag:$0x2] =	stream.indirect_vreg.gather [hbm4b:s7+s2], $0x80, v3, vm0, $0xb8;
	[tilespmem:$0x1C100] =	vst v63  }
0x78: {  	v3 =	vld [tilespmem:$0x90];
	_ =	sdelay $0x4  }
0x79: {  	v4 =	vshrl.u32 v3, $0x3  }
0x7a: {  	v4 =	vmul.u32 $0x30, v4  }
0x7b: {  	v3 =	vand.u32 $0x7, v3  }
0x7c: {  	v3 =	vor.u32 v3, v4  }
0x7d: {  	v4 =	vperm.xlane v3, v0;
	_ =	sdelay $0x1  }
0x7e: {  	v4 =	vadd.s32 v1, v4;
	_ =	sdelay $0x3  }
0x7f: {  	s12 =	simm.s32 $0x13100;
	v3 =	vperm.xlane v3, v2  }
0x80: {  	[tilespmem:s12], [sflag:$0x2] =	stream.indirect_vreg.gather [hbm4b:s3+s2], $0x80, v4, vm0, $0xb8;
	[tilespmem:$0x1C100] =	vst v63  }
0x81: {  	s16 =	simm.s32 $0x13900;
	v3 =	vadd.s32 v1, v3  }
0x82: {  	[tilespmem:s16], [sflag:$0x2] =	stream.indirect_vreg.gather [hbm4b:s6+s2], $0x80, v4, vm0, $0xb8;
	[tilespmem:$0x1C100] =	vst v63  }
0x83: {  	s17 =	simm.s32 $0x14100  }
0x84: {  	[tilespmem:s17], [sflag:$0x2] =	stream.indirect_vreg.gather [hbm4b:s7+s2], $0x80, v4, vm0, $0xb8;
	[tilespmem:$0x1C100] =	vst v63  }
0x85: {  	s1 =	simm.s32 $0x14900  }
0x86: {  	[tilespmem:s1], [sflag:$0x2] =	stream.indirect_vreg.gather [hbm4b:s3+s2], $0x80, v3, vm0, $0xb8;
	[tilespmem:$0x1C100] =	vst v63  }
0x87: {  	s12 =	simm.s32 $0x15100  }
0x88: {  	[tilespmem:s12], [sflag:$0x2] =	stream.indirect_vreg.gather [hbm4b:s6+s2], $0x80, v3, vm0, $0xb8;
	[tilespmem:$0x1C100] =	vst v63  }
0x89: {  	s16 =	simm.s32 $0x15900  }
0x8a: {  	[tilespmem:s16], [sflag:$0x2] =	stream.indirect_vreg.gather [hbm4b:s7+s2], $0x80, v3, vm0, $0xb8;
	[tilespmem:$0x1C100] =	vst v63  }
0x8b: {  	v3 =	vld [tilespmem:$0xA0];
	_ =	sdelay $0x4  }
0x8c: {  	v4 =	vshrl.u32 v3, $0x3  }
0x8d: {  	v4 =	vmul.u32 $0x30, v4  }
0x8e: {  	v3 =	vand.u32 $0x7, v3  }
0x8f: {  	v3 =	vor.u32 v3, v4  }
0x90: {  	v4 =	vperm.xlane v3, v0;
	_ =	sdelay $0x1  }
0x91: {  	v4 =	vadd.s32 v1, v4;
	_ =	sdelay $0x3  }
0x92: {  	s17 =	simm.s32 $0x16100;
	v3 =	vperm.xlane v3, v2  }
0x93: {  	[tilespmem:s17], [sflag:$0x2] =	stream.indirect_vreg.gather [hbm4b:s3+s2], $0x80, v4, vm0, $0xb8;
	[tilespmem:$0x1C100] =	vst v63  }
0x94: {  	s1 =	simm.s32 $0x16900;
	v3 =	vadd.s32 v1, v3  }
0x95: {  	[tilespmem:s1], [sflag:$0x2] =	stream.indirect_vreg.gather [hbm4b:s6+s2], $0x80, v4, vm0, $0xb8;
	[tilespmem:$0x1C100] =	vst v63  }
0x96: {  	s12 =	simm.s32 $0x17100  }
0x97: {  	[tilespmem:s12], [sflag:$0x2] =	stream.indirect_vreg.gather [hbm4b:s7+s2], $0x80, v4, vm0, $0xb8;
	[tilespmem:$0x1C100] =	vst v63  }
0x98: {  	_ = 	snop  }
0x99: {  	[tilespmem:s18], [sflag:$0x2] =	stream.indirect_vreg.gather [hbm4b:s3+s2], $0x80, v3, vm0, $0xb8;
	[tilespmem:$0x1C100] =	vst v63  }
0x9a: {  	_ = 	snop  }
0x9b: {  	[tilespmem:s19], [sflag:$0x2] =	stream.indirect_vreg.gather [hbm4b:s6+s2], $0x80, v3, vm0, $0xb8;
	[tilespmem:$0x1C100] =	vst v63  }
0x9c: {  	_ = 	snop  }
0x9d: {  	[tilespmem:s20], [sflag:$0x2] =	stream.indirect_vreg.gather [hbm4b:s7+s2], $0x80, v3, vm0, $0xb8;
	[tilespmem:$0x1C100] =	vst v63  }
0x9e: {  	v3 =	vld [tilespmem:$0xB0];
	_ =	sdelay $0x4  }
0x9f: {  	v4 =	vshrl.u32 v3, $0x3  }
0xa0: {  	v4 =	vmul.u32 $0x30, v4  }
0xa1: {  	v3 =	vand.u32 $0x7, v3  }
0xa2: {  	v3 =	vor.u32 v3, v4  }
0xa3: {  	v4 =	vperm.xlane v3, v0;
	_ =	sdelay $0x1  }
0xa4: {  	v4 =	vadd.s32 v1, v4;
	_ =	sdelay $0x3  }
0xa5: {  	v3 =	vperm.xlane v3, v2  }
0xa6: {  	[tilespmem:s21], [sflag:$0x2] =	stream.indirect_vreg.gather [hbm4b:s3+s2], $0x80, v4, vm0, $0xb8;
	[tilespmem:$0x1C100] =	vst v63  }
0xa7: {  	v3 =	vadd.s32 v1, v3  }
0xa8: {  	[tilespmem:s22], [sflag:$0x2] =	stream.indirect_vreg.gather [hbm4b:s6+s2], $0x80, v4, vm0, $0xb8;
	[tilespmem:$0x1C100] =	vst v63  }
0xa9: {  	_ = 	snop  }
0xaa: {  	[tilespmem:s23], [sflag:$0x2] =	stream.indirect_vreg.gather [hbm4b:s7+s2], $0x80, v4, vm0, $0xb8;
	[tilespmem:$0x1C100] =	vst v63  }
0xab: {  	_ = 	snop  }
0xac: {  	[tilespmem:s24], [sflag:$0x2] =	stream.indirect_vreg.gather [hbm4b:s3+s2], $0x80, v3, vm0, $0xb8;
	[tilespmem:$0x1C100] =	vst v63  }
0xad: {  	_ = 	snop  }
0xae: {  	[tilespmem:s25], [sflag:$0x2] =	stream.indirect_vreg.gather [hbm4b:s6+s2], $0x80, v3, vm0, $0xb8;
	[tilespmem:$0x1C100] =	vst v63  }
0xaf: {  	_ = 	snop  }
0xb0: {  	[tilespmem:s26], [sflag:$0x2] =	stream.indirect_vreg.gather [hbm4b:s7+s2], $0x80, v3, vm0, $0xb8;
	[tilespmem:$0x1C100] =	vst v63  }
0xb1: {  	s30 =	simm.s32 $0x100  }
0xb2: {  	[tilespmem:s30], [sflag:$0x3] =	stream.linear.gather [hbm4b:s8+s2], $0x2000, $0x38;
	[tilespmem:$0x1C100] =	vst v63  }
0xb3: {  	_ =	swait.ge [sflag:s28], $0x2000  }
0xb4: {  	[sflag:s28] =	ssyncset.done $0x0  }
0xb5: {  	s31 =	simm.s32 $0x2100;
	[sflag:s28] =	ssyncadd.s32 $0xFFFFE000  }
0xb6: {  	[tilespmem:s31], [sflag:$0x3] =	stream.linear.gather [hbm4b:s9+s2], $0x2000, $0x38;
	[tilespmem:$0x1C100] =	vst v63  }
0xb7: {  	_ =	swait.ge [sflag:s28], $0x2000  }
0xb8: {  	[sflag:s28] =	ssyncset.done $0x0  }
0xb9: {  	[sflag:s28] =	ssyncadd.s32 $0xFFFFE000  }
0xba: {  	_ =	swait.ge [sflag:s13], $0xC000  }
0xbb: {  	[sflag:s13] =	ssyncset.done $0x0  }
0xbc: {  	s16 =	simm.s32 $0x0;
	[sflag:s13] =	ssyncadd.s32 $0xFFFF4000  }
0xbd: {  	s0 =	smul.u32 $0x1800, s16;
	_ =	swait.ge [sflag:s14], $0xC000  }
0xbe: {  	s1 =	sand.u32 $0x380, s2;
	[sflag:s14] =	ssyncset.done $0x0  }
0xbf: {  	s12 =	sor.u32 s1, s0;
	[sflag:s14] =	ssyncadd.s32 $0xFFFF4000  }
0xc0: {  	v4 =	vld [tilespmem:s12+$0x4110]  }
0xc1: {  	v3 =	vld [tilespmem:s12+$0x10110]  }
0xc2: {  	v6 =	vld [tilespmem:s12+$0x4120]  }
0xc3: {  	v5 =	vld [tilespmem:s12+$0x10120]  }
0xc4: {  	v10 =	vld [tilespmem:s12+$0x4130]  }
0xc5: {  	v9 =	vld [tilespmem:s12+$0x10130]  }
0xc6: {  	v12 =	vld [tilespmem:s12+$0x4140]  }
0xc7: {  	v11 =	vld [tilespmem:s12+$0x10140]  }
0xc8: {  	v13 =	vld [tilespmem:s12+$0x4160]  }
0xc9: {  	v14 =	vld [tilespmem:s12+$0x4170]  }
0xca: {  	v15 =	vld [tilespmem:s12+$0x4500]  }
0xcb: {  	v16 =	vld [tilespmem:s12+$0x4510]  }
0xcc: {  	v17 =	vld [tilespmem:s12+$0x4520]  }
0xcd: {  	v18 =	vld [tilespmem:s12+$0x4530]  }
0xce: {  	v19 =	vld [tilespmem:s12+$0x4540]  }
0xcf: {  	v20 =	vld [tilespmem:s12+$0x4550]  }
0xd0: {  	v21 =	vld [tilespmem:s12+$0x4560]  }
0xd1: {  	v22 =	vld [tilespmem:s12+$0x4570]  }
0xd2: {  	v23 =	vld [tilespmem:s12+$0x4900]  }
0xd3: {  	v24 =	vld [tilespmem:s12+$0x4910]  }
0xd4: {  	v25 =	vld [tilespmem:s12+$0x4920]  }
0xd5: {  	v26 =	vld [tilespmem:s12+$0x4930]  }
0xd6: {  	v27 =	vld [tilespmem:s12+$0x4940]  }
0xd7: {  	v28 =	vld [tilespmem:s12+$0x4950]  }
0xd8: {  	v29 =	vld [tilespmem:s12+$0x4960]  }
0xd9: {  	v30 =	vld [tilespmem:s12+$0x4970]  }
0xda: {  	v31 =	vld [tilespmem:s12+$0x4D00]  }
0xdb: {  	v32 =	vld [tilespmem:s12+$0x4D10]  }
0xdc: {  	v33 =	vld [tilespmem:s12+$0x4D20]  }
0xdd: {  	v34 =	vld [tilespmem:s12+$0x4D30]  }
0xde: {  	v35 =	vld [tilespmem:s12+$0x4D40]  }
0xdf: {  	v36 =	vld [tilespmem:s12+$0x4D50]  }
0xe0: {  	v37 =	vld [tilespmem:s12+$0x4D60]  }
0xe1: {  	v38 =	vld [tilespmem:s12+$0x4D70]  }
0xe2: {  	v39 =	vld [tilespmem:s12+$0x5100]  }
0xe3: {  	v40 =	vld [tilespmem:s12+$0x5110]  }
0xe4: {  	v41 =	vld [tilespmem:s12+$0x5120]  }
0xe5: {  	v42 =	vld [tilespmem:s12+$0x5130]  }
0xe6: {  	v43 =	vld [tilespmem:s12+$0x5140]  }
0xe7: {  	v44 =	vld [tilespmem:s12+$0x5150]  }
0xe8: {  	v45 =	vld [tilespmem:s12+$0x5160]  }
0xe9: {  	v46 =	vld [tilespmem:s12+$0x5500]  }
0xea: {  	v47 =	vld [tilespmem:s12+$0x5510]  }
0xeb: {  	v48 =	vld [tilespmem:s12+$0x11510]  }
0xec: {  	v49 =	vld [tilespmem:s12+$0x11530]  }
0xed: {  	v50 =	vld [tilespmem:s12+$0x5530]  }
0xee: {  	v51 =	vld [tilespmem:s12+$0x5520]  }
0xef: {  	v7 =	vld [tilespmem:s30+$0x0]  }
0xf0: {  	v8 =	vld [tilespmem:s31+$0x0]  }
0xf1: {  	v52 =	vld [tilespmem:s12+$0x11520]  }
0xf2: {  	v53 =	vld [tilespmem:s12+$0x11500]  }
0xf3: {  	v54 =	vld [tilespmem:s12+$0x5170]  }
0xf4: {  	v55 =	vld [tilespmem:s12+$0x11170];
	v50 =	vmul.f32 v50, v7  }
0xf5: {  	v56 =	vld [tilespmem:s12+$0x11160];
	v49 =	vmul.f32 v49, v8;
	v51 =	vmul.f32 v51, v7  }
0xf6: {  	v57 =	vld [tilespmem:s12+$0x11150];
	v52 =	vmul.f32 v52, v8;
	v47 =	vmul.f32 v47, v7  }
0xf7: {  	v61 =	vld [tilespmem:s12+$0x11100];
	v48 =	vmul.f32 v48, v8;
	v46 =	vmul.f32 v46, v7  }
0xf8: {  	v58 =	vld [tilespmem:s12+$0x11140];
	v62 =	vmul.f32 v53, v8;
	v63 =	vmul.f32 v54, v7;
	v49 =	vadd.f32 v49, v50  }
0xf9: {  	v53 =	vld [tilespmem:s12+$0x11130];
	v59 =	vmul.f32 v55, v8;
	v45 =	vmul.f32 v45, v7;
	v51 =	vadd.f32 v52, v51  }
0xfa: {  	v60 =	vmul.f32 v56, v8;
	v44 =	vmul.f32 v44, v7;
	v56 =	vld [tilespmem:s12+$0x10D60];
	v47 =	vadd.f32 v48, v47;
	[tilespmem:s12+$0x5530] =	vst v49  }
0xfb: {  	v43 =	vmul.f32 v43, v7;
	v39 =	vmul.f32 v39, v7;
	v55 =	vld [tilespmem:s12+$0x10970];
	v46 =	vadd.f32 v62, v46;
	[tilespmem:s12+$0x5520] =	vst v51  }
0xfc: {  	v61 =	vmul.f32 v61, v8;
	v12 =	vmul.f32 v12, v7;
	v48 =	vld [tilespmem:s12+$0x11120];
	v52 =	vadd.f32 v59, v63;
	[tilespmem:s12+$0x5510] =	vst v47  }
0xfd: {  	v11 =	vmul.f32 v11, v8;
	v63 =	vmul.f32 v58, v8;
	v45 =	vadd.f32 v60, v45;
	v58 =	vld [tilespmem:s12+$0x10D50];
	[tilespmem:s12+$0x5500] =	vst v46  }
0xfe: {  	v42 =	vmul.f32 v42, v7;
	v62 =	vmul.f32 v57, v8;
	v59 =	vld [tilespmem:s12+$0x10D40];
	v39 =	vadd.f32 v61, v39;
	[tilespmem:s12+$0x5170] =	vst v52  }
0xff: {  	v41 =	vmul.f32 v41, v7;
	v40 =	vmul.f32 v40, v7;
	v60 =	vld [tilespmem:s12+$0x10D30];
	v11 =	vadd.f32 v11, v12;
	[tilespmem:s12+$0x5160] =	vst v45  }
0x100: {  	v38 =	vmul.f32 v38, v7;
	v61 =	vld [tilespmem:s12+$0x10910];
	v44 =	vadd.f32 v62, v44;
	[tilespmem:s12+$0x5100] =	vst v39;
	v57 =	vmul.f32 v53, v8  }
0x101: {  	v37 =	vmul.f32 v37, v7;
	v49 =	vld [tilespmem:s12+$0x11110];
	v43 =	vadd.f32 v63, v43;
	[tilespmem:s12+$0x4140] =	vst v11;
	v46 =	vmul.f32 v56, v8  }
0x102: {  	v36 =	vmul.f32 v36, v7;
	v47 =	vld [tilespmem:s12+$0x10D70];
	[tilespmem:s12+$0x5150] =	vst v44;
	v48 =	vmul.f32 v48, v8;
	v42 =	vadd.f32 v57, v42  }
0x103: {  	v35 =	vmul.f32 v35, v7;
	v62 =	vld [tilespmem:s12+$0x10D20];
	[tilespmem:s12+$0x5140] =	vst v43;
	v54 =	vmul.f32 v58, v8;
	v37 =	vadd.f32 v46, v37  }
0x104: {  	v34 =	vmul.f32 v34, v7;
	v63 =	vld [tilespmem:s12+$0x10D10];
	v45 =	vmul.f32 v59, v8;
	v41 =	vadd.f32 v48, v41;
	[tilespmem:s12+$0x5130] =	vst v42  }
0x105: {  	v33 =	vmul.f32 v33, v7;
	v56 =	vld [tilespmem:s12+$0x10960];
	v44 =	vmul.f32 v60, v8;
	v36 =	vadd.f32 v54, v36;
	[tilespmem:s12+$0x4D60] =	vst v37  }
0x106: {  	v32 =	vmul.f32 v32, v7;
	v53 =	vld [tilespmem:s12+$0x10D00];
	v49 =	vmul.f32 v49, v8;
	v35 =	vadd.f32 v45, v35;
	[tilespmem:s12+$0x5120] =	vst v41  }
0x107: {  	v6 =	vmul.f32 v6, v7;
	v12 =	vld [tilespmem:s12+$0x5560];
	v47 =	vmul.f32 v47, v8;
	v34 =	vadd.f32 v44, v34;
	[tilespmem:s12+$0x4D50] =	vst v36  }
0x108: {  	v5 =	vmul.f32 v5, v8;
	v58 =	vld [tilespmem:s12+$0x10940];
	v43 =	vmul.f32 v62, v8;
	v40 =	vadd.f32 v49, v40;
	[tilespmem:s12+$0x4D40] =	vst v35  }
0x109: {  	v29 =	vmul.f32 v29, v7;
	v59 =	vld [tilespmem:s12+$0x10930];
	v42 =	vmul.f32 v63, v8;
	v38 =	vadd.f32 v47, v38;
	[tilespmem:s12+$0x4D30] =	vst v34  }
0x10a: {  	v5 =	vadd.f32 v5, v6;
	v6 =	vld [tilespmem:s12+$0x4100];
	v39 =	vmul.f32 v56, v8;
	v33 =	vadd.f32 v43, v33;
	[tilespmem:s12+$0x5110] =	vst v40  }
0x10b: {  	v31 =	vmul.f32 v31, v7;
	v60 =	vld [tilespmem:s12+$0x10920];
	v41 =	vmul.f32 v53, v8;
	v32 =	vadd.f32 v42, v32;
	[tilespmem:s12+$0x4D70] =	vst v38  }
0x10c: {  	v24 =	vmul.f32 v24, v7;
	v57 =	vld [tilespmem:s12+$0x10950];
	v34 =	vmul.f32 v61, v8;
	v29 =	vadd.f32 v39, v29;
	[tilespmem:s12+$0x4D20] =	vst v33  }
0x10d: {  	v27 =	vmul.f32 v27, v7;
	v62 =	vld [tilespmem:s12+$0x10900];
	v37 =	vmul.f32 v58, v8;
	v31 =	vadd.f32 v41, v31;
	[tilespmem:s12+$0x4D10] =	vst v32  }
0x10e: {  	v26 =	vmul.f32 v26, v7;
	v63 =	vld [tilespmem:s12+$0x10570];
	v36 =	vmul.f32 v59, v8;
	v24 =	vadd.f32 v34, v24;
	[tilespmem:s12+$0x4960] =	vst v29  }
0x10f: {  	v30 =	vmul.f32 v30, v7;
	v40 =	vmul.f32 v55, v8;
	v27 =	vadd.f32 v37, v27;
	v29 =	vld [tilespmem:s12+$0x10540];
	[tilespmem:s12+$0x4D00] =	vst v31  }
0x110: {  	v25 =	vmul.f32 v25, v7;
	v35 =	vmul.f32 v60, v8;
	v26 =	vadd.f32 v36, v26;
	v31 =	vld [tilespmem:s12+$0x10560];
	[tilespmem:s12+$0x4910] =	vst v24  }
0x111: {  	v28 =	vmul.f32 v28, v7;
	v38 =	vmul.f32 v57, v8;
	v30 =	vadd.f32 v40, v30;
	v24 =	vld [tilespmem:s12+$0x10170];
	[tilespmem:s12+$0x4940] =	vst v27  }
0x112: {  	v23 =	vmul.f32 v23, v7;
	v33 =	vmul.f32 v62, v8;
	v25 =	vadd.f32 v35, v25;
	v27 =	vld [tilespmem:s12+$0x10520];
	[tilespmem:s12+$0x4930] =	vst v26  }
0x113: {  	v22 =	vmul.f32 v22, v7;
	v32 =	vmul.f32 v63, v8;
	v28 =	vadd.f32 v38, v28;
	[tilespmem:s12+$0x4970] =	vst v30;
	v30 =	vld [tilespmem:s12+$0x10550]  }
0x114: {  	v19 =	vmul.f32 v19, v7;
	v23 =	vadd.f32 v33, v23;
	[tilespmem:s12+$0x4920] =	vst v25;
	v25 =	vld [tilespmem:s12+$0x10500];
	v29 =	vmul.f32 v29, v8  }
0x115: {  	v21 =	vmul.f32 v21, v7;
	v22 =	vadd.f32 v32, v22;
	[tilespmem:s12+$0x4950] =	vst v28;
	v28 =	vld [tilespmem:s12+$0x10530];
	v31 =	vmul.f32 v31, v8  }
0x116: {  	v14 =	vmul.f32 v14, v7;
	[tilespmem:s12+$0x4900] =	vst v23;
	v23 =	vld [tilespmem:s12+$0x10160];
	v24 =	vmul.f32 v24, v8;
	v19 =	vadd.f32 v29, v19  }
0x117: {  	v17 =	vmul.f32 v17, v7;
	v26 =	vld [tilespmem:s12+$0x10510];
	[tilespmem:s12+$0x4570] =	vst v22;
	v27 =	vmul.f32 v27, v8;
	v21 =	vadd.f32 v31, v21  }
0x118: {  	v20 =	vmul.f32 v20, v7;
	v22 =	vld [tilespmem:s12+$0x4150];
	v30 =	vmul.f32 v30, v8;
	v14 =	vadd.f32 v24, v14;
	[tilespmem:s12+$0x4540] =	vst v19  }
0x119: {  	v15 =	vmul.f32 v15, v7;
	v25 =	vmul.f32 v25, v8;
	v17 =	vadd.f32 v27, v17;
	v19 =	vld [tilespmem:s12+$0x11550];
	[tilespmem:s12+$0x4560] =	vst v21  }
0x11a: {  	v18 =	vmul.f32 v18, v7;
	v28 =	vmul.f32 v28, v8;
	v20 =	vadd.f32 v30, v20;
	v21 =	vld [tilespmem:s12+$0x10150];
	[tilespmem:s12+$0x4170] =	vst v14  }
0x11b: {  	v13 =	vmul.f32 v13, v7;
	v23 =	vmul.f32 v23, v8;
	v15 =	vadd.f32 v25, v15;
	[tilespmem:s12+$0x4520] =	vst v17;
	v17 =	vld [tilespmem:s12+$0x5540]  }
0x11c: {  	v16 =	vmul.f32 v16, v7;
	v26 =	vmul.f32 v26, v8;
	v18 =	vadd.f32 v28, v18;
	[tilespmem:s12+$0x4550] =	vst v20;
	v20 =	vld [tilespmem:s12+$0x11540]  }
0x11d: {  	v10 =	vmul.f32 v10, v7;
	v9 =	vmul.f32 v9, v8;
	v13 =	vadd.f32 v23, v13;
	[tilespmem:s12+$0x4500] =	vst v15;
	v15 =	vld [tilespmem:s12+$0x5550]  }
0x11e: {  	v4 =	vmul.f32 v4, v7;
	v3 =	vmul.f32 v3, v8;
	v16 =	vadd.f32 v26, v16;
	[tilespmem:s12+$0x4530] =	vst v18;
	v18 =	vld [tilespmem:s12+$0x11560]  }
0x11f: {  	v9 =	vadd.f32 v9, v10;
	v10 =	vmul.f32 v22, v7;
	v14 =	vld [tilespmem:s12+$0x5570];
	[tilespmem:s12+$0x4160] =	vst v13;
	v13 =	vmul.f32 v21, v8  }
0x120: {  	v3 =	vadd.f32 v3, v4;
	[tilespmem:s12+$0x4510] =	vst v16;
	v16 =	vld [tilespmem:s12+$0x11570]  }
0x121: {  	s17 =	simm.s32 $0x0;
	[tilespmem:s12+$0x4130] =	vst v9;
	v9 =	vld [tilespmem:s12+$0x10100];
	v11 =	vmul.f32 v17, v7;
	v17 =	vmul.f32 v20, v8;
	v4 =	vadd.f32 v13, v10  }
0x122: {  	s0 =	smul.u32 $0x1800, s17;
	s1 =	simm.s32 $0x80;
	[tilespmem:s12+$0x4120] =	vst v5;
	v5 =	vmul.f32 v15, v7;
	v10 =	vmul.f32 v19, v8  }
0x123: {  	s16 =	sand.u32 $0x380, s1;
	v11 =	vadd.f32 v17, v11;
	[tilespmem:s12+$0x4150] =	vst v4;
	v4 =	vmul.f32 v12, v7;
	v12 =	vmul.f32 v18, v8  }
0x124: {  	s0 =	sor.u32 s16, s0;
	[tilespmem:s12+$0x4110] =	vst v3;
	v5 =	vadd.f32 v10, v5  }
0x125: {  	v3 =	vld [tilespmem:s0+$0x4110];
	v10 =	vmul.f32 v14, v7;
	[tilespmem:s12+$0x5540] =	vst v11;
	v11 =	vmul.f32 v16, v8;
	v12 =	vadd.f32 v12, v4  }
0x126: {  	v7 =	vmul.f32 v6, v7;
	v8 =	vmul.f32 v9, v8;
	v4 =	vld [tilespmem:s0+$0x10110];
	[tilespmem:s12+$0x5550] =	vst v5  }
0x127: {  	v9 =	vadd.f32 v11, v10;
	v6 =	vld [tilespmem:s0+$0x4120];
	[tilespmem:s12+$0x5560] =	vst v12  }
0x128: {  	v7 =	vadd.f32 v8, v7;
	v5 =	vld [tilespmem:s0+$0x10120]  }
0x129: {  	v8 =	vld [tilespmem:s0+$0x4130];
	[tilespmem:s12+$0x5570] =	vst v9  }
0x12a: {  	v18 =	vld [tilespmem:s0+$0x4530];
	[tilespmem:s12+$0x4100] =	vst v7  }
0x12b: {  	v7 =	vld [tilespmem:s0+$0x10130]  }
0x12c: {  	v10 =	vld [tilespmem:s0+$0x4140]  }
0x12d: {  	v9 =	vld [tilespmem:s0+$0x10140]  }
0x12e: {  	v12 =	vld [tilespmem:s0+$0x4150]  }
0x12f: {  	v11 =	vld [tilespmem:s0+$0x10150]  }
0x130: {  	v13 =	vld [tilespmem:s0+$0x4160]  }
0x131: {  	v14 =	vld [tilespmem:s0+$0x4170]  }
0x132: {  	v15 =	vld [tilespmem:s0+$0x4500]  }
0x133: {  	v16 =	vld [tilespmem:s0+$0x4510]  }
0x134: {  	v17 =	vld [tilespmem:s0+$0x4520]  }
0x135: {  	v19 =	vld [tilespmem:s0+$0x4540]  }
0x136: {  	v20 =	vld [tilespmem:s0+$0x4550]  }
0x137: {  	v21 =	vld [tilespmem:s0+$0x4560]  }
0x138: {  	v22 =	vld [tilespmem:s0+$0x4570]  }
0x139: {  	v23 =	vld [tilespmem:s0+$0x4900]  }
0x13a: {  	v24 =	vld [tilespmem:s0+$0x4910]  }
0x13b: {  	v25 =	vld [tilespmem:s0+$0x4920]  }
0x13c: {  	v26 =	vld [tilespmem:s0+$0x4930]  }
0x13d: {  	v27 =	vld [tilespmem:s0+$0x4940]  }
0x13e: {  	v28 =	vld [tilespmem:s0+$0x4950]  }
0x13f: {  	v29 =	vld [tilespmem:s0+$0x4960]  }
0x140: {  	v30 =	vld [tilespmem:s0+$0x4970]  }
0x141: {  	v31 =	vld [tilespmem:s0+$0x4D00]  }
0x142: {  	v34 =	vld [tilespmem:s0+$0x4D10]  }
0x143: {  	v35 =	vld [tilespmem:s0+$0x4D20]  }
0x144: {  	v36 =	vld [tilespmem:s0+$0x4D30]  }
0x145: {  	v37 =	vld [tilespmem:s0+$0x4D40]  }
0x146: {  	v38 =	vld [tilespmem:s0+$0x4D50]  }
0x147: {  	v39 =	vld [tilespmem:s0+$0x4D60]  }
0x148: {  	v40 =	vld [tilespmem:s0+$0x4D70]  }
0x149: {  	v41 =	vld [tilespmem:s0+$0x5100]  }
0x14a: {  	v42 =	vld [tilespmem:s0+$0x5110]  }
0x14b: {  	v43 =	vld [tilespmem:s0+$0x5120]  }
0x14c: {  	v44 =	vld [tilespmem:s0+$0x5130]  }
0x14d: {  	v45 =	vld [tilespmem:s0+$0x5140]  }
0x14e: {  	v46 =	vld [tilespmem:s0+$0x5150]  }
0x14f: {  	v47 =	vld [tilespmem:s0+$0x5160]  }
0x150: {  	v48 =	vld [tilespmem:s0+$0x5500]  }
0x151: {  	v50 =	vld [tilespmem:s0+$0x5510]  }
0x152: {  	v49 =	vld [tilespmem:s0+$0x11510]  }
0x153: {  	s12 =	simm.s32 $0x2;
	v51 =	vld [tilespmem:s0+$0x11530]  }
.LBB2_2:
0x154: {  	p0 =	sne.s32 s12, $0x3F;
	v52 =	vld [tilespmem:s0+$0x5530]  }
0x155: {  	s30 =	sadd.s32 $0x80, s30;
	v53 =	vld [tilespmem:s0+$0x5520]  }
0x156: {  	s31 =	sadd.s32 $0x80, s31;
	v33 =	vld [tilespmem:s30+$0x0]  }
0x157: {  	v32 =	vld [tilespmem:s31+$0x0]  }
0x158: {  	v54 =	vld [tilespmem:s0+$0x11520]  }
0x159: {  	v55 =	vld [tilespmem:s0+$0x11500]  }
0x15a: {  	v56 =	vld [tilespmem:s0+$0x5170]  }
0x15b: {  	v57 =	vld [tilespmem:s0+$0x11170];
	v50 =	vmul.f32 v50, v33;
	v53 =	vmul.f32 v53, v33  }
0x15c: {  	v52 =	vmul.f32 v52, v33;
	v58 =	vld [tilespmem:s0+$0x11160];
	v51 =	vmul.f32 v51, v32  }
0x15d: {  	v49 =	vmul.f32 v49, v32;
	v59 =	vld [tilespmem:s0+$0x11150];
	v54 =	vmul.f32 v54, v32  }
0x15e: {  	v48 =	vmul.f32 v48, v33;
	v60 =	vld [tilespmem:s0+$0x11140];
	v55 =	vmul.f32 v55, v32;
	v51 =	vadd.f32 v51, v52  }
0x15f: {  	v49 =	vadd.f32 v49, v50;
	v52 =	vld [tilespmem:s0+$0x11130];
	v56 =	vmul.f32 v56, v33;
	v50 =	vadd.f32 v54, v53  }
0x160: {  	v47 =	vmul.f32 v47, v33;
	v53 =	vld [tilespmem:s0+$0x11120];
	v54 =	vmul.f32 v57, v32;
	v48 =	vadd.f32 v55, v48;
	[tilespmem:s0+$0x5530] =	vst v51  }
0x161: {  	v46 =	vmul.f32 v46, v33;
	v51 =	vld [tilespmem:s0+$0x11110];
	v55 =	vmul.f32 v58, v32;
	[tilespmem:s0+$0x5520] =	vst v50  }
0x162: {  	v45 =	vmul.f32 v45, v33;
	v50 =	vld [tilespmem:s0+$0x11100];
	v57 =	vmul.f32 v59, v32;
	v54 =	vadd.f32 v54, v56;
	[tilespmem:s0+$0x5510] =	vst v49  }
0x163: {  	v44 =	vmul.f32 v44, v33;
	v49 =	vld [tilespmem:s0+$0x10D70];
	v56 =	vmul.f32 v60, v32;
	v47 =	vadd.f32 v55, v47;
	[tilespmem:s0+$0x5500] =	vst v48  }
0x164: {  	v43 =	vmul.f32 v43, v33;
	v48 =	vld [tilespmem:s0+$0x10D60];
	v52 =	vmul.f32 v52, v32;
	v46 =	vadd.f32 v57, v46;
	[tilespmem:s0+$0x5170] =	vst v54  }
0x165: {  	v42 =	vmul.f32 v42, v33;
	v54 =	vld [tilespmem:s0+$0x10D50];
	v53 =	vmul.f32 v53, v32;
	v45 =	vadd.f32 v56, v45;
	[tilespmem:s0+$0x5160] =	vst v47  }
0x166: {  	v41 =	vmul.f32 v41, v33;
	v47 =	vld [tilespmem:s0+$0x10D40];
	v51 =	vmul.f32 v51, v32;
	v44 =	vadd.f32 v52, v44;
	[tilespmem:s0+$0x5150] =	vst v46  }
0x167: {  	v40 =	vmul.f32 v40, v33;
	v46 =	vld [tilespmem:s0+$0x10D30];
	v50 =	vmul.f32 v50, v32;
	v43 =	vadd.f32 v53, v43;
	[tilespmem:s0+$0x5140] =	vst v45  }
0x168: {  	v39 =	vmul.f32 v39, v33;
	v45 =	vld [tilespmem:s0+$0x10D20];
	v49 =	vmul.f32 v49, v32;
	v42 =	vadd.f32 v51, v42;
	[tilespmem:s0+$0x5130] =	vst v44  }
0x169: {  	v38 =	vmul.f32 v38, v33;
	v44 =	vld [tilespmem:s0+$0x10D10];
	v48 =	vmul.f32 v48, v32;
	v41 =	vadd.f32 v50, v41;
	[tilespmem:s0+$0x5120] =	vst v43  }
0x16a: {  	v37 =	vmul.f32 v37, v33;
	v43 =	vld [tilespmem:s0+$0x10D00];
	v50 =	vmul.f32 v54, v32;
	v40 =	vadd.f32 v49, v40;
	[tilespmem:s0+$0x5110] =	vst v42  }
0x16b: {  	v36 =	vmul.f32 v36, v33;
	v42 =	vld [tilespmem:s0+$0x10970];
	v47 =	vmul.f32 v47, v32;
	v39 =	vadd.f32 v48, v39;
	[tilespmem:s0+$0x5100] =	vst v41  }
0x16c: {  	v35 =	vmul.f32 v35, v33;
	v41 =	vld [tilespmem:s0+$0x10960];
	v46 =	vmul.f32 v46, v32;
	v38 =	vadd.f32 v50, v38;
	[tilespmem:s0+$0x4D70] =	vst v40  }
0x16d: {  	v34 =	vmul.f32 v34, v33;
	v40 =	vld [tilespmem:s0+$0x10950];
	v45 =	vmul.f32 v45, v32;
	v37 =	vadd.f32 v47, v37;
	[tilespmem:s0+$0x4D60] =	vst v39  }
0x16e: {  	v31 =	vmul.f32 v31, v33;
	v39 =	vld [tilespmem:s0+$0x10940];
	v44 =	vmul.f32 v44, v32;
	v36 =	vadd.f32 v46, v36;
	[tilespmem:s0+$0x4D50] =	vst v38  }
0x16f: {  	v30 =	vmul.f32 v30, v33;
	v38 =	vld [tilespmem:s0+$0x10930];
	v43 =	vmul.f32 v43, v32;
	v35 =	vadd.f32 v45, v35;
	[tilespmem:s0+$0x4D40] =	vst v37  }
0x170: {  	v29 =	vmul.f32 v29, v33;
	v37 =	vld [tilespmem:s0+$0x10920];
	v42 =	vmul.f32 v42, v32;
	v34 =	vadd.f32 v44, v34;
	[tilespmem:s0+$0x4D30] =	vst v36  }
0x171: {  	v28 =	vmul.f32 v28, v33;
	v36 =	vld [tilespmem:s0+$0x10910];
	v41 =	vmul.f32 v41, v32;
	v31 =	vadd.f32 v43, v31;
	[tilespmem:s0+$0x4D20] =	vst v35  }
0x172: {  	v27 =	vmul.f32 v27, v33;
	v35 =	vld [tilespmem:s0+$0x10900];
	v40 =	vmul.f32 v40, v32;
	v30 =	vadd.f32 v42, v30;
	[tilespmem:s0+$0x4D10] =	vst v34  }
0x173: {  	v26 =	vmul.f32 v26, v33;
	v34 =	vld [tilespmem:s0+$0x10570];
	v39 =	vmul.f32 v39, v32;
	v29 =	vadd.f32 v41, v29;
	[tilespmem:s0+$0x4D00] =	vst v31  }
0x174: {  	v25 =	vmul.f32 v25, v33;
	v31 =	vld [tilespmem:s0+$0x10560];
	v38 =	vmul.f32 v38, v32;
	v28 =	vadd.f32 v40, v28;
	[tilespmem:s0+$0x4970] =	vst v30  }
0x175: {  	v24 =	vmul.f32 v24, v33;
	v30 =	vld [tilespmem:s0+$0x10550];
	v37 =	vmul.f32 v37, v32;
	v27 =	vadd.f32 v39, v27;
	[tilespmem:s0+$0x4960] =	vst v29  }
0x176: {  	v23 =	vmul.f32 v23, v33;
	v29 =	vld [tilespmem:s0+$0x10540];
	v36 =	vmul.f32 v36, v32;
	v26 =	vadd.f32 v38, v26;
	[tilespmem:s0+$0x4950] =	vst v28  }
0x177: {  	v22 =	vmul.f32 v22, v33;
	v28 =	vld [tilespmem:s0+$0x10530];
	v35 =	vmul.f32 v35, v32;
	v25 =	vadd.f32 v37, v25;
	[tilespmem:s0+$0x4940] =	vst v27  }
0x178: {  	v21 =	vmul.f32 v21, v33;
	v27 =	vld [tilespmem:s0+$0x10520];
	v34 =	vmul.f32 v34, v32;
	v24 =	vadd.f32 v36, v24;
	[tilespmem:s0+$0x4930] =	vst v26  }
0x179: {  	v20 =	vmul.f32 v20, v33;
	v26 =	vld [tilespmem:s0+$0x10510];
	v31 =	vmul.f32 v31, v32;
	v23 =	vadd.f32 v35, v23;
	[tilespmem:s0+$0x4920] =	vst v25  }
0x17a: {  	v19 =	vmul.f32 v19, v33;
	v25 =	vld [tilespmem:s0+$0x10500];
	v30 =	vmul.f32 v30, v32;
	v22 =	vadd.f32 v34, v22;
	[tilespmem:s0+$0x4910] =	vst v24  }
0x17b: {  	v18 =	vmul.f32 v18, v33;
	v24 =	vld [tilespmem:s0+$0x10170];
	v29 =	vmul.f32 v29, v32;
	v21 =	vadd.f32 v31, v21;
	[tilespmem:s0+$0x4900] =	vst v23  }
0x17c: {  	v17 =	vmul.f32 v17, v33;
	v23 =	vld [tilespmem:s0+$0x10160];
	v28 =	vmul.f32 v28, v32;
	v20 =	vadd.f32 v30, v20;
	[tilespmem:s0+$0x4570] =	vst v22  }
0x17d: {  	v16 =	vmul.f32 v16, v33;
	v22 =	vmul.f32 v27, v32;
	v19 =	vadd.f32 v29, v19;
	[tilespmem:s0+$0x4560] =	vst v21;
	v21 =	vld [tilespmem:s0+$0x11540]  }
0x17e: {  	v15 =	vmul.f32 v15, v33;
	v26 =	vmul.f32 v26, v32;
	v18 =	vadd.f32 v28, v18;
	[tilespmem:s0+$0x4550] =	vst v20;
	v20 =	vld [tilespmem:s0+$0x11550]  }
0x17f: {  	v14 =	vmul.f32 v14, v33;
	v25 =	vmul.f32 v25, v32;
	v17 =	vadd.f32 v22, v17;
	[tilespmem:s0+$0x4540] =	vst v19;
	v19 =	vld [tilespmem:s0+$0x11560]  }
0x180: {  	v13 =	vmul.f32 v13, v33;
	v22 =	vmul.f32 v24, v32;
	v16 =	vadd.f32 v26, v16;
	[tilespmem:s0+$0x4530] =	vst v18;
	v18 =	vld [tilespmem:s0+$0x11570]  }
0x181: {  	v12 =	vmul.f32 v12, v33;
	v23 =	vmul.f32 v23, v32;
	v15 =	vadd.f32 v25, v15;
	[tilespmem:s0+$0x4520] =	vst v17;
	v17 =	vld [tilespmem:s0+$0x5540]  }
0x182: {  	v10 =	vmul.f32 v10, v33;
	v11 =	vmul.f32 v11, v32;
	v14 =	vadd.f32 v22, v14;
	[tilespmem:s0+$0x4510] =	vst v16;
	v16 =	vld [tilespmem:s0+$0x5550]  }
0x183: {  	v8 =	vmul.f32 v8, v33;
	v9 =	vmul.f32 v9, v32;
	v13 =	vadd.f32 v23, v13;
	[tilespmem:s0+$0x4500] =	vst v15;
	v15 =	vld [tilespmem:s0+$0x5560]  }
0x184: {  	v6 =	vmul.f32 v6, v33;
	v7 =	vmul.f32 v7, v32;
	v11 =	vadd.f32 v11, v12;
	[tilespmem:s0+$0x4170] =	vst v14;
	v12 =	vld [tilespmem:s0+$0x5570]  }
0x185: {  	v3 =	vmul.f32 v3, v33;
	v5 =	vmul.f32 v5, v32;
	v9 =	vadd.f32 v9, v10;
	v14 =	vld [tilespmem:s0+$0x4100];
	[tilespmem:s0+$0x4160] =	vst v13  }
0x186: {  	v4 =	vmul.f32 v4, v32;
	v7 =	vadd.f32 v7, v8;
	v10 =	vld [tilespmem:s0+$0x10100];
	[tilespmem:s0+$0x4150] =	vst v11;
	v8 =	vmul.f32 v17, v33  }
0x187: {  	s16 =	sshrl.u32 s12, $0x3;
	v5 =	vadd.f32 v5, v6;
	v6 =	vmul.f32 v21, v32;
	[tilespmem:s0+$0x4140] =	vst v9;
	v9 =	vmul.f32 v16, v33  }
0x188: {  	s1 =	sadd.s32 $0x80, s1;
	s16 =	smul.u32 $0x1800, s16;
	v3 =	vadd.f32 v4, v3;
	v4 =	vmul.f32 v20, v32;
	[tilespmem:s0+$0x4130] =	vst v7;
	v7 =	vmul.f32 v15, v33  }
0x189: {  	s17 =	sand.u32 $0x380, s1;
	[tilespmem:s0+$0x4120] =	vst v5;
	v5 =	vadd.f32 v6, v8;
	v6 =	vmul.f32 v19, v32;
	v8 =	vmul.f32 v12, v33  }
0x18a: {  	s16 =	sor.u32 s17, s16;
	v9 =	vadd.f32 v4, v9;
	v12 =	vmul.f32 v18, v32;
	v11 =	vmul.f32 v14, v33;
	[tilespmem:s0+$0x4110] =	vst v3  }
0x18b: {  	v3 =	vld [tilespmem:s16+$0x4110];
	v10 =	vmul.f32 v10, v32;
	[tilespmem:s0+$0x5540] =	vst v5;
	v5 =	vadd.f32 v6, v7  }
0x18c: {  	v7 =	vadd.f32 v12, v8;
	v4 =	vld [tilespmem:s16+$0x10110];
	[tilespmem:s0+$0x5550] =	vst v9  }
0x18d: {  	v6 =	vld [tilespmem:s16+$0x4120];
	v9 =	vadd.f32 v10, v11;
	[tilespmem:s0+$0x5560] =	vst v5  }
0x18e: {  	v5 =	vld [tilespmem:s16+$0x10120];
	[tilespmem:s0+$0x5570] =	vst v7  }
0x18f: {  	v8 =	vld [tilespmem:s16+$0x4130];
	[tilespmem:s0+$0x4100] =	vst v9;
	s0 =	smov.u32 s16  }
0x190: {  	v7 =	vld [tilespmem:s0+$0x10130]  }
0x191: {  	v10 =	vld [tilespmem:s0+$0x4140]  }
0x192: {  	v9 =	vld [tilespmem:s0+$0x10140]  }
0x193: {  	v12 =	vld [tilespmem:s0+$0x4150]  }
0x194: {  	v11 =	vld [tilespmem:s0+$0x10150]  }
0x195: {  	v13 =	vld [tilespmem:s0+$0x4160]  }
0x196: {  	v14 =	vld [tilespmem:s0+$0x4170]  }
0x197: {  	v15 =	vld [tilespmem:s0+$0x4500]  }
0x198: {  	v16 =	vld [tilespmem:s0+$0x4510]  }
0x199: {  	v17 =	vld [tilespmem:s0+$0x4520]  }
0x19a: {  	v18 =	vld [tilespmem:s0+$0x4530]  }
0x19b: {  	v19 =	vld [tilespmem:s0+$0x4540]  }
0x19c: {  	v20 =	vld [tilespmem:s0+$0x4550]  }
0x19d: {  	v21 =	vld [tilespmem:s0+$0x4560]  }
0x19e: {  	v22 =	vld [tilespmem:s0+$0x4570]  }
0x19f: {  	v23 =	vld [tilespmem:s0+$0x4900]  }
0x1a0: {  	v24 =	vld [tilespmem:s0+$0x4910]  }
0x1a1: {  	v25 =	vld [tilespmem:s0+$0x4920]  }
0x1a2: {  	v26 =	vld [tilespmem:s0+$0x4930]  }
0x1a3: {  	v27 =	vld [tilespmem:s0+$0x4940]  }
0x1a4: {  	v28 =	vld [tilespmem:s0+$0x4950]  }
0x1a5: {  	v29 =	vld [tilespmem:s0+$0x4960]  }
0x1a6: {  	v30 =	vld [tilespmem:s0+$0x4970]  }
0x1a7: {  	v31 =	vld [tilespmem:s0+$0x4D00]  }
0x1a8: {  	v34 =	vld [tilespmem:s0+$0x4D10]  }
0x1a9: {  	v35 =	vld [tilespmem:s0+$0x4D20]  }
0x1aa: {  	v36 =	vld [tilespmem:s0+$0x4D30]  }
0x1ab: {  	v37 =	vld [tilespmem:s0+$0x4D40]  }
0x1ac: {  	v38 =	vld [tilespmem:s0+$0x4D50]  }
0x1ad: {  	v39 =	vld [tilespmem:s0+$0x4D60]  }
0x1ae: {  	v40 =	vld [tilespmem:s0+$0x4D70]  }
0x1af: {  	v41 =	vld [tilespmem:s0+$0x5100]  }
0x1b0: {  	v42 =	vld [tilespmem:s0+$0x5110]  }
0x1b1: {  	v43 =	vld [tilespmem:s0+$0x5120]  }
0x1b2: {  	v44 =	vld [tilespmem:s0+$0x5130]  }
0x1b3: {  	v45 =	vld [tilespmem:s0+$0x5140]  }
0x1b4: {  	v46 =	vld [tilespmem:s0+$0x5150]  }
.Ltmp0:
0x1b5: {  	v47 =	vld [tilespmem:s0+$0x5160];
	(pc) =	sbr.rel @p0 .LBB2_2-.Ltmp0, $4  }
0x1b6: {  	v48 =	vld [tilespmem:s0+$0x5500]  }
0x1b7: {  	v50 =	vld [tilespmem:s0+$0x5510]  }
0x1b8: {  	v49 =	vld [tilespmem:s0+$0x11510]  }
0x1b9: {  	s12 =	sadd.s32 $0x1, s12;
	v51 =	vld [tilespmem:s0+$0x11530]  }
0x1ba: {  	v52 =	vld [tilespmem:s0+$0x5530]  }
0x1bb: {  	v53 =	vld [tilespmem:s0+$0x5520];
	s1 =	sadd.s32 $0x80, s30  }
0x1bc: {  	s31 =	sadd.s32 $0x80, s31;
	v32 =	vld [tilespmem:s1+$0x0]  }
0x1bd: {  	v33 =	vld [tilespmem:s31+$0x0]  }
0x1be: {  	v54 =	vld [tilespmem:s0+$0x11520];
	_ =	sdelay $0x1  }
0x1bf: {  	v55 =	vld [tilespmem:s0+$0x11500]  }
0x1c0: {  	v56 =	vld [tilespmem:s0+$0x5170]  }
0x1c1: {  	v58 =	vld [tilespmem:s0+$0x11160];
	v52 =	vmul.f32 v52, v32;
	v51 =	vmul.f32 v51, v33  }
0x1c2: {  	v57 =	vld [tilespmem:s0+$0x11170];
	v53 =	vmul.f32 v53, v32;
	v54 =	vmul.f32 v54, v33  }
0x1c3: {  	v59 =	vld [tilespmem:s0+$0x11150];
	v50 =	vmul.f32 v50, v32;
	v49 =	vmul.f32 v49, v33  }
0x1c4: {  	v60 =	vld [tilespmem:s0+$0x11140];
	v48 =	vmul.f32 v48, v32;
	v62 =	vmul.f32 v55, v33;
	v51 =	vadd.f32 v51, v52  }
0x1c5: {  	v61 =	vld [tilespmem:s0+$0x11120];
	v63 =	vmul.f32 v56, v32;
	v47 =	vmul.f32 v47, v32;
	v53 =	vadd.f32 v54, v53  }
0x1c6: {  	v58 =	vmul.f32 v58, v33;
	v55 =	vld [tilespmem:s0+$0x10560];
	v12 =	vmul.f32 v12, v32;
	v49 =	vadd.f32 v49, v50;
	[tilespmem:s0+$0x5530] =	vst v51  }
0x1c7: {  	v56 =	vld [tilespmem:s0+$0x10550];
	v11 =	vmul.f32 v11, v33;
	v10 =	vmul.f32 v10, v32;
	v48 =	vadd.f32 v62, v48;
	[tilespmem:s0+$0x5520] =	vst v53  }
0x1c8: {  	v9 =	vmul.f32 v9, v33;
	v8 =	vmul.f32 v8, v32;
	v52 =	vld [tilespmem:s0+$0x11130];
	v47 =	vadd.f32 v58, v47;
	[tilespmem:s0+$0x5510] =	vst v49  }
0x1c9: {  	v7 =	vmul.f32 v7, v33;
	v6 =	vmul.f32 v6, v32;
	v50 =	vld [tilespmem:s0+$0x11100];
	v11 =	vadd.f32 v11, v12;
	[tilespmem:s0+$0x5500] =	vst v48  }
0x1ca: {  	v5 =	vmul.f32 v5, v33;
	v3 =	vmul.f32 v3, v32;
	v58 =	vld [tilespmem:s0+$0x10D20];
	v9 =	vadd.f32 v9, v10;
	[tilespmem:s0+$0x5160] =	vst v47  }
0x1cb: {  	v4 =	vmul.f32 v4, v33;
	v62 =	vmul.f32 v59, v33;
	v59 =	vld [tilespmem:s0+$0x10D10];
	v7 =	vadd.f32 v7, v8;
	[tilespmem:s0+$0x4150] =	vst v11  }
0x1cc: {  	v57 =	vmul.f32 v57, v33;
	v54 =	vld [tilespmem:s0+$0x10570];
	v5 =	vadd.f32 v5, v6;
	[tilespmem:s0+$0x4140] =	vst v9  }
0x1cd: {  	v46 =	vmul.f32 v46, v32;
	v3 =	vadd.f32 v4, v3;
	v51 =	vld [tilespmem:s0+$0x11110];
	[tilespmem:s0+$0x4130] =	vst v7  }
0x1ce: {  	v45 =	vmul.f32 v45, v32;
	v49 =	vld [tilespmem:s0+$0x10D70];
	v53 =	vadd.f32 v57, v63;
	v63 =	vmul.f32 v60, v33;
	[tilespmem:s0+$0x4120] =	vst v5  }
0x1cf: {  	v43 =	vmul.f32 v43, v32;
	v48 =	vld [tilespmem:s0+$0x10D60];
	v46 =	vadd.f32 v62, v46;
	v57 =	vmul.f32 v61, v33;
	[tilespmem:s0+$0x4110] =	vst v3  }
0x1d0: {  	v44 =	vmul.f32 v44, v32;
	v47 =	vld [tilespmem:s0+$0x10D40];
	[tilespmem:s0+$0x5170] =	vst v53;
	v45 =	vadd.f32 v63, v45;
	v52 =	vmul.f32 v52, v33  }
0x1d1: {  	v41 =	vmul.f32 v41, v32;
	v60 =	vld [tilespmem:s0+$0x10D00];
	[tilespmem:s0+$0x5150] =	vst v46;
	v43 =	vadd.f32 v57, v43;
	v50 =	vmul.f32 v50, v33  }
0x1d2: {  	v35 =	vmul.f32 v35, v32;
	v61 =	vld [tilespmem:s0+$0x10970];
	[tilespmem:s0+$0x5140] =	vst v45;
	v45 =	vmul.f32 v58, v33;
	v44 =	vadd.f32 v52, v44  }
0x1d3: {  	v42 =	vmul.f32 v42, v32;
	v53 =	vld [tilespmem:s0+$0x10D50];
	[tilespmem:s0+$0x5120] =	vst v43;
	v51 =	vmul.f32 v51, v33;
	v41 =	vadd.f32 v50, v41  }
0x1d4: {  	v40 =	vmul.f32 v40, v32;
	v46 =	vld [tilespmem:s0+$0x10D30];
	v49 =	vmul.f32 v49, v33;
	v35 =	vadd.f32 v45, v35;
	[tilespmem:s0+$0x5130] =	vst v44  }
0x1d5: {  	v39 =	vmul.f32 v39, v32;
	v62 =	vld [tilespmem:s0+$0x10960];
	v48 =	vmul.f32 v48, v33;
	v42 =	vadd.f32 v51, v42;
	[tilespmem:s0+$0x5100] =	vst v41  }
0x1d6: {  	v37 =	vmul.f32 v37, v32;
	v57 =	vld [tilespmem:s0+$0x10540];
	v47 =	vmul.f32 v47, v33;
	v40 =	vadd.f32 v49, v40;
	[tilespmem:s0+$0x4D20] =	vst v35  }
0x1d7: {  	v31 =	vmul.f32 v31, v32;
	v58 =	vld [tilespmem:s0+$0x10530];
	v43 =	vmul.f32 v60, v33;
	v39 =	vadd.f32 v48, v39;
	[tilespmem:s0+$0x5110] =	vst v42  }
0x1d8: {  	v38 =	vmul.f32 v38, v32;
	v50 =	vld [tilespmem:s0+$0x10930];
	v63 =	vmul.f32 v53, v33;
	v37 =	vadd.f32 v47, v37;
	[tilespmem:s0+$0x4D70] =	vst v40  }
0x1d9: {  	v36 =	vmul.f32 v36, v32;
	v60 =	vld [tilespmem:s0+$0x10510];
	v46 =	vmul.f32 v46, v33;
	v31 =	vadd.f32 v43, v31;
	[tilespmem:s0+$0x4D60] =	vst v39  }
0x1da: {  	v34 =	vmul.f32 v34, v32;
	v52 =	vld [tilespmem:s0+$0x10910];
	v44 =	vmul.f32 v59, v33;
	v38 =	vadd.f32 v63, v38;
	[tilespmem:s0+$0x4D40] =	vst v37  }
0x1db: {  	v29 =	vmul.f32 v29, v32;
	v45 =	vld [tilespmem:s0+$0x5540];
	v41 =	vmul.f32 v62, v33;
	v36 =	vadd.f32 v46, v36;
	[tilespmem:s0+$0x4D00] =	vst v31  }
0x1dc: {  	v21 =	vmul.f32 v21, v32;
	v48 =	vld [tilespmem:s0+$0x10950];
	v62 =	vmul.f32 v55, v33;
	v34 =	vadd.f32 v44, v34;
	[tilespmem:s0+$0x4D50] =	vst v38  }
0x1dd: {  	v30 =	vmul.f32 v30, v32;
	v49 =	vld [tilespmem:s0+$0x10940];
	v42 =	vmul.f32 v61, v33;
	v29 =	vadd.f32 v41, v29;
	[tilespmem:s0+$0x4D30] =	vst v36  }
0x1de: {  	v16 =	vmul.f32 v16, v32;
	v51 =	vld [tilespmem:s0+$0x10920];
	v21 =	vadd.f32 v62, v21;
	v41 =	vmul.f32 v60, v33;
	[tilespmem:s0+$0x4D10] =	vst v34  }
0x1df: {  	v26 =	vmul.f32 v26, v32;
	v53 =	vld [tilespmem:s0+$0x10900];
	v30 =	vadd.f32 v42, v30;
	[tilespmem:s0+$0x4960] =	vst v29;
	v38 =	vmul.f32 v50, v33  }
0x1e0: {  	v24 =	vmul.f32 v24, v32;
	v59 =	vld [tilespmem:s0+$0x10520];
	v36 =	vmul.f32 v52, v33;
	[tilespmem:s0+$0x4560] =	vst v21;
	v16 =	vadd.f32 v41, v16  }
0x1e1: {  	v22 =	vmul.f32 v22, v32;
	v43 =	vld [tilespmem:s0+$0x11570];
	v34 =	vmul.f32 v54, v33;
	[tilespmem:s0+$0x4970] =	vst v30;
	v26 =	vadd.f32 v38, v26  }
0x1e2: {  	v28 =	vmul.f32 v28, v32;
	v61 =	vld [tilespmem:s0+$0x10500];
	v40 =	vmul.f32 v48, v33;
	v24 =	vadd.f32 v36, v24;
	[tilespmem:s0+$0x4510] =	vst v16  }
0x1e3: {  	v27 =	vmul.f32 v27, v32;
	v63 =	vld [tilespmem:s0+$0x10170];
	v39 =	vmul.f32 v49, v33;
	v22 =	vadd.f32 v34, v22;
	[tilespmem:s0+$0x4930] =	vst v26  }
0x1e4: {  	v25 =	vmul.f32 v25, v32;
	v46 =	vld [tilespmem:s0+$0x5550];
	v37 =	vmul.f32 v51, v33;
	v28 =	vadd.f32 v40, v28;
	[tilespmem:s0+$0x4910] =	vst v24  }
0x1e5: {  	v23 =	vmul.f32 v23, v32;
	v50 =	vld [tilespmem:s0+$0x10100];
	v35 =	vmul.f32 v53, v33;
	v27 =	vadd.f32 v39, v27;
	[tilespmem:s0+$0x4570] =	vst v22  }
0x1e6: {  	v20 =	vmul.f32 v20, v32;
	v48 =	vld [tilespmem:s0+$0x5560];
	v30 =	vmul.f32 v56, v33;
	v25 =	vadd.f32 v37, v25;
	[tilespmem:s0+$0x4950] =	vst v28  }
0x1e7: {  	v19 =	vmul.f32 v19, v32;
	v51 =	vld [tilespmem:s0+$0x4100];
	v23 =	vadd.f32 v35, v23;
	v35 =	vmul.f32 v57, v33;
	[tilespmem:s0+$0x4940] =	vst v27  }
0x1e8: {  	v18 =	vmul.f32 v18, v32;
	v34 =	vld [tilespmem:s0+$0x10160];
	v37 =	vmul.f32 v58, v33;
	v20 =	vadd.f32 v30, v20;
	[tilespmem:s0+$0x4920] =	vst v25  }
0x1e9: {  	v17 =	vmul.f32 v17, v32;
	v36 =	vld [tilespmem:s0+$0x11540];
	v39 =	vmul.f32 v59, v33;
	[tilespmem:s0+$0x4900] =	vst v23;
	v19 =	vadd.f32 v35, v19  }
0x1ea: {  	v15 =	vmul.f32 v15, v32;
	v38 =	vld [tilespmem:s0+$0x11550];
	v42 =	vmul.f32 v61, v33;
	v18 =	vadd.f32 v37, v18;
	[tilespmem:s0+$0x4550] =	vst v20  }
0x1eb: {  	v14 =	vmul.f32 v14, v32;
	v40 =	vld [tilespmem:s0+$0x11560];
	v44 =	vmul.f32 v63, v33;
	v17 =	vadd.f32 v39, v17;
	[tilespmem:s0+$0x4540] =	vst v19  }
0x1ec: {  	v49 =	vld [tilespmem:s0+$0x5570];
	v15 =	vadd.f32 v42, v15;
	v10 =	vmul.f32 v50, v33;
	v61 =	vmul.f32 v51, v32;
	[tilespmem:s0+$0x4530] =	vst v18  }
0x1ed: {  	v13 =	vmul.f32 v13, v32;
	v14 =	vadd.f32 v44, v14;
	[tilespmem:s0+$0x4520] =	vst v17;
	v47 =	vmul.f32 v34, v33  }
0x1ee: {  	v52 =	vmul.f32 v45, v32;
	[tilespmem:s0+$0x4500] =	vst v15;
	v53 =	vmul.f32 v36, v33;
	v63 =	vadd.f32 v10, v61  }
0x1ef: {  	v54 =	vmul.f32 v46, v32;
	[tilespmem:s0+$0x4170] =	vst v14;
	v55 =	vmul.f32 v38, v33;
	v13 =	vadd.f32 v47, v13  }
0x1f0: {  	v56 =	vmul.f32 v48, v32;
	v58 =	vmul.f32 v40, v33;
	v57 =	vadd.f32 v53, v52;
	[tilespmem:s0+$0x4100] =	vst v63  }
0x1f1: {  	v60 =	vmul.f32 v43, v33;
	v59 =	vmul.f32 v49, v32;
	v3 =	vadd.f32 v55, v54;
	[tilespmem:s0+$0x4160] =	vst v13  }
0x1f2: {  	v62 =	vadd.f32 v58, v56;
	[tilespmem:s0+$0x5540] =	vst v57  }
0x1f3: {  	s29 =	sadd.s32 $0x1, s29;
	[tilespmem:s0+$0x5550] =	vst v3;
	v3 =	vadd.f32 v60, v59  }
0x1f4: {  	p0 =	sne.s32 s29, s11;
	[tilespmem:s0+$0x5560] =	vst v62  }
.Ltmp1:
0x1f5: {  	[tilespmem:s0+$0x5570] =	vst v3;
	(pc) =	sbr.rel @p0 .LBB2_1-.Ltmp1, $4  }
0x1f6: {  	[hbm4b:s10+s2] =	stream.linear.scatter [tilespmem:s15], [sflag:$0x3], $0xC000, $0x38;
	[tilespmem:$0x1C100] =	vst v63  }
0x1f7: {  	_ =	swait.ge [sflag:s28], $0xC000  }
0x1f8: {  	[sflag:s28] =	ssyncset.done $0x0  }
0x1f9: {  	[sflag:s28] =	ssyncadd.s32 $0xFFFF4000  }
0x1fa: {  	_ =	sfence.sel $0x180000  }
0x1fb: {  	[bflag:$0x0] =	sbarrier.arrive $0xFFFF  }
0x1fc: {  	_ =	strace $0x9000004A  }
0x1fd: {  	s0 =	stileid.u32;
	[bflag:$0x2] =	sbarrier.arrive $0xFFFF  }
0x1fe: {  	p0 =	sne.s32 s0, $0x0;
	s0 =	rddreg [dreg:$0x2]  }
0x1ff: {  	s0 =	sadd.s32 @!p0 $0x100000, s0  }
0x200: {  	[sflag:s0] =	ssyncadd.tile.s32 @!p0 $0x1;
	_ =	shalt  }
.Lfunc_end2:
_tile_overlayer_lowered:
.L_overlay_start_2:
0x201: {  	(tag) =	ssettag $0x2  }
0x202: {  	s0 =	rddreg [dreg:$0x0];
	s2 =	stileid.u32  }
0x203: {  	s1 =	rddreg [dreg:$0x1];
	p0 =	sne.s32 s2, $0x0  }
0x204: {  	s3 =	rddreg [dreg:$0x2];
	[bflag:$0x3] =	sbarrier.arrive $0xFFFF;
	s2 =	simm.s32 @!p0 $0x1C03  }
0x205: {  	[timem:s3], [sflag:s2] =	dma.local @!p0 [hbm:s0], s1  }
0x206: {  	s0 =	simm.s32 @!p0 $0x3  }
0x207: {  	_ =	swait.ge @!p0 [sflag:s0], s1  }
0x208: {  	s1 =	ssub.s32 @!p0 $0x0, s1;
	[sflag:s0] =	ssyncset.done @!p0 $0x0  }
0x209: {  	[sflag:s0] =	ssyncadd.s32 @!p0 s1  }
0x20a: {  	[bflag:$0x3] =	sbarrier.arrive $0xFFFF  }
0x20b: {  	_ =	shalt  }

</sc_bundles>
